<compile_context>
chip_gen: v7x
topology: tpu7x:2x2x1
jax: 0.10.2.dev20260603
libtpu: 0.0.44.dev20260713+nightly
codegen_flags: <defaults>
</compile_context>

<pallas_src>
import functools

import jax
import jax.numpy as jnp
from jax import lax
from jax.experimental import pallas as pl
from jax.experimental.pallas import tpu as pltpu
from jax.experimental.pallas import tpu_sc as plsc

DVEC = 64
SENT = 50
XP = 64
NC, NS, LANES = 2, 16, 16
NW = NC * NS


def _table_body(emb_ref, learn_ref, fixed_ref, cooc_ref, s_ref, x_ref):
    x_ref[...] = jnp.zeros_like(x_ref)
    x = jax.nn.softmax(emb_ref[...], axis=-1) * learn_ref[...] + fixed_ref[...]
    x_ref[pl.ds(0, SENT), :] = x
    xp = x_ref[pl.ds(0, XP), :]
    for o in range(3):
        t = lax.dot_general(xp, cooc_ref[o], (((1,), (0,)), ((), ())),
                            preferred_element_type=jnp.float32)
        s_ref[o] = lax.dot_general(t, x_ref[...], (((1,), (1,)), ((), ())),
                                   preferred_element_type=jnp.float32)


def _score_table(emb_rows, learn_rows, fixed_rows, cooc):
    return pl.pallas_call(
        _table_body,
        in_specs=[
            pl.BlockSpec((SENT, DVEC), lambda: (0, 0)),
            pl.BlockSpec((SENT, 1), lambda: (0, 0)),
            pl.BlockSpec((SENT, DVEC), lambda: (0, 0)),
            pl.BlockSpec((3, DVEC, DVEC), lambda: (0, 0, 0)),
        ],
        out_specs=pl.BlockSpec((3, XP, 128), lambda: (0, 0, 0)),
        out_shape=jax.ShapeDtypeStruct((3, XP, 128), jnp.float32),
        scratch_shapes=[pltpu.VMEM((128, DVEC), jnp.float32)],
    )(emb_rows, learn_rows[:, None], fixed_rows, cooc)


def _make_sc_kernel(k, n1):
    per_w = k // NW
    ch = per_w // LANES
    mesh = plsc.VectorSubcoreMesh(core_axis_name="c", subcore_axis_name="s")

    @functools.partial(
        pl.kernel,
        out_type=jax.ShapeDtypeStruct((k,), jnp.float32),
        mesh=mesh,
        compiler_params=pltpu.CompilerParams(needs_layout_passes=False),
        scratch_types=[
            pltpu.VMEM((3 * XP * 128,), jnp.float32),
            pltpu.VMEM((per_w * n1,), jnp.int32),
            pltpu.VMEM((4 * SENT * LANES,), jnp.int32),
            pltpu.VMEM((per_w,), jnp.float32),
        ],
    )
    def sc_kernel(s_hbm, code_hbm, out_hbm, s_v, code_v, ptr_v, sc_v):
        w = lax.axis_index("s") * NC + lax.axis_index("c")
        pltpu.sync_copy(s_hbm, s_v)
        pltpu.sync_copy(code_hbm.at[pl.ds(w * per_w * n1, per_w * n1)], code_v)
        lanes = lax.iota(jnp.int32, LANES)
        lanes_n1 = lanes * n1
        sl = SENT * LANES
        NI = 4
        for j in range(0, ch, NI):
            for s in range(SENT):
                splat = jnp.full((LANES,), s, jnp.int32)
                for q in range(NI):
                    plsc.store_scatter(ptr_v, [q * sl + s * LANES + lanes], splat)

            def step(i, accs, j=j):
                out = []
                for q in range(NI):
                    c = plsc.load_gather(code_v, [((j + q) * LANES * n1 + i) + lanes_n1])
                    av = c & 63
                    fv = (c >> 6) & 63
                    op = c >> 12
                    pf = plsc.load_gather(ptr_v, [q * sl + fv * LANES + lanes])
                    pa = plsc.load_gather(ptr_v, [q * sl + av * LANES + lanes])
                    v = plsc.load_gather(s_v, [(op << 13) + (pf << 7) + pa])
                    plsc.store_scatter(ptr_v, [q * sl + fv * LANES + lanes], pa,
                                       mask=op == 2)
                    out.append(accs[q] + v)
                return tuple(out)

            zero = jnp.zeros((LANES,), jnp.float32)
            accs = lax.fori_loop(0, n1, step, (zero,) * NI)
            for q in range(NI):
                plsc.store_scatter(sc_v, [(j + q) * LANES + lanes], accs[q])
        pltpu.sync_copy(sc_v, out_hbm.at[pl.ds(w * per_w, per_w)])

    return sc_kernel


def kernel(emb_weight, learn_vectors, fixed_vectors, cooc, ids, ops, ix_func, ix_arg):
    onehot = (ids[:, None] == jnp.arange(emb_weight.shape[0])[None, :]).astype(jnp.float32)
    hi = jax.lax.Precision.HIGH
    emb_rows = jnp.matmul(onehot, emb_weight, precision=hi)
    fixed_rows = jnp.matmul(onehot, fixed_vectors, precision=hi)
    learn_rows = jnp.take(learn_vectors, ids, axis=0)
    s_pad = _score_table(emb_rows, learn_rows, fixed_rows, cooc)
    k, n1 = ops.shape
    code = (ops << 12) | (ix_func << 6) | ix_arg
    sc_fn = _make_sc_kernel(k, n1)
    return sc_fn(s_pad.reshape(3 * XP * 128), code.reshape(-1))

# --- scband reference (transcript-rebuilt; emitter-appended) ---
"""Pipeline reference for scband-inducer-28870770164393 (READ-ONLY COPY).

The authoritative reference and input builder live on the scoring server;
editing this copy changes nothing except your own understanding.
"""

import jax, jax.numpy as jnp
import numpy as np

TINY = 1e-09
VOCAB = 100000
DVEC = 64
SENT_LEN = 50
K = 4096


def _build_schedule(seed, k, n):
    # Replays Inducer.get_op_normalization_constant's stochastic control flow:
    # ops ~ randint(3); (ix_func, ix_arg) ~ multinomial over currently-available
    # slots without replacement; ix_arg is consumed (scatter of available mask).
    rng = np.random.default_rng(seed)
    ops = rng.integers(0, 3, size=(k, n - 1)).astype(np.int64)
    ix_func = np.zeros((k, n - 1), dtype=np.int64)
    ix_arg = np.zeros((k, n - 1), dtype=np.int64)
    avail = np.ones((k, n), dtype=bool)
    for i in range(n - 1):
        keys = rng.random((k, n))
        keys[~avail] = -1.0
        top2 = np.argsort(-keys, axis=1)[:, :2]
        ix_func[:, i] = top2[:, 0]
        ix_arg[:, i] = top2[:, 1]
        avail[np.arange(k), top2[:, 1]] = False
    return ops, ix_func, ix_arg


def setup_inputs(seed: int = 0) -> dict:
    key = jax.random.key(seed)
    k_ids, k_emb, k_learn, k_fixed, k_cooc = jax.random.split(key, 5)
    ids = jax.random.randint(k_ids, (SENT_LEN,), 0, VOCAB, dtype=jnp.int32)
    emb_weight = jax.random.normal(k_emb, (VOCAB, DVEC), dtype=jnp.float32) * 0.02
    learn_vectors = jax.random.uniform(k_learn, (VOCAB,), dtype=jnp.float32)
    fixed_vectors = jax.random.normal(k_fixed, (VOCAB, DVEC), dtype=jnp.float32)
    cooc = jax.random.normal(k_cooc, (3, DVEC, DVEC), dtype=jnp.float32) * 0.05
    ops, ix_func, ix_arg = _build_schedule(0, K, SENT_LEN)
    return {
        'emb_weight': emb_weight,
        'learn_vectors': learn_vectors,
        'fixed_vectors': fixed_vectors,
        'cooc': cooc,
        'ids': ids,
        'ops': jnp.asarray(ops, dtype=jnp.int32),
        'ix_func': jnp.asarray(ix_func, dtype=jnp.int32),
        'ix_arg': jnp.asarray(ix_arg, dtype=jnp.int32),
    }


def _vectorize_sentence(ids, emb_weight, learn_vectors, fixed_vectors):
    # learned_vec = softmax(emb(ids)); learn = learn_vectors.gather(0, ids)[:,None]
    # fixed_vec = fixed_vectors.gather(0, ids.repeat) ; combined = learned*learn + fixed
    learned_vec = jax.nn.softmax(jnp.take(emb_weight, ids, axis=0), axis=1)
    learn = jnp.take(learn_vectors, ids, axis=0)[:, None]
    fixed_vec = jnp.take(fixed_vectors, ids, axis=0)
    return learned_vec * learn + fixed_vec


def _op_norm_scores(x, cooc, ops, ix_func, ix_arg):
    # Faithful replay of get_op_normalization_constant's gather/scatter chart
    # updates with the stochastic schedule precomputed in setup_inputs.
    n, d = x.shape
    k = ops.shape[0]
    rows = jnp.arange(k)
    flags = jnp.zeros((k, n, 2), dtype=x.dtype)
    vecs = jnp.concatenate([jnp.broadcast_to(x[None], (k, n, d)), flags], axis=2)
    scores = jnp.zeros((k,), dtype=x.dtype)
    legal = jnp.ones((k,), dtype=bool)
    for i in range(n - 1):
        f = ix_func[:, i]
        a = ix_arg[:, i]
        op = ops[:, i]
        vf = vecs[rows, f]  # gather [k, d+2]
        va = vecs[rows, a]
        # CoocOpModel.forward_no_flags: bilinear per-operation score
        all_op_scores = jnp.einsum('kd,ode,ke->ko', vf[:, :d], cooc, va[:, :d])
        scores = scores + jnp.take_along_axis(all_op_scores, op[:, None], axis=1)[:, 0]
        is_arg1 = op == 0
        is_arg2 = op == 1
        is_mod = op == 2
        f_arg1 = vf[:, d] > 0.5
        f_arg2 = vf[:, d + 1] > 0.5
        new_arg1 = (is_arg1 | f_arg1).astype(x.dtype)
        new_arg2 = (is_arg2 | f_arg2).astype(x.dtype)
        bad = (is_arg1 & f_arg1) | (is_arg2 & f_arg1) | (is_arg2 & f_arg2)
        legal = legal & jnp.logical_not(bad)
        prop_func = (is_arg1 | is_arg2).astype(x.dtype)[:, None]
        prop_arg = is_mod.astype(x.dtype)[:, None]
        vf2 = jnp.concatenate([vf[:, :d], new_arg1[:, None], new_arg2[:, None]], axis=1)
        composed = prop_func * vf2 + prop_arg * va
        vecs = vecs.at[rows, f].set(composed)  # scatter-overwrite into chart memory
    return scores, legal


def reference(emb_weight, learn_vectors, fixed_vectors, cooc, ids, ops, ix_func, ix_arg):
    x = _vectorize_sentence(ids, emb_weight, learn_vectors, fixed_vectors)
    scores, legal = _op_norm_scores(x, cooc, ops, ix_func, ix_arg)
    return scores

if __name__ == "__main__":
    import jax
    _d = setup_inputs()
    print(jax.jit(kernel)(*tuple(_d.values())))

</pallas_src>

<mosaic_0001>
#map = affine_map<(d0, d1) -> (0)>
module attributes {stable_mosaic.version = 14 : i64} {
  func.func @sc_kernel(%arg0: i32, %arg1: i32, %arg2: memref<24576xf32, #tpu.memory_space<hbm>>, %arg3: memref<200704xi32, #tpu.memory_space<hbm>>, %arg4: memref<4096xf32, #tpu.memory_space<hbm>>, %arg5: memref<24576xf32, #tpu.memory_space<vmem>>, %arg6: memref<6272xi32, #tpu.memory_space<vmem>>, %arg7: memref<3200xi32, #tpu.memory_space<vmem>>, %arg8: memref<128xf32, #tpu.memory_space<vmem>>) attributes {dimension_semantics = [#tpu.dimension_semantics<core_parallel>, #tpu.dimension_semantics<subcore_parallel>], iteration_bounds = array<i64: 2, 16>, scalar_prefetch = 0 : i64, scratch_operands = 4 : i64, tpu.core_type = #tpu.core_type<sc_vector_subcore>, window_params = [{transform_indices = #map}, {transform_indices = #map}, {transform_indices = #map}]} {
    %mul3A = arith.constant 2 : i32
    %mul3A_0 = arith.muli %arg1, %mul3A : i32
    %add3A = arith.addi %mul3A_0, %arg0 : i32
    "tpu.region"() ({
      %run_scoped3A = tpu.sem_alloc : memref<!tpu.dma_semaphore, #tpu.memory_space<semaphore_mem>>
      tpu.enqueue_dma source(%arg2 : memref<24576xf32, #tpu.memory_space<hbm>>) target(%arg5 : memref<24576xf32, #tpu.memory_space<vmem>>) target_semaphore(%run_scoped3A : memref<!tpu.dma_semaphore, #tpu.memory_space<semaphore_mem>>)
      tpu.wait_dma2 semaphore(%run_scoped3A : memref<!tpu.dma_semaphore, #tpu.memory_space<semaphore_mem>>) src(%arg2 : memref<24576xf32, #tpu.memory_space<hbm>>) dst(%arg5 : memref<24576xf32, #tpu.memory_space<vmem>>)
      tpu.yield
    }) : () -> ()
    %mul3A_1 = arith.constant 128 : i32
    %mul3A_2 = arith.muli %add3A, %mul3A_1 : i32
    %mul3A_3 = arith.constant 49 : i32
    %mul3A_4 = arith.muli %mul3A_2, %mul3A_3 : i32
    "tpu.region"() ({
      %run_scoped3A = tpu.sem_alloc : memref<!tpu.dma_semaphore, #tpu.memory_space<semaphore_mem>>
      %dma_start3A = tpu.memref_slice %arg3[%mul3A_4] : memref<200704xi32, #tpu.memory_space<hbm>> -> memref<6272xi32, #tpu.memory_space<hbm>>
      %dma_start3A_1448 = tpu.memref_slice %arg3[%mul3A_4] : memref<200704xi32, #tpu.memory_space<hbm>> -> memref<6272xi32, #tpu.memory_space<hbm>>
      tpu.enqueue_dma source(%dma_start3A_1448 : memref<6272xi32, #tpu.memory_space<hbm>>) target(%arg6 : memref<6272xi32, #tpu.memory_space<vmem>>) target_semaphore(%run_scoped3A : memref<!tpu.dma_semaphore, #tpu.memory_space<semaphore_mem>>)
      %dma_wait3A = tpu.memref_slice %arg3[%mul3A_4] : memref<200704xi32, #tpu.memory_space<hbm>> -> memref<6272xi32, #tpu.memory_space<hbm>>
      %dma_wait3A_1449 = tpu.memref_slice %arg3[%mul3A_4] : memref<200704xi32, #tpu.memory_space<hbm>> -> memref<6272xi32, #tpu.memory_space<hbm>>
      tpu.wait_dma2 semaphore(%run_scoped3A : memref<!tpu.dma_semaphore, #tpu.memory_space<semaphore_mem>>) src(%dma_wait3A_1449 : memref<6272xi32, #tpu.memory_space<hbm>>) dst(%arg6 : memref<6272xi32, #tpu.memory_space<vmem>>)
      tpu.yield
    }) : () -> ()
    %iota3A = tpu.iota {dimensions = array<i32: 0>} : vector<16xi32>
    %mul3A_5 = arith.constant 49 : i32
    %mul3A_6 = vector.broadcast %mul3A_5 : i32 to vector<16xi32>
    %mul3A_7 = arith.muli %iota3A, %mul3A_6 : vector<16xi32>
    %broadcast_in_dim3A = arith.constant 0 : i32
    %broadcast_in_dim3A_8 = vector.broadcast %broadcast_in_dim3A : i32 to vector<16xi32>
    %add3A_9 = arith.constant 0 : i32
    %add3A_10 = vector.broadcast %add3A_9 : i32 to vector<16xi32>
    %add3A_11 = arith.addi %add3A_10, %iota3A : vector<16xi32>
    tpu.vector_store_idx %arg7[%add3A_11], %broadcast_in_dim3A_8 : memref<3200xi32, #tpu.memory_space<vmem>>[vector<16xi32>], vector<16xi32>,
    %add3A_12 = arith.constant 800 : i32
    %add3A_13 = vector.broadcast %add3A_12 : i32 to vector<16xi32>
    %add3A_14 = arith.addi %add3A_13, %iota3A : vector<16xi32>
    tpu.vector_store_idx %arg7[%add3A_14], %broadcast_in_dim3A_8 : memref<3200xi32, #tpu.memory_space<vmem>>[vector<16xi32>], vector<16xi32>,
    %add3A_15 = arith.constant 1600 : i32
    %add3A_16 = vector.broadcast %add3A_15 : i32 to vector<16xi32>
    %add3A_17 = arith.addi %add3A_16, %iota3A : vector<16xi32>
    tpu.vector_store_idx %arg7[%add3A_17], %broadcast_in_dim3A_8 : memref<3200xi32, #tpu.memory_space<vmem>>[vector<16xi32>], vector<16xi32>,
    %add3A_18 = arith.constant 2400 : i32
    %add3A_19 = vector.broadcast %add3A_18 : i32 to vector<16xi32>
    %add3A_20 = arith.addi %add3A_19, %iota3A : vector<16xi32>
    tpu.vector_store_idx %arg7[%add3A_20], %broadcast_in_dim3A_8 : memref<3200xi32, #tpu.memory_space<vmem>>[vector<16xi32>], vector<16xi32>,
    %broadcast_in_dim3A_21 = arith.constant 1 : i32
    %broadcast_in_dim3A_22 = vector.broadcast %broadcast_in_dim3A_21 : i32 to vector<16xi32>
    %add3A_23 = arith.constant 16 : i32
    %add3A_24 = vector.broadcast %add3A_23 : i32 to vector<16xi32>
    %add3A_25 = arith.addi %add3A_24, %iota3A : vector<16xi32>
    tpu.vector_store_idx %arg7[%add3A_25], %broadcast_in_dim3A_22 : memref<3200xi32, #tpu.memory_space<vmem>>[vector<16xi32>], vector<16xi32>,
    %add3A_26 = arith.constant 816 : i32
    %add3A_27 = vector.broadcast %add3A_26 : i32 to vector<16xi32>
    %add3A_28 = arith.addi %add3A_27, %iota3A : vector<16xi32>
    tpu.vector_store_idx %arg7[%add3A_28], %broadcast_in_dim3A_22 : memref<3200xi32, #tpu.memory_space<vmem>>[vector<16xi32>], vector<16xi32>,
    %add3A_29 = arith.constant 1616 : i32
    %add3A_30 = vector.broadcast %add3A_29 : i32 to vector<16xi32>
    %add3A_31 = arith.addi %add3A_30, %iota3A : vector<16xi32>
    tpu.vector_store_idx %arg7[%add3A_31], %broadcast_in_dim3A_22 : memref<3200xi32, #tpu.memory_space<vmem>>[vector<16xi32>], vector<16xi32>,
    %add3A_32 = arith.constant 2416 : i32
    %add3A_33 = vector.broadcast %add3A_32 : i32 to vector<16xi32>
    %add3A_34 = arith.addi %add3A_33, %iota3A : vector<16xi32>
    tpu.vector_store_idx %arg7[%add3A_34], %broadcast_in_dim3A_22 : memref<3200xi32, #tpu.memory_space<vmem>>[vector<16xi32>], vector<16xi32>,
    %broadcast_in_dim3A_35 = arith.constant 2 : i32
    %broadcast_in_dim3A_36 = vector.broadcast %broadcast_in_dim3A_35 : i32 to vector<16xi32>
    %add3A_37 = arith.constant 32 : i32
    %add3A_38 = vector.broadcast %add3A_37 : i32 to vector<16xi32>
    %add3A_39 = arith.addi %add3A_38, %iota3A : vector<16xi32>
    tpu.vector_store_idx %arg7[%add3A_39], %broadcast_in_dim3A_36 : memref<3200xi32, #tpu.memory_space<vmem>>[vector<16xi32>], vector<16xi32>,
    %add3A_40 = arith.constant 832 : i32
    %add3A_41 = vector.broadcast %add3A_40 : i32 to vector<16xi32>
    %add3A_42 = arith.addi %add3A_41, %iota3A : vector<16xi32>
    tpu.vector_store_idx %arg7[%add3A_42], %broadcast_in_dim3A_36 : memref<3200xi32, #tpu.memory_space<vmem>>[vector<16xi32>], vector<16xi32>,
    %add3A_43 = arith.constant 1632 : i32
    %add3A_44 = vector.broadcast %add3A_43 : i32 to vector<16xi32>
    %add3A_45 = arith.addi %add3A_44, %iota3A : vector<16xi32>
    tpu.vector_store_idx %arg7[%add3A_45], %broadcast_in_dim3A_36 : memref<3200xi32, #tpu.memory_space<vmem>>[vector<16xi32>], vector<16xi32>,
    %add3A_46 = arith.constant 2432 : i32
    %add3A_47 = vector.broadcast %add3A_46 : i32 to vector<16xi32>
    %add3A_48 = arith.addi %add3A_47, %iota3A : vector<16xi32>
    tpu.vector_store_idx %arg7[%add3A_48], %broadcast_in_dim3A_36 : memref<3200xi32, #tpu.memory_space<vmem>>[vector<16xi32>], vector<16xi32>,
    %broadcast_in_dim3A_49 = arith.constant 3 : i32
    %broadcast_in_dim3A_50 = vector.broadcast %broadcast_in_dim3A_49 : i32 to vector<16xi32>
    %add3A_51 = arith.constant 48 : i32
    %add3A_52 = vector.broadcast %add3A_51 : i32 to vector<16xi32>
    %add3A_53 = arith.addi %add3A_52, %iota3A : vector<16xi32>
    tpu.vector_store_idx %arg7[%add3A_53], %broadcast_in_dim3A_50 : memref<3200xi32, #tpu.memory_space<vmem>>[vector<16xi32>], vector<16xi32>,
    %add3A_54 = arith.constant 848 : i32
    %add3A_55 = vector.broadcast %add3A_54 : i32 to vector<16xi32>
    %add3A_56 = arith.addi %add3A_55, %iota3A : vector<16xi32>
    tpu.vector_store_idx %arg7[%add3A_56], %broadcast_in_dim3A_50 : memref<3200xi32, #tpu.memory_space<vmem>>[vector<16xi32>], vector<16xi32>,
    %add3A_57 = arith.constant 1648 : i32
    %add3A_58 = vector.broadcast %add3A_57 : i32 to vector<16xi32>
    %add3A_59 = arith.addi %add3A_58, %iota3A : vector<16xi32>
    tpu.vector_store_idx %arg7[%add3A_59], %broadcast_in_dim3A_50 : memref<3200xi32, #tpu.memory_space<vmem>>[vector<16xi32>], vector<16xi32>,
    %add3A_60 = arith.constant 2448 : i32
    %add3A_61 = vector.broadcast %add3A_60 : i32 to vector<16xi32>
    %add3A_62 = arith.addi %add3A_61, %iota3A : vector<16xi32>
    tpu.vector_store_idx %arg7[%add3A_62], %broadcast_in_dim3A_50 : memref<3200xi32, #tpu.memory_space<vmem>>[vector<16xi32>], vector<16xi32>,
    %broadcast_in_dim3A_63 = arith.constant 4 : i32
    %broadcast_in_dim3A_64 = vector.broadcast %broadcast_in_dim3A_63 : i32 to vector<16xi32>
    %add3A_65 = arith.constant 64 : i32
    %add3A_66 = vector.broadcast %add3A_65 : i32 to vector<16xi32>
    %add3A_67 = arith.addi %add3A_66, %iota3A : vector<16xi32>
    tpu.vector_store_idx %arg7[%add3A_67], %broadcast_in_dim3A_64 : memref<3200xi32, #tpu.memory_space<vmem>>[vector<16xi32>], vector<16xi32>,
    %add3A_68 = arith.constant 864 : i32
    %add3A_69 = vector.broadcast %add3A_68 : i32 to vector<16xi32>
    %add3A_70 = arith.addi %add3A_69, %iota3A : vector<16xi32>
    tpu.vector_store_idx %arg7[%add3A_70], %broadcast_in_dim3A_64 : memref<3200xi32, #tpu.memory_space<vmem>>[vector<16xi32>], vector<16xi32>,
    %add3A_71 = arith.constant 1664 : i32
    %add3A_72 = vector.broadcast %add3A_71 : i32 to vector<16xi32>
    %add3A_73 = arith.addi %add3A_72, %iota3A : vector<16xi32>
    tpu.vector_store_idx %arg7[%add3A_73], %broadcast_in_dim3A_64 : memref<3200xi32, #tpu.memory_space<vmem>>[vector<16xi32>], vector<16xi32>,
    %add3A_74 = arith.constant 2464 : i32
    %add3A_75 = vector.broadcast %add3A_74 : i32 to vector<16xi32>
    %add3A_76 = arith.addi %add3A_75, %iota3A : vector<16xi32>
    tpu.vector_store_idx %arg7[%add3A_76], %broadcast_in_dim3A_64 : memref<3200xi32, #tpu.memory_space<vmem>>[vector<16xi32>], vector<16xi32>,
    %broadcast_in_dim3A_77 = arith.constant 5 : i32
    %broadcast_in_dim3A_78 = vector.broadcast %broadcast_in_dim3A_77 : i32 to vector<16xi32>
    %add3A_79 = arith.constant 80 : i32
    %add3A_80 = vector.broadcast %add3A_79 : i32 to vector<16xi32>
    %add3A_81 = arith.addi %add3A_80, %iota3A : vector<16xi32>
    tpu.vector_store_idx %arg7[%add3A_81], %broadcast_in_dim3A_78 : memref<3200xi32, #tpu.memory_space<vmem>>[vector<16xi32>], vector<16xi32>,
    %add3A_82 = arith.constant 880 : i32
    %add3A_83 = vector.broadcast %add3A_82 : i32 to vector<16xi32>
    %add3A_84 = arith.addi %add3A_83, %iota3A : vector<16xi32>
    tpu.vector_store_idx %arg7[%add3A_84], %broadcast_in_dim3A_78 : memref<3200xi32, #tpu.memory_space<vmem>>[vector<16xi32>], vector<16xi32>,
    %add3A_85 = arith.constant 1680 : i32
    %add3A_86 = vector.broadcast %add3A_85 : i32 to vector<16xi32>
    %add3A_87 = arith.addi %add3A_86, %iota3A : vector<16xi32>
    tpu.vector_store_idx %arg7[%add3A_87], %broadcast_in_dim3A_78 : memref<3200xi32, #tpu.memory_space<vmem>>[vector<16xi32>], vector<16xi32>,
    %add3A_88 = arith.constant 2480 : i32
    %add3A_89 = vector.broadcast %add3A_88 : i32 to vector<16xi32>
    %add3A_90 = arith.addi %add3A_89, %iota3A : vector<16xi32>
    tpu.vector_store_idx %arg7[%add3A_90], %broadcast_in_dim3A_78 : memref<3200xi32, #tpu.memory_space<vmem>>[vector<16xi32>], vector<16xi32>,
    %broadcast_in_dim3A_91 = arith.constant 6 : i32
    %broadcast_in_dim3A_92 = vector.broadcast %broadcast_in_dim3A_91 : i32 to vector<16xi32>
    %add3A_93 = arith.constant 96 : i32
    %add3A_94 = vector.broadcast %add3A_93 : i32 to vector<16xi32>
    %add3A_95 = arith.addi %add3A_94, %iota3A : vector<16xi32>
    tpu.vector_store_idx %arg7[%add3A_95], %broadcast_in_dim3A_92 : memref<3200xi32, #tpu.memory_space<vmem>>[vector<16xi32>], vector<16xi32>,
    %add3A_96 = arith.constant 896 : i32
    %add3A_97 = vector.broadcast %add3A_96 : i32 to vector<16xi32>
    %add3A_98 = arith.addi %add3A_97, %iota3A : vector<16xi32>
    tpu.vector_store_idx %arg7[%add3A_98], %broadcast_in_dim3A_92 : memref<3200xi32, #tpu.memory_space<vmem>>[vector<16xi32>], vector<16xi32>,
    %add3A_99 = arith.constant 1696 : i32
    %add3A_100 = vector.broadcast %add3A_99 : i32 to vector<16xi32>
    %add3A_101 = arith.addi %add3A_100, %iota3A : vector<16xi32>
    tpu.vector_store_idx %arg7[%add3A_101], %broadcast_in_dim3A_92 : memref<3200xi32, #tpu.memory_space<vmem>>[vector<16xi32>], vector<16xi32>,
    %add3A_102 = arith.constant 2496 : i32
    %add3A_103 = vector.broadcast %add3A_102 : i32 to vector<16xi32>
    %add3A_104 = arith.addi %add3A_103, %iota3A : vector<16xi32>
    tpu.vector_store_idx %arg7[%add3A_104], %broadcast_in_dim3A_92 : memref<3200xi32, #tpu.memory_space<vmem>>[vector<16xi32>], vector<16xi32>,
    %broadcast_in_dim3A_105 = arith.constant 7 : i32
    %broadcast_in_dim3A_106 = vector.broadcast %broadcast_in_dim3A_105 : i32 to vector<16xi32>
    %add3A_107 = arith.constant 112 : i32
    %add3A_108 = vector.broadcast %add3A_107 : i32 to vector<16xi32>
    %add3A_109 = arith.addi %add3A_108, %iota3A : vector<16xi32>
    tpu.vector_store_idx %arg7[%add3A_109], %broadcast_in_dim3A_106 : memref<3200xi32, #tpu.memory_space<vmem>>[vector<16xi32>], vector<16xi32>,
    %add3A_110 = arith.constant 912 : i32
    %add3A_111 = vector.broadcast %add3A_110 : i32 to vector<16xi32>
    %add3A_112 = arith.addi %add3A_111, %iota3A : vector<16xi32>
    tpu.vector_store_idx %arg7[%add3A_112], %broadcast_in_dim3A_106 : memref<3200xi32, #tpu.memory_space<vmem>>[vector<16xi32>], vector<16xi32>,
    %add3A_113 = arith.constant 1712 : i32
    %add3A_114 = vector.broadcast %add3A_113 : i32 to vector<16xi32>
    %add3A_115 = arith.addi %add3A_114, %iota3A : vector<16xi32>
    tpu.vector_store_idx %arg7[%add3A_115], %broadcast_in_dim3A_106 : memref<3200xi32, #tpu.memory_space<vmem>>[vector<16xi32>], vector<16xi32>,
    %add3A_116 = arith.constant 2512 : i32
    %add3A_117 = vector.broadcast %add3A_116 : i32 to vector<16xi32>
    %add3A_118 = arith.addi %add3A_117, %iota3A : vector<16xi32>
    tpu.vector_store_idx %arg7[%add3A_118], %broadcast_in_dim3A_106 : memref<3200xi32, #tpu.memory_space<vmem>>[vector<16xi32>], vector<16xi32>,
    %broadcast_in_dim3A_119 = arith.constant 8 : i32
    %broadcast_in_dim3A_120 = vector.broadcast %broadcast_in_dim3A_119 : i32 to vector<16xi32>
    %add3A_121 = arith.constant 128 : i32
    %add3A_122 = vector.broadcast %add3A_121 : i32 to vector<16xi32>
    %add3A_123 = arith.addi %add3A_122, %iota3A : vector<16xi32>
    tpu.vector_store_idx %arg7[%add3A_123], %broadcast_in_dim3A_120 : memref<3200xi32, #tpu.memory_space<vmem>>[vector<16xi32>], vector<16xi32>,
    %add3A_124 = arith.constant 928 : i32
    %add3A_125 = vector.broadcast %add3A_124 : i32 to vector<16xi32>
    %add3A_126 = arith.addi %add3A_125, %iota3A : vector<16xi32>
    tpu.vector_store_idx %arg7[%add3A_126], %broadcast_in_dim3A_120 : memref<3200xi32, #tpu.memory_space<vmem>>[vector<16xi32>], vector<16xi32>,
    %add3A_127 = arith.constant 1728 : i32
    %add3A_128 = vector.broadcast %add3A_127 : i32 to vector<16xi32>
    %add3A_129 = arith.addi %add3A_128, %iota3A : vector<16xi32>
    tpu.vector_store_idx %arg7[%add3A_129], %broadcast_in_dim3A_120 : memref<3200xi32, #tpu.memory_space<vmem>>[vector<16xi32>], vector<16xi32>,
    %add3A_130 = arith.constant 2528 : i32
    %add3A_131 = vector.broadcast %add3A_130 : i32 to vector<16xi32>
    %add3A_132 = arith.addi %add3A_131, %iota3A : vector<16xi32>
    tpu.vector_store_idx %arg7[%add3A_132], %broadcast_in_dim3A_120 : memref<3200xi32, #tpu.memory_space<vmem>>[vector<16xi32>], vector<16xi32>,
    %broadcast_in_dim3A_133 = arith.constant 9 : i32
    %broadcast_in_dim3A_134 = vector.broadcast %broadcast_in_dim3A_133 : i32 to vector<16xi32>
    %add3A_135 = arith.constant 144 : i32
    %add3A_136 = vector.broadcast %add3A_135 : i32 to vector<16xi32>
    %add3A_137 = arith.addi %add3A_136, %iota3A : vector<16xi32>
    tpu.vector_store_idx %arg7[%add3A_137], %broadcast_in_dim3A_134 : memref<3200xi32, #tpu.memory_space<vmem>>[vector<16xi32>], vector<16xi32>,
    %add3A_138 = arith.constant 944 : i32
    %add3A_139 = vector.broadcast %add3A_138 : i32 to vector<16xi32>
    %add3A_140 = arith.addi %add3A_139, %iota3A : vector<16xi32>
    tpu.vector_store_idx %arg7[%add3A_140], %broadcast_in_dim3A_134 : memref<3200xi32, #tpu.memory_space<vmem>>[vector<16xi32>], vector<16xi32>,
    %add3A_141 = arith.constant 1744 : i32
    %add3A_142 = vector.broadcast %add3A_141 : i32 to vector<16xi32>
    %add3A_143 = arith.addi %add3A_142, %iota3A : vector<16xi32>
    tpu.vector_store_idx %arg7[%add3A_143], %broadcast_in_dim3A_134 : memref<3200xi32, #tpu.memory_space<vmem>>[vector<16xi32>], vector<16xi32>,
    %add3A_144 = arith.constant 2544 : i32
    %add3A_145 = vector.broadcast %add3A_144 : i32 to vector<16xi32>
    %add3A_146 = arith.addi %add3A_145, %iota3A : vector<16xi32>
    tpu.vector_store_idx %arg7[%add3A_146], %broadcast_in_dim3A_134 : memref<3200xi32, #tpu.memory_space<vmem>>[vector<16xi32>], vector<16xi32>,
    %broadcast_in_dim3A_147 = arith.constant 10 : i32
    %broadcast_in_dim3A_148 = vector.broadcast %broadcast_in_dim3A_147 : i32 to vector<16xi32>
    %add3A_149 = arith.constant 160 : i32
    %add3A_150 = vector.broadcast %add3A_149 : i32 to vector<16xi32>
    %add3A_151 = arith.addi %add3A_150, %iota3A : vector<16xi32>
    tpu.vector_store_idx %arg7[%add3A_151], %broadcast_in_dim3A_148 : memref<3200xi32, #tpu.memory_space<vmem>>[vector<16xi32>], vector<16xi32>,
    %add3A_152 = arith.constant 960 : i32
    %add3A_153 = vector.broadcast %add3A_152 : i32 to vector<16xi32>
    %add3A_154 = arith.addi %add3A_153, %iota3A : vector<16xi32>
    tpu.vector_store_idx %arg7[%add3A_154], %broadcast_in_dim3A_148 : memref<3200xi32, #tpu.memory_space<vmem>>[vector<16xi32>], vector<16xi32>,
    %add3A_155 = arith.constant 1760 : i32
    %add3A_156 = vector.broadcast %add3A_155 : i32 to vector<16xi32>
    %add3A_157 = arith.addi %add3A_156, %iota3A : vector<16xi32>
    tpu.vector_store_idx %arg7[%add3A_157], %broadcast_in_dim3A_148 : memref<3200xi32, #tpu.memory_space<vmem>>[vector<16xi32>], vector<16xi32>,
    %add3A_158 = arith.constant 2560 : i32
    %add3A_159 = vector.broadcast %add3A_158 : i32 to vector<16xi32>
    %add3A_160 = arith.addi %add3A_159, %iota3A : vector<16xi32>
    tpu.vector_store_idx %arg7[%add3A_160], %broadcast_in_dim3A_148 : memref<3200xi32, #tpu.memory_space<vmem>>[vector<16xi32>], vector<16xi32>,
    %broadcast_in_dim3A_161 = arith.constant 11 : i32
    %broadcast_in_dim3A_162 = vector.broadcast %broadcast_in_dim3A_161 : i32 to vector<16xi32>
    %add3A_163 = arith.constant 176 : i32
    %add3A_164 = vector.broadcast %add3A_163 : i32 to vector<16xi32>
    %add3A_165 = arith.addi %add3A_164, %iota3A : vector<16xi32>
    tpu.vector_store_idx %arg7[%add3A_165], %broadcast_in_dim3A_162 : memref<3200xi32, #tpu.memory_space<vmem>>[vector<16xi32>], vector<16xi32>,
    %add3A_166 = arith.constant 976 : i32
    %add3A_167 = vector.broadcast %add3A_166 : i32 to vector<16xi32>
    %add3A_168 = arith.addi %add3A_167, %iota3A : vector<16xi32>
    tpu.vector_store_idx %arg7[%add3A_168], %broadcast_in_dim3A_162 : memref<3200xi32, #tpu.memory_space<vmem>>[vector<16xi32>], vector<16xi32>,
    %add3A_169 = arith.constant 1776 : i32
    %add3A_170 = vector.broadcast %add3A_169 : i32 to vector<16xi32>
    %add3A_171 = arith.addi %add3A_170, %iota3A : vector<16xi32>
    tpu.vector_store_idx %arg7[%add3A_171], %broadcast_in_dim3A_162 : memref<3200xi32, #tpu.memory_space<vmem>>[vector<16xi32>], vector<16xi32>,
    %add3A_172 = arith.constant 2576 : i32
    %add3A_173 = vector.broadcast %add3A_172 : i32 to vector<16xi32>
    %add3A_174 = arith.addi %add3A_173, %iota3A : vector<16xi32>
    tpu.vector_store_idx %arg7[%add3A_174], %broadcast_in_dim3A_162 : memref<3200xi32, #tpu.memory_space<vmem>>[vector<16xi32>], vector<16xi32>,
    %broadcast_in_dim3A_175 = arith.constant 12 : i32
    %broadcast_in_dim3A_176 = vector.broadcast %broadcast_in_dim3A_175 : i32 to vector<16xi32>
    %add3A_177 = arith.constant 192 : i32
    %add3A_178 = vector.broadcast %add3A_177 : i32 to vector<16xi32>
    %add3A_179 = arith.addi %add3A_178, %iota3A : vector<16xi32>
    tpu.vector_store_idx %arg7[%add3A_179], %broadcast_in_dim3A_176 : memref<3200xi32, #tpu.memory_space<vmem>>[vector<16xi32>], vector<16xi32>,
    %add3A_180 = arith.constant 992 : i32
    %add3A_181 = vector.broadcast %add3A_180 : i32 to vector<16xi32>
    %add3A_182 = arith.addi %add3A_181, %iota3A : vector<16xi32>
    tpu.vector_store_idx %arg7[%add3A_182], %broadcast_in_dim3A_176 : memref<3200xi32, #tpu.memory_space<vmem>>[vector<16xi32>], vector<16xi32>,
    %add3A_183 = arith.constant 1792 : i32
    %add3A_184 = vector.broadcast %add3A_183 : i32 to vector<16xi32>
    %add3A_185 = arith.addi %add3A_184, %iota3A : vector<16xi32>
    tpu.vector_store_idx %arg7[%add3A_185], %broadcast_in_dim3A_176 : memref<3200xi32, #tpu.memory_space<vmem>>[vector<16xi32>], vector<16xi32>,
    %add3A_186 = arith.constant 2592 : i32
    %add3A_187 = vector.broadcast %add3A_186 : i32 to vector<16xi32>
    %add3A_188 = arith.addi %add3A_187, %iota3A : vector<16xi32>
    tpu.vector_store_idx %arg7[%add3A_188], %broadcast_in_dim3A_176 : memref<3200xi32, #tpu.memory_space<vmem>>[vector<16xi32>], vector<16xi32>,
    %broadcast_in_dim3A_189 = arith.constant 13 : i32
    %broadcast_in_dim3A_190 = vector.broadcast %broadcast_in_dim3A_189 : i32 to vector<16xi32>
    %add3A_191 = arith.constant 208 : i32
    %add3A_192 = vector.broadcast %add3A_191 : i32 to vector<16xi32>
    %add3A_193 = arith.addi %add3A_192, %iota3A : vector<16xi32>
    tpu.vector_store_idx %arg7[%add3A_193], %broadcast_in_dim3A_190 : memref<3200xi32, #tpu.memory_space<vmem>>[vector<16xi32>], vector<16xi32>,
    %add3A_194 = arith.constant 1008 : i32
    %add3A_195 = vector.broadcast %add3A_194 : i32 to vector<16xi32>
    %add3A_196 = arith.addi %add3A_195, %iota3A : vector<16xi32>
    tpu.vector_store_idx %arg7[%add3A_196], %broadcast_in_dim3A_190 : memref<3200xi32, #tpu.memory_space<vmem>>[vector<16xi32>], vector<16xi32>,
    %add3A_197 = arith.constant 1808 : i32
    %add3A_198 = vector.broadcast %add3A_197 : i32 to vector<16xi32>
    %add3A_199 = arith.addi %add3A_198, %iota3A : vector<16xi32>
    tpu.vector_store_idx %arg7[%add3A_199], %broadcast_in_dim3A_190 : memref<3200xi32, #tpu.memory_space<vmem>>[vector<16xi32>], vector<16xi32>,
    %add3A_200 = arith.constant 2608 : i32
    %add3A_201 = vector.broadcast %add3A_200 : i32 to vector<16xi32>
    %add3A_202 = arith.addi %add3A_201, %iota3A : vector<16xi32>
    tpu.vector_store_idx %arg7[%add3A_202], %broadcast_in_dim3A_190 : memref<3200xi32, #tpu.memory_space<vmem>>[vector<16xi32>], vector<16xi32>,
    %broadcast_in_dim3A_203 = arith.constant 14 : i32
    %broadcast_in_dim3A_204 = vector.broadcast %broadcast_in_dim3A_203 : i32 to vector<16xi32>
    %add3A_205 = arith.constant 224 : i32
    %add3A_206 = vector.broadcast %add3A_205 : i32 to vector<16xi32>
    %add3A_207 = arith.addi %add3A_206, %iota3A : vector<16xi32>
    tpu.vector_store_idx %arg7[%add3A_207], %broadcast_in_dim3A_204 : memref<3200xi32, #tpu.memory_space<vmem>>[vector<16xi32>], vector<16xi32>,
    %add3A_208 = arith.constant 1024 : i32
    %add3A_209 = vector.broadcast %add3A_208 : i32 to vector<16xi32>
    %add3A_210 = arith.addi %add3A_209, %iota3A : vector<16xi32>
    tpu.vector_store_idx %arg7[%add3A_210], %broadcast_in_dim3A_204 : memref<3200xi32, #tpu.memory_space<vmem>>[vector<16xi32>], vector<16xi32>,
    %add3A_211 = arith.constant 1824 : i32
    %add3A_212 = vector.broadcast %add3A_211 : i32 to vector<16xi32>
    %add3A_213 = arith.addi %add3A_212, %iota3A : vector<16xi32>
    tpu.vector_store_idx %arg7[%add3A_213], %broadcast_in_dim3A_204 : memref<3200xi32, #tpu.memory_space<vmem>>[vector<16xi32>], vector<16xi32>,
    %add3A_214 = arith.constant 2624 : i32
    %add3A_215 = vector.broadcast %add3A_214 : i32 to vector<16xi32>
    %add3A_216 = arith.addi %add3A_215, %iota3A : vector<16xi32>
    tpu.vector_store_idx %arg7[%add3A_216], %broadcast_in_dim3A_204 : memref<3200xi32, #tpu.memory_space<vmem>>[vector<16xi32>], vector<16xi32>,
    %broadcast_in_dim3A_217 = arith.constant 15 : i32
    %broadcast_in_dim3A_218 = vector.broadcast %broadcast_in_dim3A_217 : i32 to vector<16xi32>
    %add3A_219 = arith.constant 240 : i32
    %add3A_220 = vector.broadcast %add3A_219 : i32 to vector<16xi32>
    %add3A_221 = arith.addi %add3A_220, %iota3A : vector<16xi32>
    tpu.vector_store_idx %arg7[%add3A_221], %broadcast_in_dim3A_218 : memref<3200xi32, #tpu.memory_space<vmem>>[vector<16xi32>], vector<16xi32>,
    %add3A_222 = arith.constant 1040 : i32
    %add3A_223 = vector.broadcast %add3A_222 : i32 to vector<16xi32>
    %add3A_224 = arith.addi %add3A_223, %iota3A : vector<16xi32>
    tpu.vector_store_idx %arg7[%add3A_224], %broadcast_in_dim3A_218 : memref<3200xi32, #tpu.memory_space<vmem>>[vector<16xi32>], vector<16xi32>,
    %add3A_225 = arith.constant 1840 : i32
    %add3A_226 = vector.broadcast %add3A_225 : i32 to vector<16xi32>
    %add3A_227 = arith.addi %add3A_226, %iota3A : vector<16xi32>
    tpu.vector_store_idx %arg7[%add3A_227], %broadcast_in_dim3A_218 : memref<3200xi32, #tpu.memory_space<vmem>>[vector<16xi32>], vector<16xi32>,
    %add3A_228 = arith.constant 2640 : i32
    %add3A_229 = vector.broadcast %add3A_228 : i32 to vector<16xi32>
    %add3A_230 = arith.addi %add3A_229, %iota3A : vector<16xi32>
    tpu.vector_store_idx %arg7[%add3A_230], %broadcast_in_dim3A_218 : memref<3200xi32, #tpu.memory_space<vmem>>[vector<16xi32>], vector<16xi32>,
    %broadcast_in_dim3A_231 = arith.constant 16 : i32
    %broadcast_in_dim3A_232 = vector.broadcast %broadcast_in_dim3A_231 : i32 to vector<16xi32>
    %add3A_233 = arith.constant 256 : i32
    %add3A_234 = vector.broadcast %add3A_233 : i32 to vector<16xi32>
    %add3A_235 = arith.addi %add3A_234, %iota3A : vector<16xi32>
    tpu.vector_store_idx %arg7[%add3A_235], %broadcast_in_dim3A_232 : memref<3200xi32, #tpu.memory_space<vmem>>[vector<16xi32>], vector<16xi32>,
    %add3A_236 = arith.constant 1056 : i32
    %add3A_237 = vector.broadcast %add3A_236 : i32 to vector<16xi32>
    %add3A_238 = arith.addi %add3A_237, %iota3A : vector<16xi32>
    tpu.vector_store_idx %arg7[%add3A_238], %broadcast_in_dim3A_232 : memref<3200xi32, #tpu.memory_space<vmem>>[vector<16xi32>], vector<16xi32>,
    %add3A_239 = arith.constant 1856 : i32
    %add3A_240 = vector.broadcast %add3A_239 : i32 to vector<16xi32>
    %add3A_241 = arith.addi %add3A_240, %iota3A : vector<16xi32>
    tpu.vector_store_idx %arg7[%add3A_241], %broadcast_in_dim3A_232 : memref<3200xi32, #tpu.memory_space<vmem>>[vector<16xi32>], vector<16xi32>,
    %add3A_242 = arith.constant 2656 : i32
    %add3A_243 = vector.broadcast %add3A_242 : i32 to vector<16xi32>
    %add3A_244 = arith.addi %add3A_243, %iota3A : vector<16xi32>
    tpu.vector_store_idx %arg7[%add3A_244], %broadcast_in_dim3A_232 : memref<3200xi32, #tpu.memory_space<vmem>>[vector<16xi32>], vector<16xi32>,
    %broadcast_in_dim3A_245 = arith.constant 17 : i32
    %broadcast_in_dim3A_246 = vector.broadcast %broadcast_in_dim3A_245 : i32 to vector<16xi32>
    %add3A_247 = arith.constant 272 : i32
    %add3A_248 = vector.broadcast %add3A_247 : i32 to vector<16xi32>
    %add3A_249 = arith.addi %add3A_248, %iota3A : vector<16xi32>
    tpu.vector_store_idx %arg7[%add3A_249], %broadcast_in_dim3A_246 : memref<3200xi32, #tpu.memory_space<vmem>>[vector<16xi32>], vector<16xi32>,
    %add3A_250 = arith.constant 1072 : i32
    %add3A_251 = vector.broadcast %add3A_250 : i32 to vector<16xi32>
    %add3A_252 = arith.addi %add3A_251, %iota3A : vector<16xi32>
    tpu.vector_store_idx %arg7[%add3A_252], %broadcast_in_dim3A_246 : memref<3200xi32, #tpu.memory_space<vmem>>[vector<16xi32>], vector<16xi32>,
    %add3A_253 = arith.constant 1872 : i32
    %add3A_254 = vector.broadcast %add3A_253 : i32 to vector<16xi32>
    %add3A_255 = arith.addi %add3A_254, %iota3A : vector<16xi32>
    tpu.vector_store_idx %arg7[%add3A_255], %broadcast_in_dim3A_246 : memref<3200xi32, #tpu.memory_space<vmem>>[vector<16xi32>], vector<16xi32>,
    %add3A_256 = arith.constant 2672 : i32
    %add3A_257 = vector.broadcast %add3A_256 : i32 to vector<16xi32>
    %add3A_258 = arith.addi %add3A_257, %iota3A : vector<16xi32>
    tpu.vector_store_idx %arg7[%add3A_258], %broadcast_in_dim3A_246 : memref<3200xi32, #tpu.memory_space<vmem>>[vector<16xi32>], vector<16xi32>,
    %broadcast_in_dim3A_259 = arith.constant 18 : i32
    %broadcast_in_dim3A_260 = vector.broadcast %broadcast_in_dim3A_259 : i32 to vector<16xi32>
    %add3A_261 = arith.constant 288 : i32
    %add3A_262 = vector.broadcast %add3A_261 : i32 to vector<16xi32>
    %add3A_263 = arith.addi %add3A_262, %iota3A : vector<16xi32>
    tpu.vector_store_idx %arg7[%add3A_263], %broadcast_in_dim3A_260 : memref<3200xi32, #tpu.memory_space<vmem>>[vector<16xi32>], vector<16xi32>,
    %add3A_264 = arith.constant 1088 : i32
    %add3A_265 = vector.broadcast %add3A_264 : i32 to vector<16xi32>
    %add3A_266 = arith.addi %add3A_265, %iota3A : vector<16xi32>
    tpu.vector_store_idx %arg7[%add3A_266], %broadcast_in_dim3A_260 : memref<3200xi32, #tpu.memory_space<vmem>>[vector<16xi32>], vector<16xi32>,
    %add3A_267 = arith.constant 1888 : i32
    %add3A_268 = vector.broadcast %add3A_267 : i32 to vector<16xi32>
    %add3A_269 = arith.addi %add3A_268, %iota3A : vector<16xi32>
    tpu.vector_store_idx %arg7[%add3A_269], %broadcast_in_dim3A_260 : memref<3200xi32, #tpu.memory_space<vmem>>[vector<16xi32>], vector<16xi32>,
    %add3A_270 = arith.constant 2688 : i32
    %add3A_271 = vector.broadcast %add3A_270 : i32 to vector<16xi32>
    %add3A_272 = arith.addi %add3A_271, %iota3A : vector<16xi32>
    tpu.vector_store_idx %arg7[%add3A_272], %broadcast_in_dim3A_260 : memref<3200xi32, #tpu.memory_space<vmem>>[vector<16xi32>], vector<16xi32>,
    %broadcast_in_dim3A_273 = arith.constant 19 : i32
    %broadcast_in_dim3A_274 = vector.broadcast %broadcast_in_dim3A_273 : i32 to vector<16xi32>
    %add3A_275 = arith.constant 304 : i32
    %add3A_276 = vector.broadcast %add3A_275 : i32 to vector<16xi32>
    %add3A_277 = arith.addi %add3A_276, %iota3A : vector<16xi32>
    tpu.vector_store_idx %arg7[%add3A_277], %broadcast_in_dim3A_274 : memref<3200xi32, #tpu.memory_space<vmem>>[vector<16xi32>], vector<16xi32>,
    %add3A_278 = arith.constant 1104 : i32
    %add3A_279 = vector.broadcast %add3A_278 : i32 to vector<16xi32>
    %add3A_280 = arith.addi %add3A_279, %iota3A : vector<16xi32>
    tpu.vector_store_idx %arg7[%add3A_280], %broadcast_in_dim3A_274 : memref<3200xi32, #tpu.memory_space<vmem>>[vector<16xi32>], vector<16xi32>,
    %add3A_281 = arith.constant 1904 : i32
    %add3A_282 = vector.broadcast %add3A_281 : i32 to vector<16xi32>
    %add3A_283 = arith.addi %add3A_282, %iota3A : vector<16xi32>
    tpu.vector_store_idx %arg7[%add3A_283], %broadcast_in_dim3A_274 : memref<3200xi32, #tpu.memory_space<vmem>>[vector<16xi32>], vector<16xi32>,
    %add3A_284 = arith.constant 2704 : i32
    %add3A_285 = vector.broadcast %add3A_284 : i32 to vector<16xi32>
    %add3A_286 = arith.addi %add3A_285, %iota3A : vector<16xi32>
    tpu.vector_store_idx %arg7[%add3A_286], %broadcast_in_dim3A_274 : memref<3200xi32, #tpu.memory_space<vmem>>[vector<16xi32>], vector<16xi32>,
    %broadcast_in_dim3A_287 = arith.constant 20 : i32
    %broadcast_in_dim3A_288 = vector.broadcast %broadcast_in_dim3A_287 : i32 to vector<16xi32>
    %add3A_289 = arith.constant 320 : i32
    %add3A_290 = vector.broadcast %add3A_289 : i32 to vector<16xi32>
    %add3A_291 = arith.addi %add3A_290, %iota3A : vector<16xi32>
    tpu.vector_store_idx %arg7[%add3A_291], %broadcast_in_dim3A_288 : memref<3200xi32, #tpu.memory_space<vmem>>[vector<16xi32>], vector<16xi32>,
    %add3A_292 = arith.constant 1120 : i32
    %add3A_293 = vector.broadcast %add3A_292 : i32 to vector<16xi32>
    %add3A_294 = arith.addi %add3A_293, %iota3A : vector<16xi32>
    tpu.vector_store_idx %arg7[%add3A_294], %broadcast_in_dim3A_288 : memref<3200xi32, #tpu.memory_space<vmem>>[vector<16xi32>], vector<16xi32>,
    %add3A_295 = arith.constant 1920 : i32
    %add3A_296 = vector.broadcast %add3A_295 : i32 to vector<16xi32>
    %add3A_297 = arith.addi %add3A_296, %iota3A : vector<16xi32>
    tpu.vector_store_idx %arg7[%add3A_297], %broadcast_in_dim3A_288 : memref<3200xi32, #tpu.memory_space<vmem>>[vector<16xi32>], vector<16xi32>,
    %add3A_298 = arith.constant 2720 : i32
    %add3A_299 = vector.broadcast %add3A_298 : i32 to vector<16xi32>
    %add3A_300 = arith.addi %add3A_299, %iota3A : vector<16xi32>
    tpu.vector_store_idx %arg7[%add3A_300], %broadcast_in_dim3A_288 : memref<3200xi32, #tpu.memory_space<vmem>>[vector<16xi32>], vector<16xi32>,
    %broadcast_in_dim3A_301 = arith.constant 21 : i32
    %broadcast_in_dim3A_302 = vector.broadcast %broadcast_in_dim3A_301 : i32 to vector<16xi32>
    %add3A_303 = arith.constant 336 : i32
    %add3A_304 = vector.broadcast %add3A_303 : i32 to vector<16xi32>
    %add3A_305 = arith.addi %add3A_304, %iota3A : vector<16xi32>
    tpu.vector_store_idx %arg7[%add3A_305], %broadcast_in_dim3A_302 : memref<3200xi32, #tpu.memory_space<vmem>>[vector<16xi32>], vector<16xi32>,
    %add3A_306 = arith.constant 1136 : i32
    %add3A_307 = vector.broadcast %add3A_306 : i32 to vector<16xi32>
    %add3A_308 = arith.addi %add3A_307, %iota3A : vector<16xi32>
    tpu.vector_store_idx %arg7[%add3A_308], %broadcast_in_dim3A_302 : memref<3200xi32, #tpu.memory_space<vmem>>[vector<16xi32>], vector<16xi32>,
    %add3A_309 = arith.constant 1936 : i32
    %add3A_310 = vector.broadcast %add3A_309 : i32 to vector<16xi32>
    %add3A_311 = arith.addi %add3A_310, %iota3A : vector<16xi32>
    tpu.vector_store_idx %arg7[%add3A_311], %broadcast_in_dim3A_302 : memref<3200xi32, #tpu.memory_space<vmem>>[vector<16xi32>], vector<16xi32>,
    %add3A_312 = arith.constant 2736 : i32
    %add3A_313 = vector.broadcast %add3A_312 : i32 to vector<16xi32>
    %add3A_314 = arith.addi %add3A_313, %iota3A : vector<16xi32>
    tpu.vector_store_idx %arg7[%add3A_314], %broadcast_in_dim3A_302 : memref<3200xi32, #tpu.memory_space<vmem>>[vector<16xi32>], vector<16xi32>,
    %broadcast_in_dim3A_315 = arith.constant 22 : i32
    %broadcast_in_dim3A_316 = vector.broadcast %broadcast_in_dim3A_315 : i32 to vector<16xi32>
    %add3A_317 = arith.constant 352 : i32
    %add3A_318 = vector.broadcast %add3A_317 : i32 to vector<16xi32>
    %add3A_319 = arith.addi %add3A_318, %iota3A : vector<16xi32>
    tpu.vector_store_idx %arg7[%add3A_319], %broadcast_in_dim3A_316 : memref<3200xi32, #tpu.memory_space<vmem>>[vector<16xi32>], vector<16xi32>,
    %add3A_320 = arith.constant 1152 : i32
    %add3A_321 = vector.broadcast %add3A_320 : i32 to vector<16xi32>
    %add3A_322 = arith.addi %add3A_321, %iota3A : vector<16xi32>
    tpu.vector_store_idx %arg7[%add3A_322], %broadcast_in_dim3A_316 : memref<3200xi32, #tpu.memory_space<vmem>>[vector<16xi32>], vector<16xi32>,
    %add3A_323 = arith.constant 1952 : i32
    %add3A_324 = vector.broadcast %add3A_323 : i32 to vector<16xi32>
    %add3A_325 = arith.addi %add3A_324, %iota3A : vector<16xi32>
    tpu.vector_store_idx %arg7[%add3A_325], %broadcast_in_dim3A_316 : memref<3200xi32, #tpu.memory_space<vmem>>[vector<16xi32>], vector<16xi32>,
    %add3A_326 = arith.constant 2752 : i32
    %add3A_327 = vector.broadcast %add3A_326 : i32 to vector<16xi32>
    %add3A_328 = arith.addi %add3A_327, %iota3A : vector<16xi32>
    tpu.vector_store_idx %arg7[%add3A_328], %broadcast_in_dim3A_316 : memref<3200xi32, #tpu.memory_space<vmem>>[vector<16xi32>], vector<16xi32>,
    %broadcast_in_dim3A_329 = arith.constant 23 : i32
    %broadcast_in_dim3A_330 = vector.broadcast %broadcast_in_dim3A_329 : i32 to vector<16xi32>
    %add3A_331 = arith.constant 368 : i32
    %add3A_332 = vector.broadcast %add3A_331 : i32 to vector<16xi32>
    %add3A_333 = arith.addi %add3A_332, %iota3A : vector<16xi32>
    tpu.vector_store_idx %arg7[%add3A_333], %broadcast_in_dim3A_330 : memref<3200xi32, #tpu.memory_space<vmem>>[vector<16xi32>], vector<16xi32>,
    %add3A_334 = arith.constant 1168 : i32
    %add3A_335 = vector.broadcast %add3A_334 : i32 to vector<16xi32>
    %add3A_336 = arith.addi %add3A_335, %iota3A : vector<16xi32>
    tpu.vector_store_idx %arg7[%add3A_336], %broadcast_in_dim3A_330 : memref<3200xi32, #tpu.memory_space<vmem>>[vector<16xi32>], vector<16xi32>,
    %add3A_337 = arith.constant 1968 : i32
    %add3A_338 = vector.broadcast %add3A_337 : i32 to vector<16xi32>
    %add3A_339 = arith.addi %add3A_338, %iota3A : vector<16xi32>
    tpu.vector_store_idx %arg7[%add3A_339], %broadcast_in_dim3A_330 : memref<3200xi32, #tpu.memory_space<vmem>>[vector<16xi32>], vector<16xi32>,
    %add3A_340 = arith.constant 2768 : i32
    %add3A_341 = vector.broadcast %add3A_340 : i32 to vector<16xi32>
    %add3A_342 = arith.addi %add3A_341, %iota3A : vector<16xi32>
    tpu.vector_store_idx %arg7[%add3A_342], %broadcast_in_dim3A_330 : memref<3200xi32, #tpu.memory_space<vmem>>[vector<16xi32>], vector<16xi32>,
    %broadcast_in_dim3A_343 = arith.constant 24 : i32
    %broadcast_in_dim3A_344 = vector.broadcast %broadcast_in_dim3A_343 : i32 to vector<16xi32>
    %add3A_345 = arith.constant 384 : i32
    %add3A_346 = vector.broadcast %add3A_345 : i32 to vector<16xi32>
    %add3A_347 = arith.addi %add3A_346, %iota3A : vector<16xi32>
    tpu.vector_store_idx %arg7[%add3A_347], %broadcast_in_dim3A_344 : memref<3200xi32, #tpu.memory_space<vmem>>[vector<16xi32>], vector<16xi32>,
    %add3A_348 = arith.constant 1184 : i32
    %add3A_349 = vector.broadcast %add3A_348 : i32 to vector<16xi32>
    %add3A_350 = arith.addi %add3A_349, %iota3A : vector<16xi32>
    tpu.vector_store_idx %arg7[%add3A_350], %broadcast_in_dim3A_344 : memref<3200xi32, #tpu.memory_space<vmem>>[vector<16xi32>], vector<16xi32>,
    %add3A_351 = arith.constant 1984 : i32
    %add3A_352 = vector.broadcast %add3A_351 : i32 to vector<16xi32>
    %add3A_353 = arith.addi %add3A_352, %iota3A : vector<16xi32>
    tpu.vector_store_idx %arg7[%add3A_353], %broadcast_in_dim3A_344 : memref<3200xi32, #tpu.memory_space<vmem>>[vector<16xi32>], vector<16xi32>,
    %add3A_354 = arith.constant 2784 : i32
    %add3A_355 = vector.broadcast %add3A_354 : i32 to vector<16xi32>
    %add3A_356 = arith.addi %add3A_355, %iota3A : vector<16xi32>
    tpu.vector_store_idx %arg7[%add3A_356], %broadcast_in_dim3A_344 : memref<3200xi32, #tpu.memory_space<vmem>>[vector<16xi32>], vector<16xi32>,
    %broadcast_in_dim3A_357 = arith.constant 25 : i32
    %broadcast_in_dim3A_358 = vector.broadcast %broadcast_in_dim3A_357 : i32 to vector<16xi32>
    %add3A_359 = arith.constant 400 : i32
    %add3A_360 = vector.broadcast %add3A_359 : i32 to vector<16xi32>
    %add3A_361 = arith.addi %add3A_360, %iota3A : vector<16xi32>
    tpu.vector_store_idx %arg7[%add3A_361], %broadcast_in_dim3A_358 : memref<3200xi32, #tpu.memory_space<vmem>>[vector<16xi32>], vector<16xi32>,
    %add3A_362 = arith.constant 1200 : i32
    %add3A_363 = vector.broadcast %add3A_362 : i32 to vector<16xi32>
    %add3A_364 = arith.addi %add3A_363, %iota3A : vector<16xi32>
    tpu.vector_store_idx %arg7[%add3A_364], %broadcast_in_dim3A_358 : memref<3200xi32, #tpu.memory_space<vmem>>[vector<16xi32>], vector<16xi32>,
    %add3A_365 = arith.constant 2000 : i32
    %add3A_366 = vector.broadcast %add3A_365 : i32 to vector<16xi32>
    %add3A_367 = arith.addi %add3A_366, %iota3A : vector<16xi32>
    tpu.vector_store_idx %arg7[%add3A_367], %broadcast_in_dim3A_358 : memref<3200xi32, #tpu.memory_space<vmem>>[vector<16xi32>], vector<16xi32>,
    %add3A_368 = arith.constant 2800 : i32
    %add3A_369 = vector.broadcast %add3A_368 : i32 to vector<16xi32>
    %add3A_370 = arith.addi %add3A_369, %iota3A : vector<16xi32>
    tpu.vector_store_idx %arg7[%add3A_370], %broadcast_in_dim3A_358 : memref<3200xi32, #tpu.memory_space<vmem>>[vector<16xi32>], vector<16xi32>,
    %broadcast_in_dim3A_371 = arith.constant 26 : i32
    %broadcast_in_dim3A_372 = vector.broadcast %broadcast_in_dim3A_371 : i32 to vector<16xi32>
    %add3A_373 = arith.constant 416 : i32
    %add3A_374 = vector.broadcast %add3A_373 : i32 to vector<16xi32>
    %add3A_375 = arith.addi %add3A_374, %iota3A : vector<16xi32>
    tpu.vector_store_idx %arg7[%add3A_375], %broadcast_in_dim3A_372 : memref<3200xi32, #tpu.memory_space<vmem>>[vector<16xi32>], vector<16xi32>,
    %add3A_376 = arith.constant 1216 : i32
    %add3A_377 = vector.broadcast %add3A_376 : i32 to vector<16xi32>
    %add3A_378 = arith.addi %add3A_377, %iota3A : vector<16xi32>
    tpu.vector_store_idx %arg7[%add3A_378], %broadcast_in_dim3A_372 : memref<3200xi32, #tpu.memory_space<vmem>>[vector<16xi32>], vector<16xi32>,
    %add3A_379 = arith.constant 2016 : i32
    %add3A_380 = vector.broadcast %add3A_379 : i32 to vector<16xi32>
    %add3A_381 = arith.addi %add3A_380, %iota3A : vector<16xi32>
    tpu.vector_store_idx %arg7[%add3A_381], %broadcast_in_dim3A_372 : memref<3200xi32, #tpu.memory_space<vmem>>[vector<16xi32>], vector<16xi32>,
    %add3A_382 = arith.constant 2816 : i32
    %add3A_383 = vector.broadcast %add3A_382 : i32 to vector<16xi32>
    %add3A_384 = arith.addi %add3A_383, %iota3A : vector<16xi32>
    tpu.vector_store_idx %arg7[%add3A_384], %broadcast_in_dim3A_372 : memref<3200xi32, #tpu.memory_space<vmem>>[vector<16xi32>], vector<16xi32>,
    %broadcast_in_dim3A_385 = arith.constant 27 : i32
    %broadcast_in_dim3A_386 = vector.broadcast %broadcast_in_dim3A_385 : i32 to vector<16xi32>
    %add3A_387 = arith.constant 432 : i32
    %add3A_388 = vector.broadcast %add3A_387 : i32 to vector<16xi32>
    %add3A_389 = arith.addi %add3A_388, %iota3A : vector<16xi32>
    tpu.vector_store_idx %arg7[%add3A_389], %broadcast_in_dim3A_386 : memref<3200xi32, #tpu.memory_space<vmem>>[vector<16xi32>], vector<16xi32>,
    %add3A_390 = arith.constant 1232 : i32
    %add3A_391 = vector.broadcast %add3A_390 : i32 to vector<16xi32>
    %add3A_392 = arith.addi %add3A_391, %iota3A : vector<16xi32>
    tpu.vector_store_idx %arg7[%add3A_392], %broadcast_in_dim3A_386 : memref<3200xi32, #tpu.memory_space<vmem>>[vector<16xi32>], vector<16xi32>,
    %add3A_393 = arith.constant 2032 : i32
    %add3A_394 = vector.broadcast %add3A_393 : i32 to vector<16xi32>
    %add3A_395 = arith.addi %add3A_394, %iota3A : vector<16xi32>
    tpu.vector_store_idx %arg7[%add3A_395], %broadcast_in_dim3A_386 : memref<3200xi32, #tpu.memory_space<vmem>>[vector<16xi32>], vector<16xi32>,
    %add3A_396 = arith.constant 2832 : i32
    %add3A_397 = vector.broadcast %add3A_396 : i32 to vector<16xi32>
    %add3A_398 = arith.addi %add3A_397, %iota3A : vector<16xi32>
    tpu.vector_store_idx %arg7[%add3A_398], %broadcast_in_dim3A_386 : memref<3200xi32, #tpu.memory_space<vmem>>[vector<16xi32>], vector<16xi32>,
    %broadcast_in_dim3A_399 = arith.constant 28 : i32
    %broadcast_in_dim3A_400 = vector.broadcast %broadcast_in_dim3A_399 : i32 to vector<16xi32>
    %add3A_401 = arith.constant 448 : i32
    %add3A_402 = vector.broadcast %add3A_401 : i32 to vector<16xi32>
    %add3A_403 = arith.addi %add3A_402, %iota3A : vector<16xi32>
    tpu.vector_store_idx %arg7[%add3A_403], %broadcast_in_dim3A_400 : memref<3200xi32, #tpu.memory_space<vmem>>[vector<16xi32>], vector<16xi32>,
    %add3A_404 = arith.constant 1248 : i32
    %add3A_405 = vector.broadcast %add3A_404 : i32 to vector<16xi32>
    %add3A_406 = arith.addi %add3A_405, %iota3A : vector<16xi32>
    tpu.vector_store_idx %arg7[%add3A_406], %broadcast_in_dim3A_400 : memref<3200xi32, #tpu.memory_space<vmem>>[vector<16xi32>], vector<16xi32>,
    %add3A_407 = arith.constant 2048 : i32
    %add3A_408 = vector.broadcast %add3A_407 : i32 to vector<16xi32>
    %add3A_409 = arith.addi %add3A_408, %iota3A : vector<16xi32>
    tpu.vector_store_idx %arg7[%add3A_409], %broadcast_in_dim3A_400 : memref<3200xi32, #tpu.memory_space<vmem>>[vector<16xi32>], vector<16xi32>,
    %add3A_410 = arith.constant 2848 : i32
    %add3A_411 = vector.broadcast %add3A_410 : i32 to vector<16xi32>
    %add3A_412 = arith.addi %add3A_411, %iota3A : vector<16xi32>
    tpu.vector_store_idx %arg7[%add3A_412], %broadcast_in_dim3A_400 : memref<3200xi32, #tpu.memory_space<vmem>>[vector<16xi32>], vector<16xi32>,
    %broadcast_in_dim3A_413 = arith.constant 29 : i32
    %broadcast_in_dim3A_414 = vector.broadcast %broadcast_in_dim3A_413 : i32 to vector<16xi32>
    %add3A_415 = arith.constant 464 : i32
    %add3A_416 = vector.broadcast %add3A_415 : i32 to vector<16xi32>
    %add3A_417 = arith.addi %add3A_416, %iota3A : vector<16xi32>
    tpu.vector_store_idx %arg7[%add3A_417], %broadcast_in_dim3A_414 : memref<3200xi32, #tpu.memory_space<vmem>>[vector<16xi32>], vector<16xi32>,
    %add3A_418 = arith.constant 1264 : i32
    %add3A_419 = vector.broadcast %add3A_418 : i32 to vector<16xi32>
    %add3A_420 = arith.addi %add3A_419, %iota3A : vector<16xi32>
    tpu.vector_store_idx %arg7[%add3A_420], %broadcast_in_dim3A_414 : memref<3200xi32, #tpu.memory_space<vmem>>[vector<16xi32>], vector<16xi32>,
    %add3A_421 = arith.constant 2064 : i32
    %add3A_422 = vector.broadcast %add3A_421 : i32 to vector<16xi32>
    %add3A_423 = arith.addi %add3A_422, %iota3A : vector<16xi32>
    tpu.vector_store_idx %arg7[%add3A_423], %broadcast_in_dim3A_414 : memref<3200xi32, #tpu.memory_space<vmem>>[vector<16xi32>], vector<16xi32>,
    %add3A_424 = arith.constant 2864 : i32
    %add3A_425 = vector.broadcast %add3A_424 : i32 to vector<16xi32>
    %add3A_426 = arith.addi %add3A_425, %iota3A : vector<16xi32>
    tpu.vector_store_idx %arg7[%add3A_426], %broadcast_in_dim3A_414 : memref<3200xi32, #tpu.memory_space<vmem>>[vector<16xi32>], vector<16xi32>,
    %broadcast_in_dim3A_427 = arith.constant 30 : i32
    %broadcast_in_dim3A_428 = vector.broadcast %broadcast_in_dim3A_427 : i32 to vector<16xi32>
    %add3A_429 = arith.constant 480 : i32
    %add3A_430 = vector.broadcast %add3A_429 : i32 to vector<16xi32>
    %add3A_431 = arith.addi %add3A_430, %iota3A : vector<16xi32>
    tpu.vector_store_idx %arg7[%add3A_431], %broadcast_in_dim3A_428 : memref<3200xi32, #tpu.memory_space<vmem>>[vector<16xi32>], vector<16xi32>,
    %add3A_432 = arith.constant 1280 : i32
    %add3A_433 = vector.broadcast %add3A_432 : i32 to vector<16xi32>
    %add3A_434 = arith.addi %add3A_433, %iota3A : vector<16xi32>
    tpu.vector_store_idx %arg7[%add3A_434], %broadcast_in_dim3A_428 : memref<3200xi32, #tpu.memory_space<vmem>>[vector<16xi32>], vector<16xi32>,
    %add3A_435 = arith.constant 2080 : i32
    %add3A_436 = vector.broadcast %add3A_435 : i32 to vector<16xi32>
    %add3A_437 = arith.addi %add3A_436, %iota3A : vector<16xi32>
    tpu.vector_store_idx %arg7[%add3A_437], %broadcast_in_dim3A_428 : memref<3200xi32, #tpu.memory_space<vmem>>[vector<16xi32>], vector<16xi32>,
    %add3A_438 = arith.constant 2880 : i32
    %add3A_439 = vector.broadcast %add3A_438 : i32 to vector<16xi32>
    %add3A_440 = arith.addi %add3A_439, %iota3A : vector<16xi32>
    tpu.vector_store_idx %arg7[%add3A_440], %broadcast_in_dim3A_428 : memref<3200xi32, #tpu.memory_space<vmem>>[vector<16xi32>], vector<16xi32>,
    %broadcast_in_dim3A_441 = arith.constant 31 : i32
    %broadcast_in_dim3A_442 = vector.broadcast %broadcast_in_dim3A_441 : i32 to vector<16xi32>
    %add3A_443 = arith.constant 496 : i32
    %add3A_444 = vector.broadcast %add3A_443 : i32 to vector<16xi32>
    %add3A_445 = arith.addi %add3A_444, %iota3A : vector<16xi32>
    tpu.vector_store_idx %arg7[%add3A_445], %broadcast_in_dim3A_442 : memref<3200xi32, #tpu.memory_space<vmem>>[vector<16xi32>], vector<16xi32>,
    %add3A_446 = arith.constant 1296 : i32
    %add3A_447 = vector.broadcast %add3A_446 : i32 to vector<16xi32>
    %add3A_448 = arith.addi %add3A_447, %iota3A : vector<16xi32>
    tpu.vector_store_idx %arg7[%add3A_448], %broadcast_in_dim3A_442 : memref<3200xi32, #tpu.memory_space<vmem>>[vector<16xi32>], vector<16xi32>,
    %add3A_449 = arith.constant 2096 : i32
    %add3A_450 = vector.broadcast %add3A_449 : i32 to vector<16xi32>
    %add3A_451 = arith.addi %add3A_450, %iota3A : vector<16xi32>
    tpu.vector_store_idx %arg7[%add3A_451], %broadcast_in_dim3A_442 : memref<3200xi32, #tpu.memory_space<vmem>>[vector<16xi32>], vector<16xi32>,
    %add3A_452 = arith.constant 2896 : i32
    %add3A_453 = vector.broadcast %add3A_452 : i32 to vector<16xi32>
    %add3A_454 = arith.addi %add3A_453, %iota3A : vector<16xi32>
    tpu.vector_store_idx %arg7[%add3A_454], %broadcast_in_dim3A_442 : memref<3200xi32, #tpu.memory_space<vmem>>[vector<16xi32>], vector<16xi32>,
    %broadcast_in_dim3A_455 = arith.constant 32 : i32
    %broadcast_in_dim3A_456 = vector.broadcast %broadcast_in_dim3A_455 : i32 to vector<16xi32>
    %add3A_457 = arith.constant 512 : i32
    %add3A_458 = vector.broadcast %add3A_457 : i32 to vector<16xi32>
    %add3A_459 = arith.addi %add3A_458, %iota3A : vector<16xi32>
    tpu.vector_store_idx %arg7[%add3A_459], %broadcast_in_dim3A_456 : memref<3200xi32, #tpu.memory_space<vmem>>[vector<16xi32>], vector<16xi32>,
    %add3A_460 = arith.constant 1312 : i32
    %add3A_461 = vector.broadcast %add3A_460 : i32 to vector<16xi32>
    %add3A_462 = arith.addi %add3A_461, %iota3A : vector<16xi32>
    tpu.vector_store_idx %arg7[%add3A_462], %broadcast_in_dim3A_456 : memref<3200xi32, #tpu.memory_space<vmem>>[vector<16xi32>], vector<16xi32>,
    %add3A_463 = arith.constant 2112 : i32
    %add3A_464 = vector.broadcast %add3A_463 : i32 to vector<16xi32>
    %add3A_465 = arith.addi %add3A_464, %iota3A : vector<16xi32>
    tpu.vector_store_idx %arg7[%add3A_465], %broadcast_in_dim3A_456 : memref<3200xi32, #tpu.memory_space<vmem>>[vector<16xi32>], vector<16xi32>,
    %add3A_466 = arith.constant 2912 : i32
    %add3A_467 = vector.broadcast %add3A_466 : i32 to vector<16xi32>
    %add3A_468 = arith.addi %add3A_467, %iota3A : vector<16xi32>
    tpu.vector_store_idx %arg7[%add3A_468], %broadcast_in_dim3A_456 : memref<3200xi32, #tpu.memory_space<vmem>>[vector<16xi32>], vector<16xi32>,
    %broadcast_in_dim3A_469 = arith.constant 33 : i32
    %broadcast_in_dim3A_470 = vector.broadcast %broadcast_in_dim3A_469 : i32 to vector<16xi32>
    %add3A_471 = arith.constant 528 : i32
    %add3A_472 = vector.broadcast %add3A_471 : i32 to vector<16xi32>
    %add3A_473 = arith.addi %add3A_472, %iota3A : vector<16xi32>
    tpu.vector_store_idx %arg7[%add3A_473], %broadcast_in_dim3A_470 : memref<3200xi32, #tpu.memory_space<vmem>>[vector<16xi32>], vector<16xi32>,
    %add3A_474 = arith.constant 1328 : i32
    %add3A_475 = vector.broadcast %add3A_474 : i32 to vector<16xi32>
    %add3A_476 = arith.addi %add3A_475, %iota3A : vector<16xi32>
    tpu.vector_store_idx %arg7[%add3A_476], %broadcast_in_dim3A_470 : memref<3200xi32, #tpu.memory_space<vmem>>[vector<16xi32>], vector<16xi32>,
    %add3A_477 = arith.constant 2128 : i32
    %add3A_478 = vector.broadcast %add3A_477 : i32 to vector<16xi32>
    %add3A_479 = arith.addi %add3A_478, %iota3A : vector<16xi32>
    tpu.vector_store_idx %arg7[%add3A_479], %broadcast_in_dim3A_470 : memref<3200xi32, #tpu.memory_space<vmem>>[vector<16xi32>], vector<16xi32>,
    %add3A_480 = arith.constant 2928 : i32
    %add3A_481 = vector.broadcast %add3A_480 : i32 to vector<16xi32>
    %add3A_482 = arith.addi %add3A_481, %iota3A : vector<16xi32>
    tpu.vector_store_idx %arg7[%add3A_482], %broadcast_in_dim3A_470 : memref<3200xi32, #tpu.memory_space<vmem>>[vector<16xi32>], vector<16xi32>,
    %broadcast_in_dim3A_483 = arith.constant 34 : i32
    %broadcast_in_dim3A_484 = vector.broadcast %broadcast_in_dim3A_483 : i32 to vector<16xi32>
    %add3A_485 = arith.constant 544 : i32
    %add3A_486 = vector.broadcast %add3A_485 : i32 to vector<16xi32>
    %add3A_487 = arith.addi %add3A_486, %iota3A : vector<16xi32>
    tpu.vector_store_idx %arg7[%add3A_487], %broadcast_in_dim3A_484 : memref<3200xi32, #tpu.memory_space<vmem>>[vector<16xi32>], vector<16xi32>,
    %add3A_488 = arith.constant 1344 : i32
    %add3A_489 = vector.broadcast %add3A_488 : i32 to vector<16xi32>
    %add3A_490 = arith.addi %add3A_489, %iota3A : vector<16xi32>
    tpu.vector_store_idx %arg7[%add3A_490], %broadcast_in_dim3A_484 : memref<3200xi32, #tpu.memory_space<vmem>>[vector<16xi32>], vector<16xi32>,
    %add3A_491 = arith.constant 2144 : i32
    %add3A_492 = vector.broadcast %add3A_491 : i32 to vector<16xi32>
    %add3A_493 = arith.addi %add3A_492, %iota3A : vector<16xi32>
    tpu.vector_store_idx %arg7[%add3A_493], %broadcast_in_dim3A_484 : memref<3200xi32, #tpu.memory_space<vmem>>[vector<16xi32>], vector<16xi32>,
    %add3A_494 = arith.constant 2944 : i32
    %add3A_495 = vector.broadcast %add3A_494 : i32 to vector<16xi32>
    %add3A_496 = arith.addi %add3A_495, %iota3A : vector<16xi32>
    tpu.vector_store_idx %arg7[%add3A_496], %broadcast_in_dim3A_484 : memref<3200xi32, #tpu.memory_space<vmem>>[vector<16xi32>], vector<16xi32>,
    %broadcast_in_dim3A_497 = arith.constant 35 : i32
    %broadcast_in_dim3A_498 = vector.broadcast %broadcast_in_dim3A_497 : i32 to vector<16xi32>
    %add3A_499 = arith.constant 560 : i32
    %add3A_500 = vector.broadcast %add3A_499 : i32 to vector<16xi32>
    %add3A_501 = arith.addi %add3A_500, %iota3A : vector<16xi32>
    tpu.vector_store_idx %arg7[%add3A_501], %broadcast_in_dim3A_498 : memref<3200xi32, #tpu.memory_space<vmem>>[vector<16xi32>], vector<16xi32>,
    %add3A_502 = arith.constant 1360 : i32
    %add3A_503 = vector.broadcast %add3A_502 : i32 to vector<16xi32>
    %add3A_504 = arith.addi %add3A_503, %iota3A : vector<16xi32>
    tpu.vector_store_idx %arg7[%add3A_504], %broadcast_in_dim3A_498 : memref<3200xi32, #tpu.memory_space<vmem>>[vector<16xi32>], vector<16xi32>,
    %add3A_505 = arith.constant 2160 : i32
    %add3A_506 = vector.broadcast %add3A_505 : i32 to vector<16xi32>
    %add3A_507 = arith.addi %add3A_506, %iota3A : vector<16xi32>
    tpu.vector_store_idx %arg7[%add3A_507], %broadcast_in_dim3A_498 : memref<3200xi32, #tpu.memory_space<vmem>>[vector<16xi32>], vector<16xi32>,
    %add3A_508 = arith.constant 2960 : i32
    %add3A_509 = vector.broadcast %add3A_508 : i32 to vector<16xi32>
    %add3A_510 = arith.addi %add3A_509, %iota3A : vector<16xi32>
    tpu.vector_store_idx %arg7[%add3A_510], %broadcast_in_dim3A_498 : memref<3200xi32, #tpu.memory_space<vmem>>[vector<16xi32>], vector<16xi32>,
    %broadcast_in_dim3A_511 = arith.constant 36 : i32
    %broadcast_in_dim3A_512 = vector.broadcast %broadcast_in_dim3A_511 : i32 to vector<16xi32>
    %add3A_513 = arith.constant 576 : i32
    %add3A_514 = vector.broadcast %add3A_513 : i32 to vector<16xi32>
    %add3A_515 = arith.addi %add3A_514, %iota3A : vector<16xi32>
    tpu.vector_store_idx %arg7[%add3A_515], %broadcast_in_dim3A_512 : memref<3200xi32, #tpu.memory_space<vmem>>[vector<16xi32>], vector<16xi32>,
    %add3A_516 = arith.constant 1376 : i32
    %add3A_517 = vector.broadcast %add3A_516 : i32 to vector<16xi32>
    %add3A_518 = arith.addi %add3A_517, %iota3A : vector<16xi32>
    tpu.vector_store_idx %arg7[%add3A_518], %broadcast_in_dim3A_512 : memref<3200xi32, #tpu.memory_space<vmem>>[vector<16xi32>], vector<16xi32>,
    %add3A_519 = arith.constant 2176 : i32
    %add3A_520 = vector.broadcast %add3A_519 : i32 to vector<16xi32>
    %add3A_521 = arith.addi %add3A_520, %iota3A : vector<16xi32>
    tpu.vector_store_idx %arg7[%add3A_521], %broadcast_in_dim3A_512 : memref<3200xi32, #tpu.memory_space<vmem>>[vector<16xi32>], vector<16xi32>,
    %add3A_522 = arith.constant 2976 : i32
    %add3A_523 = vector.broadcast %add3A_522 : i32 to vector<16xi32>
    %add3A_524 = arith.addi %add3A_523, %iota3A : vector<16xi32>
    tpu.vector_store_idx %arg7[%add3A_524], %broadcast_in_dim3A_512 : memref<3200xi32, #tpu.memory_space<vmem>>[vector<16xi32>], vector<16xi32>,
    %broadcast_in_dim3A_525 = arith.constant 37 : i32
    %broadcast_in_dim3A_526 = vector.broadcast %broadcast_in_dim3A_525 : i32 to vector<16xi32>
    %add3A_527 = arith.constant 592 : i32
    %add3A_528 = vector.broadcast %add3A_527 : i32 to vector<16xi32>
    %add3A_529 = arith.addi %add3A_528, %iota3A : vector<16xi32>
    tpu.vector_store_idx %arg7[%add3A_529], %broadcast_in_dim3A_526 : memref<3200xi32, #tpu.memory_space<vmem>>[vector<16xi32>], vector<16xi32>,
    %add3A_530 = arith.constant 1392 : i32
    %add3A_531 = vector.broadcast %add3A_530 : i32 to vector<16xi32>
    %add3A_532 = arith.addi %add3A_531, %iota3A : vector<16xi32>
    tpu.vector_store_idx %arg7[%add3A_532], %broadcast_in_dim3A_526 : memref<3200xi32, #tpu.memory_space<vmem>>[vector<16xi32>], vector<16xi32>,
    %add3A_533 = arith.constant 2192 : i32
    %add3A_534 = vector.broadcast %add3A_533 : i32 to vector<16xi32>
    %add3A_535 = arith.addi %add3A_534, %iota3A : vector<16xi32>
    tpu.vector_store_idx %arg7[%add3A_535], %broadcast_in_dim3A_526 : memref<3200xi32, #tpu.memory_space<vmem>>[vector<16xi32>], vector<16xi32>,
    %add3A_536 = arith.constant 2992 : i32
    %add3A_537 = vector.broadcast %add3A_536 : i32 to vector<16xi32>
    %add3A_538 = arith.addi %add3A_537, %iota3A : vector<16xi32>
    tpu.vector_store_idx %arg7[%add3A_538], %broadcast_in_dim3A_526 : memref<3200xi32, #tpu.memory_space<vmem>>[vector<16xi32>], vector<16xi32>,
    %broadcast_in_dim3A_539 = arith.constant 38 : i32
    %broadcast_in_dim3A_540 = vector.broadcast %broadcast_in_dim3A_539 : i32 to vector<16xi32>
    %add3A_541 = arith.constant 608 : i32
    %add3A_542 = vector.broadcast %add3A_541 : i32 to vector<16xi32>
    %add3A_543 = arith.addi %add3A_542, %iota3A : vector<16xi32>
    tpu.vector_store_idx %arg7[%add3A_543], %broadcast_in_dim3A_540 : memref<3200xi32, #tpu.memory_space<vmem>>[vector<16xi32>], vector<16xi32>,
    %add3A_544 = arith.constant 1408 : i32
    %add3A_545 = vector.broadcast %add3A_544 : i32 to vector<16xi32>
    %add3A_546 = arith.addi %add3A_545, %iota3A : vector<16xi32>
    tpu.vector_store_idx %arg7[%add3A_546], %broadcast_in_dim3A_540 : memref<3200xi32, #tpu.memory_space<vmem>>[vector<16xi32>], vector<16xi32>,
    %add3A_547 = arith.constant 2208 : i32
    %add3A_548 = vector.broadcast %add3A_547 : i32 to vector<16xi32>
    %add3A_549 = arith.addi %add3A_548, %iota3A : vector<16xi32>
    tpu.vector_store_idx %arg7[%add3A_549], %broadcast_in_dim3A_540 : memref<3200xi32, #tpu.memory_space<vmem>>[vector<16xi32>], vector<16xi32>,
    %add3A_550 = arith.constant 3008 : i32
    %add3A_551 = vector.broadcast %add3A_550 : i32 to vector<16xi32>
    %add3A_552 = arith.addi %add3A_551, %iota3A : vector<16xi32>
    tpu.vector_store_idx %arg7[%add3A_552], %broadcast_in_dim3A_540 : memref<3200xi32, #tpu.memory_space<vmem>>[vector<16xi32>], vector<16xi32>,
    %broadcast_in_dim3A_553 = arith.constant 39 : i32
    %broadcast_in_dim3A_554 = vector.broadcast %broadcast_in_dim3A_553 : i32 to vector<16xi32>
    %add3A_555 = arith.constant 624 : i32
    %add3A_556 = vector.broadcast %add3A_555 : i32 to vector<16xi32>
    %add3A_557 = arith.addi %add3A_556, %iota3A : vector<16xi32>
    tpu.vector_store_idx %arg7[%add3A_557], %broadcast_in_dim3A_554 : memref<3200xi32, #tpu.memory_space<vmem>>[vector<16xi32>], vector<16xi32>,
    %add3A_558 = arith.constant 1424 : i32
    %add3A_559 = vector.broadcast %add3A_558 : i32 to vector<16xi32>
    %add3A_560 = arith.addi %add3A_559, %iota3A : vector<16xi32>
    tpu.vector_store_idx %arg7[%add3A_560], %broadcast_in_dim3A_554 : memref<3200xi32, #tpu.memory_space<vmem>>[vector<16xi32>], vector<16xi32>,
    %add3A_561 = arith.constant 2224 : i32
    %add3A_562 = vector.broadcast %add3A_561 : i32 to vector<16xi32>
    %add3A_563 = arith.addi %add3A_562, %iota3A : vector<16xi32>
    tpu.vector_store_idx %arg7[%add3A_563], %broadcast_in_dim3A_554 : memref<3200xi32, #tpu.memory_space<vmem>>[vector<16xi32>], vector<16xi32>,
    %add3A_564 = arith.constant 3024 : i32
    %add3A_565 = vector.broadcast %add3A_564 : i32 to vector<16xi32>
    %add3A_566 = arith.addi %add3A_565, %iota3A : vector<16xi32>
    tpu.vector_store_idx %arg7[%add3A_566], %broadcast_in_dim3A_554 : memref<3200xi32, #tpu.memory_space<vmem>>[vector<16xi32>], vector<16xi32>,
    %broadcast_in_dim3A_567 = arith.constant 40 : i32
    %broadcast_in_dim3A_568 = vector.broadcast %broadcast_in_dim3A_567 : i32 to vector<16xi32>
    %add3A_569 = arith.constant 640 : i32
    %add3A_570 = vector.broadcast %add3A_569 : i32 to vector<16xi32>
    %add3A_571 = arith.addi %add3A_570, %iota3A : vector<16xi32>
    tpu.vector_store_idx %arg7[%add3A_571], %broadcast_in_dim3A_568 : memref<3200xi32, #tpu.memory_space<vmem>>[vector<16xi32>], vector<16xi32>,
    %add3A_572 = arith.constant 1440 : i32
    %add3A_573 = vector.broadcast %add3A_572 : i32 to vector<16xi32>
    %add3A_574 = arith.addi %add3A_573, %iota3A : vector<16xi32>
    tpu.vector_store_idx %arg7[%add3A_574], %broadcast_in_dim3A_568 : memref<3200xi32, #tpu.memory_space<vmem>>[vector<16xi32>], vector<16xi32>,
    %add3A_575 = arith.constant 2240 : i32
    %add3A_576 = vector.broadcast %add3A_575 : i32 to vector<16xi32>
    %add3A_577 = arith.addi %add3A_576, %iota3A : vector<16xi32>
    tpu.vector_store_idx %arg7[%add3A_577], %broadcast_in_dim3A_568 : memref<3200xi32, #tpu.memory_space<vmem>>[vector<16xi32>], vector<16xi32>,
    %add3A_578 = arith.constant 3040 : i32
    %add3A_579 = vector.broadcast %add3A_578 : i32 to vector<16xi32>
    %add3A_580 = arith.addi %add3A_579, %iota3A : vector<16xi32>
    tpu.vector_store_idx %arg7[%add3A_580], %broadcast_in_dim3A_568 : memref<3200xi32, #tpu.memory_space<vmem>>[vector<16xi32>], vector<16xi32>,
    %broadcast_in_dim3A_581 = arith.constant 41 : i32
    %broadcast_in_dim3A_582 = vector.broadcast %broadcast_in_dim3A_581 : i32 to vector<16xi32>
    %add3A_583 = arith.constant 656 : i32
    %add3A_584 = vector.broadcast %add3A_583 : i32 to vector<16xi32>
    %add3A_585 = arith.addi %add3A_584, %iota3A : vector<16xi32>
    tpu.vector_store_idx %arg7[%add3A_585], %broadcast_in_dim3A_582 : memref<3200xi32, #tpu.memory_space<vmem>>[vector<16xi32>], vector<16xi32>,
    %add3A_586 = arith.constant 1456 : i32
    %add3A_587 = vector.broadcast %add3A_586 : i32 to vector<16xi32>
    %add3A_588 = arith.addi %add3A_587, %iota3A : vector<16xi32>
    tpu.vector_store_idx %arg7[%add3A_588], %broadcast_in_dim3A_582 : memref<3200xi32, #tpu.memory_space<vmem>>[vector<16xi32>], vector<16xi32>,
    %add3A_589 = arith.constant 2256 : i32
    %add3A_590 = vector.broadcast %add3A_589 : i32 to vector<16xi32>
    %add3A_591 = arith.addi %add3A_590, %iota3A : vector<16xi32>
    tpu.vector_store_idx %arg7[%add3A_591], %broadcast_in_dim3A_582 : memref<3200xi32, #tpu.memory_space<vmem>>[vector<16xi32>], vector<16xi32>,
    %add3A_592 = arith.constant 3056 : i32
    %add3A_593 = vector.broadcast %add3A_592 : i32 to vector<16xi32>
    %add3A_594 = arith.addi %add3A_593, %iota3A : vector<16xi32>
    tpu.vector_store_idx %arg7[%add3A_594], %broadcast_in_dim3A_582 : memref<3200xi32, #tpu.memory_space<vmem>>[vector<16xi32>], vector<16xi32>,
    %broadcast_in_dim3A_595 = arith.constant 42 : i32
    %broadcast_in_dim3A_596 = vector.broadcast %broadcast_in_dim3A_595 : i32 to vector<16xi32>
    %add3A_597 = arith.constant 672 : i32
    %add3A_598 = vector.broadcast %add3A_597 : i32 to vector<16xi32>
    %add3A_599 = arith.addi %add3A_598, %iota3A : vector<16xi32>
    tpu.vector_store_idx %arg7[%add3A_599], %broadcast_in_dim3A_596 : memref<3200xi32, #tpu.memory_space<vmem>>[vector<16xi32>], vector<16xi32>,
    %add3A_600 = arith.constant 1472 : i32
    %add3A_601 = vector.broadcast %add3A_600 : i32 to vector<16xi32>
    %add3A_602 = arith.addi %add3A_601, %iota3A : vector<16xi32>
    tpu.vector_store_idx %arg7[%add3A_602], %broadcast_in_dim3A_596 : memref<3200xi32, #tpu.memory_space<vmem>>[vector<16xi32>], vector<16xi32>,
    %add3A_603 = arith.constant 2272 : i32
    %add3A_604 = vector.broadcast %add3A_603 : i32 to vector<16xi32>
    %add3A_605 = arith.addi %add3A_604, %iota3A : vector<16xi32>
    tpu.vector_store_idx %arg7[%add3A_605], %broadcast_in_dim3A_596 : memref<3200xi32, #tpu.memory_space<vmem>>[vector<16xi32>], vector<16xi32>,
    %add3A_606 = arith.constant 3072 : i32
    %add3A_607 = vector.broadcast %add3A_606 : i32 to vector<16xi32>
    %add3A_608 = arith.addi %add3A_607, %iota3A : vector<16xi32>
    tpu.vector_store_idx %arg7[%add3A_608], %broadcast_in_dim3A_596 : memref<3200xi32, #tpu.memory_space<vmem>>[vector<16xi32>], vector<16xi32>,
    %broadcast_in_dim3A_609 = arith.constant 43 : i32
    %broadcast_in_dim3A_610 = vector.broadcast %broadcast_in_dim3A_609 : i32 to vector<16xi32>
    %add3A_611 = arith.constant 688 : i32
    %add3A_612 = vector.broadcast %add3A_611 : i32 to vector<16xi32>
    %add3A_613 = arith.addi %add3A_612, %iota3A : vector<16xi32>
    tpu.vector_store_idx %arg7[%add3A_613], %broadcast_in_dim3A_610 : memref<3200xi32, #tpu.memory_space<vmem>>[vector<16xi32>], vector<16xi32>,
    %add3A_614 = arith.constant 1488 : i32
    %add3A_615 = vector.broadcast %add3A_614 : i32 to vector<16xi32>
    %add3A_616 = arith.addi %add3A_615, %iota3A : vector<16xi32>
    tpu.vector_store_idx %arg7[%add3A_616], %broadcast_in_dim3A_610 : memref<3200xi32, #tpu.memory_space<vmem>>[vector<16xi32>], vector<16xi32>,
    %add3A_617 = arith.constant 2288 : i32
    %add3A_618 = vector.broadcast %add3A_617 : i32 to vector<16xi32>
    %add3A_619 = arith.addi %add3A_618, %iota3A : vector<16xi32>
    tpu.vector_store_idx %arg7[%add3A_619], %broadcast_in_dim3A_610 : memref<3200xi32, #tpu.memory_space<vmem>>[vector<16xi32>], vector<16xi32>,
    %add3A_620 = arith.constant 3088 : i32
    %add3A_621 = vector.broadcast %add3A_620 : i32 to vector<16xi32>
    %add3A_622 = arith.addi %add3A_621, %iota3A : vector<16xi32>
    tpu.vector_store_idx %arg7[%add3A_622], %broadcast_in_dim3A_610 : memref<3200xi32, #tpu.memory_space<vmem>>[vector<16xi32>], vector<16xi32>,
    %broadcast_in_dim3A_623 = arith.constant 44 : i32
    %broadcast_in_dim3A_624 = vector.broadcast %broadcast_in_dim3A_623 : i32 to vector<16xi32>
    %add3A_625 = arith.constant 704 : i32
    %add3A_626 = vector.broadcast %add3A_625 : i32 to vector<16xi32>
    %add3A_627 = arith.addi %add3A_626, %iota3A : vector<16xi32>
    tpu.vector_store_idx %arg7[%add3A_627], %broadcast_in_dim3A_624 : memref<3200xi32, #tpu.memory_space<vmem>>[vector<16xi32>], vector<16xi32>,
    %add3A_628 = arith.constant 1504 : i32
    %add3A_629 = vector.broadcast %add3A_628 : i32 to vector<16xi32>
    %add3A_630 = arith.addi %add3A_629, %iota3A : vector<16xi32>
    tpu.vector_store_idx %arg7[%add3A_630], %broadcast_in_dim3A_624 : memref<3200xi32, #tpu.memory_space<vmem>>[vector<16xi32>], vector<16xi32>,
    %add3A_631 = arith.constant 2304 : i32
    %add3A_632 = vector.broadcast %add3A_631 : i32 to vector<16xi32>
    %add3A_633 = arith.addi %add3A_632, %iota3A : vector<16xi32>
    tpu.vector_store_idx %arg7[%add3A_633], %broadcast_in_dim3A_624 : memref<3200xi32, #tpu.memory_space<vmem>>[vector<16xi32>], vector<16xi32>,
    %add3A_634 = arith.constant 3104 : i32
    %add3A_635 = vector.broadcast %add3A_634 : i32 to vector<16xi32>
    %add3A_636 = arith.addi %add3A_635, %iota3A : vector<16xi32>
    tpu.vector_store_idx %arg7[%add3A_636], %broadcast_in_dim3A_624 : memref<3200xi32, #tpu.memory_space<vmem>>[vector<16xi32>], vector<16xi32>,
    %broadcast_in_dim3A_637 = arith.constant 45 : i32
    %broadcast_in_dim3A_638 = vector.broadcast %broadcast_in_dim3A_637 : i32 to vector<16xi32>
    %add3A_639 = arith.constant 720 : i32
    %add3A_640 = vector.broadcast %add3A_639 : i32 to vector<16xi32>
    %add3A_641 = arith.addi %add3A_640, %iota3A : vector<16xi32>
    tpu.vector_store_idx %arg7[%add3A_641], %broadcast_in_dim3A_638 : memref<3200xi32, #tpu.memory_space<vmem>>[vector<16xi32>], vector<16xi32>,
    %add3A_642 = arith.constant 1520 : i32
    %add3A_643 = vector.broadcast %add3A_642 : i32 to vector<16xi32>
    %add3A_644 = arith.addi %add3A_643, %iota3A : vector<16xi32>
    tpu.vector_store_idx %arg7[%add3A_644], %broadcast_in_dim3A_638 : memref<3200xi32, #tpu.memory_space<vmem>>[vector<16xi32>], vector<16xi32>,
    %add3A_645 = arith.constant 2320 : i32
    %add3A_646 = vector.broadcast %add3A_645 : i32 to vector<16xi32>
    %add3A_647 = arith.addi %add3A_646, %iota3A : vector<16xi32>
    tpu.vector_store_idx %arg7[%add3A_647], %broadcast_in_dim3A_638 : memref<3200xi32, #tpu.memory_space<vmem>>[vector<16xi32>], vector<16xi32>,
    %add3A_648 = arith.constant 3120 : i32
    %add3A_649 = vector.broadcast %add3A_648 : i32 to vector<16xi32>
    %add3A_650 = arith.addi %add3A_649, %iota3A : vector<16xi32>
    tpu.vector_store_idx %arg7[%add3A_650], %broadcast_in_dim3A_638 : memref<3200xi32, #tpu.memory_space<vmem>>[vector<16xi32>], vector<16xi32>,
    %broadcast_in_dim3A_651 = arith.constant 46 : i32
    %broadcast_in_dim3A_652 = vector.broadcast %broadcast_in_dim3A_651 : i32 to vector<16xi32>
    %add3A_653 = arith.constant 736 : i32
    %add3A_654 = vector.broadcast %add3A_653 : i32 to vector<16xi32>
    %add3A_655 = arith.addi %add3A_654, %iota3A : vector<16xi32>
    tpu.vector_store_idx %arg7[%add3A_655], %broadcast_in_dim3A_652 : memref<3200xi32, #tpu.memory_space<vmem>>[vector<16xi32>], vector<16xi32>,
    %add3A_656 = arith.constant 1536 : i32
    %add3A_657 = vector.broadcast %add3A_656 : i32 to vector<16xi32>
    %add3A_658 = arith.addi %add3A_657, %iota3A : vector<16xi32>
    tpu.vector_store_idx %arg7[%add3A_658], %broadcast_in_dim3A_652 : memref<3200xi32, #tpu.memory_space<vmem>>[vector<16xi32>], vector<16xi32>,
    %add3A_659 = arith.constant 2336 : i32
    %add3A_660 = vector.broadcast %add3A_659 : i32 to vector<16xi32>
    %add3A_661 = arith.addi %add3A_660, %iota3A : vector<16xi32>
    tpu.vector_store_idx %arg7[%add3A_661], %broadcast_in_dim3A_652 : memref<3200xi32, #tpu.memory_space<vmem>>[vector<16xi32>], vector<16xi32>,
    %add3A_662 = arith.constant 3136 : i32
    %add3A_663 = vector.broadcast %add3A_662 : i32 to vector<16xi32>
    %add3A_664 = arith.addi %add3A_663, %iota3A : vector<16xi32>
    tpu.vector_store_idx %arg7[%add3A_664], %broadcast_in_dim3A_652 : memref<3200xi32, #tpu.memory_space<vmem>>[vector<16xi32>], vector<16xi32>,
    %broadcast_in_dim3A_665 = arith.constant 47 : i32
    %broadcast_in_dim3A_666 = vector.broadcast %broadcast_in_dim3A_665 : i32 to vector<16xi32>
    %add3A_667 = arith.constant 752 : i32
    %add3A_668 = vector.broadcast %add3A_667 : i32 to vector<16xi32>
    %add3A_669 = arith.addi %add3A_668, %iota3A : vector<16xi32>
    tpu.vector_store_idx %arg7[%add3A_669], %broadcast_in_dim3A_666 : memref<3200xi32, #tpu.memory_space<vmem>>[vector<16xi32>], vector<16xi32>,
    %add3A_670 = arith.constant 1552 : i32
    %add3A_671 = vector.broadcast %add3A_670 : i32 to vector<16xi32>
    %add3A_672 = arith.addi %add3A_671, %iota3A : vector<16xi32>
    tpu.vector_store_idx %arg7[%add3A_672], %broadcast_in_dim3A_666 : memref<3200xi32, #tpu.memory_space<vmem>>[vector<16xi32>], vector<16xi32>,
    %add3A_673 = arith.constant 2352 : i32
    %add3A_674 = vector.broadcast %add3A_673 : i32 to vector<16xi32>
    %add3A_675 = arith.addi %add3A_674, %iota3A : vector<16xi32>
    tpu.vector_store_idx %arg7[%add3A_675], %broadcast_in_dim3A_666 : memref<3200xi32, #tpu.memory_space<vmem>>[vector<16xi32>], vector<16xi32>,
    %add3A_676 = arith.constant 3152 : i32
    %add3A_677 = vector.broadcast %add3A_676 : i32 to vector<16xi32>
    %add3A_678 = arith.addi %add3A_677, %iota3A : vector<16xi32>
    tpu.vector_store_idx %arg7[%add3A_678], %broadcast_in_dim3A_666 : memref<3200xi32, #tpu.memory_space<vmem>>[vector<16xi32>], vector<16xi32>,
    %broadcast_in_dim3A_679 = arith.constant 48 : i32
    %broadcast_in_dim3A_680 = vector.broadcast %broadcast_in_dim3A_679 : i32 to vector<16xi32>
    %add3A_681 = arith.constant 768 : i32
    %add3A_682 = vector.broadcast %add3A_681 : i32 to vector<16xi32>
    %add3A_683 = arith.addi %add3A_682, %iota3A : vector<16xi32>
    tpu.vector_store_idx %arg7[%add3A_683], %broadcast_in_dim3A_680 : memref<3200xi32, #tpu.memory_space<vmem>>[vector<16xi32>], vector<16xi32>,
    %add3A_684 = arith.constant 1568 : i32
    %add3A_685 = vector.broadcast %add3A_684 : i32 to vector<16xi32>
    %add3A_686 = arith.addi %add3A_685, %iota3A : vector<16xi32>
    tpu.vector_store_idx %arg7[%add3A_686], %broadcast_in_dim3A_680 : memref<3200xi32, #tpu.memory_space<vmem>>[vector<16xi32>], vector<16xi32>,
    %add3A_687 = arith.constant 2368 : i32
    %add3A_688 = vector.broadcast %add3A_687 : i32 to vector<16xi32>
    %add3A_689 = arith.addi %add3A_688, %iota3A : vector<16xi32>
    tpu.vector_store_idx %arg7[%add3A_689], %broadcast_in_dim3A_680 : memref<3200xi32, #tpu.memory_space<vmem>>[vector<16xi32>], vector<16xi32>,
    %add3A_690 = arith.constant 3168 : i32
    %add3A_691 = vector.broadcast %add3A_690 : i32 to vector<16xi32>
    %add3A_692 = arith.addi %add3A_691, %iota3A : vector<16xi32>
    tpu.vector_store_idx %arg7[%add3A_692], %broadcast_in_dim3A_680 : memref<3200xi32, #tpu.memory_space<vmem>>[vector<16xi32>], vector<16xi32>,
    %broadcast_in_dim3A_693 = arith.constant 49 : i32
    %broadcast_in_dim3A_694 = vector.broadcast %broadcast_in_dim3A_693 : i32 to vector<16xi32>
    %add3A_695 = arith.constant 784 : i32
    %add3A_696 = vector.broadcast %add3A_695 : i32 to vector<16xi32>
    %add3A_697 = arith.addi %add3A_696, %iota3A : vector<16xi32>
    tpu.vector_store_idx %arg7[%add3A_697], %broadcast_in_dim3A_694 : memref<3200xi32, #tpu.memory_space<vmem>>[vector<16xi32>], vector<16xi32>,
    %add3A_698 = arith.constant 1584 : i32
    %add3A_699 = vector.broadcast %add3A_698 : i32 to vector<16xi32>
    %add3A_700 = arith.addi %add3A_699, %iota3A : vector<16xi32>
    tpu.vector_store_idx %arg7[%add3A_700], %broadcast_in_dim3A_694 : memref<3200xi32, #tpu.memory_space<vmem>>[vector<16xi32>], vector<16xi32>,
    %add3A_701 = arith.constant 2384 : i32
    %add3A_702 = vector.broadcast %add3A_701 : i32 to vector<16xi32>
    %add3A_703 = arith.addi %add3A_702, %iota3A : vector<16xi32>
    tpu.vector_store_idx %arg7[%add3A_703], %broadcast_in_dim3A_694 : memref<3200xi32, #tpu.memory_space<vmem>>[vector<16xi32>], vector<16xi32>,
    %add3A_704 = arith.constant 3184 : i32
    %add3A_705 = vector.broadcast %add3A_704 : i32 to vector<16xi32>
    %add3A_706 = arith.addi %add3A_705, %iota3A : vector<16xi32>
    tpu.vector_store_idx %arg7[%add3A_706], %broadcast_in_dim3A_694 : memref<3200xi32, #tpu.memory_space<vmem>>[vector<16xi32>], vector<16xi32>,
    %broadcast_in_dim3A_707 = arith.constant 0.000000e+00 : f32
    %broadcast_in_dim3A_708 = vector.broadcast %broadcast_in_dim3A_707 : f32 to vector<16xf32>
    %scan3A = arith.constant 0 : i32
    %scan3A_709 = arith.constant 49 : i32
    %scan3A_710 = arith.addi %scan3A, %scan3A_709 : i32
    %scan3A_711 = arith.constant 1 : i32
    %scan3A_712:4 = scf.for %scan3A_1448 = %scan3A to %scan3A_710 step %scan3A_711 iter_args(%scan3A_1449 = %broadcast_in_dim3A_708, %scan3A_1450 = %broadcast_in_dim3A_708, %scan3A_1451 = %broadcast_in_dim3A_708, %scan3A_1452 = %broadcast_in_dim3A_708) -> (vector<16xf32>, vector<16xf32>, vector<16xf32>, vector<16xf32>)  : i32 {
      %add3A_1453 = arith.constant 0 : i32
      %add3A_1454 = arith.addi %add3A_1453, %scan3A_1448 : i32
      %add3A_1455 = vector.broadcast %add3A_1454 : i32 to vector<16xi32>
      %add3A_1456 = arith.addi %add3A_1455, %mul3A_7 : vector<16xi32>
      %gather3A = tpu.vector_load_idx %arg6[%add3A_1456] : memref<6272xi32, #tpu.memory_space<vmem>>[vector<16xi32>], vector<16xi32>,
      %and3A = arith.constant 63 : i32
      %and3A_1457 = vector.broadcast %and3A : i32 to vector<16xi32>
      %and3A_1458 = arith.andi %gather3A, %and3A_1457 : vector<16xi32>
      %shift_right_arithmetic3A = arith.constant 6 : i32
      %shift_right_arithmetic3A_1459 = vector.broadcast %shift_right_arithmetic3A : i32 to vector<16xi32>
      %shift_right_arithmetic3A_1460 = arith.shrsi %gather3A, %shift_right_arithmetic3A_1459 : vector<16xi32>
      %and3A_1461 = arith.constant 63 : i32
      %and3A_1462 = vector.broadcast %and3A_1461 : i32 to vector<16xi32>
      %and3A_1463 = arith.andi %shift_right_arithmetic3A_1460, %and3A_1462 : vector<16xi32>
      %shift_right_arithmetic3A_1464 = arith.constant 12 : i32
      %shift_right_arithmetic3A_1465 = vector.broadcast %shift_right_arithmetic3A_1464 : i32 to vector<16xi32>
      %shift_right_arithmetic3A_1466 = arith.shrsi %gather3A, %shift_right_arithmetic3A_1465 : vector<16xi32>
      %mul3A_1467 = arith.constant 16 : i32
      %mul3A_1468 = vector.broadcast %mul3A_1467 : i32 to vector<16xi32>
      %mul3A_1469 = arith.muli %and3A_1463, %mul3A_1468 : vector<16xi32>
      %add3A_1470 = arith.constant 0 : i32
      %add3A_1471 = vector.broadcast %add3A_1470 : i32 to vector<16xi32>
      %add3A_1472 = arith.addi %add3A_1471, %mul3A_1469 : vector<16xi32>
      %add3A_1473 = arith.addi %add3A_1472, %iota3A : vector<16xi32>
      %gather3A_1474 = tpu.vector_load_idx %arg7[%add3A_1473] : memref<3200xi32, #tpu.memory_space<vmem>>[vector<16xi32>], vector<16xi32>,
      %mul3A_1475 = arith.constant 16 : i32
      %mul3A_1476 = vector.broadcast %mul3A_1475 : i32 to vector<16xi32>
      %mul3A_1477 = arith.muli %and3A_1458, %mul3A_1476 : vector<16xi32>
      %add3A_1478 = arith.constant 0 : i32
      %add3A_1479 = vector.broadcast %add3A_1478 : i32 to vector<16xi32>
      %add3A_1480 = arith.addi %add3A_1479, %mul3A_1477 : vector<16xi32>
      %add3A_1481 = arith.addi %add3A_1480, %iota3A : vector<16xi32>
      %gather3A_1482 = tpu.vector_load_idx %arg7[%add3A_1481] : memref<3200xi32, #tpu.memory_space<vmem>>[vector<16xi32>], vector<16xi32>,
      %shift_left3A = arith.constant 13 : i32
      %shift_left3A_1483 = vector.broadcast %shift_left3A : i32 to vector<16xi32>
      %shift_left3A_1484 = arith.shli %shift_right_arithmetic3A_1466, %shift_left3A_1483 : vector<16xi32>
      %shift_left3A_1485 = arith.constant 7 : i32
      %shift_left3A_1486 = vector.broadcast %shift_left3A_1485 : i32 to vector<16xi32>
      %shift_left3A_1487 = arith.shli %gather3A_1474, %shift_left3A_1486 : vector<16xi32>
      %add3A_1488 = arith.addi %shift_left3A_1484, %shift_left3A_1487 : vector<16xi32>
      %add3A_1489 = arith.addi %add3A_1488, %gather3A_1482 : vector<16xi32>
      %gather3A_1490 = tpu.vector_load_idx %arg5[%add3A_1489] : memref<24576xf32, #tpu.memory_space<vmem>>[vector<16xi32>], vector<16xf32>,
      %mul3A_1491 = arith.constant 16 : i32
      %mul3A_1492 = vector.broadcast %mul3A_1491 : i32 to vector<16xi32>
      %mul3A_1493 = arith.muli %and3A_1463, %mul3A_1492 : vector<16xi32>
      %add3A_1494 = arith.constant 0 : i32
      %add3A_1495 = vector.broadcast %add3A_1494 : i32 to vector<16xi32>
      %add3A_1496 = arith.addi %add3A_1495, %mul3A_1493 : vector<16xi32>
      %add3A_1497 = arith.addi %add3A_1496, %iota3A : vector<16xi32>
      %eq3A = arith.constant 2 : i32
      %eq3A_1498 = vector.broadcast %eq3A : i32 to vector<16xi32>
      %eq3A_1499 = arith.cmpi eq, %shift_right_arithmetic3A_1466, %eq3A_1498 : vector<16xi32>
      tpu.vector_store_idx %arg7[%add3A_1497], %gather3A_1482 masked %eq3A_1499 : memref<3200xi32, #tpu.memory_space<vmem>>[vector<16xi32>], vector<16xi32>, vector<16xi1>
      %add3A_1500 = arith.addf %scan3A_1449, %gather3A_1490 : vector<16xf32>
      %add3A_1501 = arith.constant 784 : i32
      %add3A_1502 = arith.addi %add3A_1501, %scan3A_1448 : i32
      %add3A_1503 = vector.broadcast %add3A_1502 : i32 to vector<16xi32>
      %add3A_1504 = arith.addi %add3A_1503, %mul3A_7 : vector<16xi32>
      %gather3A_1505 = tpu.vector_load_idx %arg6[%add3A_1504] : memref<6272xi32, #tpu.memory_space<vmem>>[vector<16xi32>], vector<16xi32>,
      %and3A_1506 = arith.constant 63 : i32
      %and3A_1507 = vector.broadcast %and3A_1506 : i32 to vector<16xi32>
      %and3A_1508 = arith.andi %gather3A_1505, %and3A_1507 : vector<16xi32>
      %shift_right_arithmetic3A_1509 = arith.constant 6 : i32
      %shift_right_arithmetic3A_1510 = vector.broadcast %shift_right_arithmetic3A_1509 : i32 to vector<16xi32>
      %shift_right_arithmetic3A_1511 = arith.shrsi %gather3A_1505, %shift_right_arithmetic3A_1510 : vector<16xi32>
      %and3A_1512 = arith.constant 63 : i32
      %and3A_1513 = vector.broadcast %and3A_1512 : i32 to vector<16xi32>
      %and3A_1514 = arith.andi %shift_right_arithmetic3A_1511, %and3A_1513 : vector<16xi32>
      %shift_right_arithmetic3A_1515 = arith.constant 12 : i32
      %shift_right_arithmetic3A_1516 = vector.broadcast %shift_right_arithmetic3A_1515 : i32 to vector<16xi32>
      %shift_right_arithmetic3A_1517 = arith.shrsi %gather3A_1505, %shift_right_arithmetic3A_1516 : vector<16xi32>
      %mul3A_1518 = arith.constant 16 : i32
      %mul3A_1519 = vector.broadcast %mul3A_1518 : i32 to vector<16xi32>
      %mul3A_1520 = arith.muli %and3A_1514, %mul3A_1519 : vector<16xi32>
      %add3A_1521 = arith.constant 800 : i32
      %add3A_1522 = vector.broadcast %add3A_1521 : i32 to vector<16xi32>
      %add3A_1523 = arith.addi %add3A_1522, %mul3A_1520 : vector<16xi32>
      %add3A_1524 = arith.addi %add3A_1523, %iota3A : vector<16xi32>
      %gather3A_1525 = tpu.vector_load_idx %arg7[%add3A_1524] : memref<3200xi32, #tpu.memory_space<vmem>>[vector<16xi32>], vector<16xi32>,
      %mul3A_1526 = arith.constant 16 : i32
      %mul3A_1527 = vector.broadcast %mul3A_1526 : i32 to vector<16xi32>
      %mul3A_1528 = arith.muli %and3A_1508, %mul3A_1527 : vector<16xi32>
      %add3A_1529 = arith.constant 800 : i32
      %add3A_1530 = vector.broadcast %add3A_1529 : i32 to vector<16xi32>
      %add3A_1531 = arith.addi %add3A_1530, %mul3A_1528 : vector<16xi32>
      %add3A_1532 = arith.addi %add3A_1531, %iota3A : vector<16xi32>
      %gather3A_1533 = tpu.vector_load_idx %arg7[%add3A_1532] : memref<3200xi32, #tpu.memory_space<vmem>>[vector<16xi32>], vector<16xi32>,
      %shift_left3A_1534 = arith.constant 13 : i32
      %shift_left3A_1535 = vector.broadcast %shift_left3A_1534 : i32 to vector<16xi32>
      %shift_left3A_1536 = arith.shli %shift_right_arithmetic3A_1517, %shift_left3A_1535 : vector<16xi32>
      %shift_left3A_1537 = arith.constant 7 : i32
      %shift_left3A_1538 = vector.broadcast %shift_left3A_1537 : i32 to vector<16xi32>
      %shift_left3A_1539 = arith.shli %gather3A_1525, %shift_left3A_1538 : vector<16xi32>
      %add3A_1540 = arith.addi %shift_left3A_1536, %shift_left3A_1539 : vector<16xi32>
      %add3A_1541 = arith.addi %add3A_1540, %gather3A_1533 : vector<16xi32>
      %gather3A_1542 = tpu.vector_load_idx %arg5[%add3A_1541] : memref<24576xf32, #tpu.memory_space<vmem>>[vector<16xi32>], vector<16xf32>,
      %mul3A_1543 = arith.constant 16 : i32
      %mul3A_1544 = vector.broadcast %mul3A_1543 : i32 to vector<16xi32>
      %mul3A_1545 = arith.muli %and3A_1514, %mul3A_1544 : vector<16xi32>
      %add3A_1546 = arith.constant 800 : i32
      %add3A_1547 = vector.broadcast %add3A_1546 : i32 to vector<16xi32>
      %add3A_1548 = arith.addi %add3A_1547, %mul3A_1545 : vector<16xi32>
      %add3A_1549 = arith.addi %add3A_1548, %iota3A : vector<16xi32>
      %eq3A_1550 = arith.constant 2 : i32
      %eq3A_1551 = vector.broadcast %eq3A_1550 : i32 to vector<16xi32>
      %eq3A_1552 = arith.cmpi eq, %shift_right_arithmetic3A_1517, %eq3A_1551 : vector<16xi32>
      tpu.vector_store_idx %arg7[%add3A_1549], %gather3A_1533 masked %eq3A_1552 : memref<3200xi32, #tpu.memory_space<vmem>>[vector<16xi32>], vector<16xi32>, vector<16xi1>
      %add3A_1553 = arith.addf %scan3A_1450, %gather3A_1542 : vector<16xf32>
      %add3A_1554 = arith.constant 1568 : i32
      %add3A_1555 = arith.addi %add3A_1554, %scan3A_1448 : i32
      %add3A_1556 = vector.broadcast %add3A_1555 : i32 to vector<16xi32>
      %add3A_1557 = arith.addi %add3A_1556, %mul3A_7 : vector<16xi32>
      %gather3A_1558 = tpu.vector_load_idx %arg6[%add3A_1557] : memref<6272xi32, #tpu.memory_space<vmem>>[vector<16xi32>], vector<16xi32>,
      %and3A_1559 = arith.constant 63 : i32
      %and3A_1560 = vector.broadcast %and3A_1559 : i32 to vector<16xi32>
      %and3A_1561 = arith.andi %gather3A_1558, %and3A_1560 : vector<16xi32>
      %shift_right_arithmetic3A_1562 = arith.constant 6 : i32
      %shift_right_arithmetic3A_1563 = vector.broadcast %shift_right_arithmetic3A_1562 : i32 to vector<16xi32>
      %shift_right_arithmetic3A_1564 = arith.shrsi %gather3A_1558, %shift_right_arithmetic3A_1563 : vector<16xi32>
      %and3A_1565 = arith.constant 63 : i32
      %and3A_1566 = vector.broadcast %and3A_1565 : i32 to vector<16xi32>
      %and3A_1567 = arith.andi %shift_right_arithmetic3A_1564, %and3A_1566 : vector<16xi32>
      %shift_right_arithmetic3A_1568 = arith.constant 12 : i32
      %shift_right_arithmetic3A_1569 = vector.broadcast %shift_right_arithmetic3A_1568 : i32 to vector<16xi32>
      %shift_right_arithmetic3A_1570 = arith.shrsi %gather3A_1558, %shift_right_arithmetic3A_1569 : vector<16xi32>
      %mul3A_1571 = arith.constant 16 : i32
      %mul3A_1572 = vector.broadcast %mul3A_1571 : i32 to vector<16xi32>
      %mul3A_1573 = arith.muli %and3A_1567, %mul3A_1572 : vector<16xi32>
      %add3A_1574 = arith.constant 1600 : i32
      %add3A_1575 = vector.broadcast %add3A_1574 : i32 to vector<16xi32>
      %add3A_1576 = arith.addi %add3A_1575, %mul3A_1573 : vector<16xi32>
      %add3A_1577 = arith.addi %add3A_1576, %iota3A : vector<16xi32>
      %gather3A_1578 = tpu.vector_load_idx %arg7[%add3A_1577] : memref<3200xi32, #tpu.memory_space<vmem>>[vector<16xi32>], vector<16xi32>,
      %mul3A_1579 = arith.constant 16 : i32
      %mul3A_1580 = vector.broadcast %mul3A_1579 : i32 to vector<16xi32>
      %mul3A_1581 = arith.muli %and3A_1561, %mul3A_1580 : vector<16xi32>
      %add3A_1582 = arith.constant 1600 : i32
      %add3A_1583 = vector.broadcast %add3A_1582 : i32 to vector<16xi32>
      %add3A_1584 = arith.addi %add3A_1583, %mul3A_1581 : vector<16xi32>
      %add3A_1585 = arith.addi %add3A_1584, %iota3A : vector<16xi32>
      %gather3A_1586 = tpu.vector_load_idx %arg7[%add3A_1585] : memref<3200xi32, #tpu.memory_space<vmem>>[vector<16xi32>], vector<16xi32>,
      %shift_left3A_1587 = arith.constant 13 : i32
      %shift_left3A_1588 = vector.broadcast %shift_left3A_1587 : i32 to vector<16xi32>
      %shift_left3A_1589 = arith.shli %shift_right_arithmetic3A_1570, %shift_left3A_1588 : vector<16xi32>
      %shift_left3A_1590 = arith.constant 7 : i32
      %shift_left3A_1591 = vector.broadcast %shift_left3A_1590 : i32 to vector<16xi32>
      %shift_left3A_1592 = arith.shli %gather3A_1578, %shift_left3A_1591 : vector<16xi32>
      %add3A_1593 = arith.addi %shift_left3A_1589, %shift_left3A_1592 : vector<16xi32>
      %add3A_1594 = arith.addi %add3A_1593, %gather3A_1586 : vector<16xi32>
      %gather3A_1595 = tpu.vector_load_idx %arg5[%add3A_1594] : memref<24576xf32, #tpu.memory_space<vmem>>[vector<16xi32>], vector<16xf32>,
      %mul3A_1596 = arith.constant 16 : i32
      %mul3A_1597 = vector.broadcast %mul3A_1596 : i32 to vector<16xi32>
      %mul3A_1598 = arith.muli %and3A_1567, %mul3A_1597 : vector<16xi32>
      %add3A_1599 = arith.constant 1600 : i32
      %add3A_1600 = vector.broadcast %add3A_1599 : i32 to vector<16xi32>
      %add3A_1601 = arith.addi %add3A_1600, %mul3A_1598 : vector<16xi32>
      %add3A_1602 = arith.addi %add3A_1601, %iota3A : vector<16xi32>
      %eq3A_1603 = arith.constant 2 : i32
      %eq3A_1604 = vector.broadcast %eq3A_1603 : i32 to vector<16xi32>
      %eq3A_1605 = arith.cmpi eq, %shift_right_arithmetic3A_1570, %eq3A_1604 : vector<16xi32>
      tpu.vector_store_idx %arg7[%add3A_1602], %gather3A_1586 masked %eq3A_1605 : memref<3200xi32, #tpu.memory_space<vmem>>[vector<16xi32>], vector<16xi32>, vector<16xi1>
      %add3A_1606 = arith.addf %scan3A_1451, %gather3A_1595 : vector<16xf32>
      %add3A_1607 = arith.constant 2352 : i32
      %add3A_1608 = arith.addi %add3A_1607, %scan3A_1448 : i32
      %add3A_1609 = vector.broadcast %add3A_1608 : i32 to vector<16xi32>
      %add3A_1610 = arith.addi %add3A_1609, %mul3A_7 : vector<16xi32>
      %gather3A_1611 = tpu.vector_load_idx %arg6[%add3A_1610] : memref<6272xi32, #tpu.memory_space<vmem>>[vector<16xi32>], vector<16xi32>,
      %and3A_1612 = arith.constant 63 : i32
      %and3A_1613 = vector.broadcast %and3A_1612 : i32 to vector<16xi32>
      %and3A_1614 = arith.andi %gather3A_1611, %and3A_1613 : vector<16xi32>
      %shift_right_arithmetic3A_1615 = arith.constant 6 : i32
      %shift_right_arithmetic3A_1616 = vector.broadcast %shift_right_arithmetic3A_1615 : i32 to vector<16xi32>
      %shift_right_arithmetic3A_1617 = arith.shrsi %gather3A_1611, %shift_right_arithmetic3A_1616 : vector<16xi32>
      %and3A_1618 = arith.constant 63 : i32
      %and3A_1619 = vector.broadcast %and3A_1618 : i32 to vector<16xi32>
      %and3A_1620 = arith.andi %shift_right_arithmetic3A_1617, %and3A_1619 : vector<16xi32>
      %shift_right_arithmetic3A_1621 = arith.constant 12 : i32
      %shift_right_arithmetic3A_1622 = vector.broadcast %shift_right_arithmetic3A_1621 : i32 to vector<16xi32>
      %shift_right_arithmetic3A_1623 = arith.shrsi %gather3A_1611, %shift_right_arithmetic3A_1622 : vector<16xi32>
      %mul3A_1624 = arith.constant 16 : i32
      %mul3A_1625 = vector.broadcast %mul3A_1624 : i32 to vector<16xi32>
      %mul3A_1626 = arith.muli %and3A_1620, %mul3A_1625 : vector<16xi32>
      %add3A_1627 = arith.constant 2400 : i32
      %add3A_1628 = vector.broadcast %add3A_1627 : i32 to vector<16xi32>
      %add3A_1629 = arith.addi %add3A_1628, %mul3A_1626 : vector<16xi32>
      %add3A_1630 = arith.addi %add3A_1629, %iota3A : vector<16xi32>
      %gather3A_1631 = tpu.vector_load_idx %arg7[%add3A_1630] : memref<3200xi32, #tpu.memory_space<vmem>>[vector<16xi32>], vector<16xi32>,
      %mul3A_1632 = arith.constant 16 : i32
      %mul3A_1633 = vector.broadcast %mul3A_1632 : i32 to vector<16xi32>
      %mul3A_1634 = arith.muli %and3A_1614, %mul3A_1633 : vector<16xi32>
      %add3A_1635 = arith.constant 2400 : i32
      %add3A_1636 = vector.broadcast %add3A_1635 : i32 to vector<16xi32>
      %add3A_1637 = arith.addi %add3A_1636, %mul3A_1634 : vector<16xi32>
      %add3A_1638 = arith.addi %add3A_1637, %iota3A : vector<16xi32>
      %gather3A_1639 = tpu.vector_load_idx %arg7[%add3A_1638] : memref<3200xi32, #tpu.memory_space<vmem>>[vector<16xi32>], vector<16xi32>,
      %shift_left3A_1640 = arith.constant 13 : i32
      %shift_left3A_1641 = vector.broadcast %shift_left3A_1640 : i32 to vector<16xi32>
      %shift_left3A_1642 = arith.shli %shift_right_arithmetic3A_1623, %shift_left3A_1641 : vector<16xi32>
      %shift_left3A_1643 = arith.constant 7 : i32
      %shift_left3A_1644 = vector.broadcast %shift_left3A_1643 : i32 to vector<16xi32>
      %shift_left3A_1645 = arith.shli %gather3A_1631, %shift_left3A_1644 : vector<16xi32>
      %add3A_1646 = arith.addi %shift_left3A_1642, %shift_left3A_1645 : vector<16xi32>
      %add3A_1647 = arith.addi %add3A_1646, %gather3A_1639 : vector<16xi32>
      %gather3A_1648 = tpu.vector_load_idx %arg5[%add3A_1647] : memref<24576xf32, #tpu.memory_space<vmem>>[vector<16xi32>], vector<16xf32>,
      %mul3A_1649 = arith.constant 16 : i32
      %mul3A_1650 = vector.broadcast %mul3A_1649 : i32 to vector<16xi32>
      %mul3A_1651 = arith.muli %and3A_1620, %mul3A_1650 : vector<16xi32>
      %add3A_1652 = arith.constant 2400 : i32
      %add3A_1653 = vector.broadcast %add3A_1652 : i32 to vector<16xi32>
      %add3A_1654 = arith.addi %add3A_1653, %mul3A_1651 : vector<16xi32>
      %add3A_1655 = arith.addi %add3A_1654, %iota3A : vector<16xi32>
      %eq3A_1656 = arith.constant 2 : i32
      %eq3A_1657 = vector.broadcast %eq3A_1656 : i32 to vector<16xi32>
      %eq3A_1658 = arith.cmpi eq, %shift_right_arithmetic3A_1623, %eq3A_1657 : vector<16xi32>
      tpu.vector_store_idx %arg7[%add3A_1655], %gather3A_1639 masked %eq3A_1658 : memref<3200xi32, #tpu.memory_space<vmem>>[vector<16xi32>], vector<16xi32>, vector<16xi1>
      %add3A_1659 = arith.addf %scan3A_1452, %gather3A_1648 : vector<16xf32>
      scf.yield %add3A_1500, %add3A_1553, %add3A_1606, %add3A_1659 : vector<16xf32>, vector<16xf32>, vector<16xf32>, vector<16xf32>
    }
    %scan3A_713 = arith.constant 49 : i32
    %add3A_714 = arith.constant 0 : i32
    %add3A_715 = vector.broadcast %add3A_714 : i32 to vector<16xi32>
    %add3A_716 = arith.addi %add3A_715, %iota3A : vector<16xi32>
    tpu.vector_store_idx %arg8[%add3A_716], %scan3A_712#0 : memref<128xf32, #tpu.memory_space<vmem>>[vector<16xi32>], vector<16xf32>,
    %add3A_717 = arith.constant 16 : i32
    %add3A_718 = vector.broadcast %add3A_717 : i32 to vector<16xi32>
    %add3A_719 = arith.addi %add3A_718, %iota3A : vector<16xi32>
    tpu.vector_store_idx %arg8[%add3A_719], %scan3A_712#1 : memref<128xf32, #tpu.memory_space<vmem>>[vector<16xi32>], vector<16xf32>,
    %add3A_720 = arith.constant 32 : i32
    %add3A_721 = vector.broadcast %add3A_720 : i32 to vector<16xi32>
    %add3A_722 = arith.addi %add3A_721, %iota3A : vector<16xi32>
    tpu.vector_store_idx %arg8[%add3A_722], %scan3A_712#2 : memref<128xf32, #tpu.memory_space<vmem>>[vector<16xi32>], vector<16xf32>,
    %add3A_723 = arith.constant 48 : i32
    %add3A_724 = vector.broadcast %add3A_723 : i32 to vector<16xi32>
    %add3A_725 = arith.addi %add3A_724, %iota3A : vector<16xi32>
    tpu.vector_store_idx %arg8[%add3A_725], %scan3A_712#3 : memref<128xf32, #tpu.memory_space<vmem>>[vector<16xi32>], vector<16xf32>,
    %broadcast_in_dim3A_726 = arith.constant 0 : i32
    %broadcast_in_dim3A_727 = vector.broadcast %broadcast_in_dim3A_726 : i32 to vector<16xi32>
    %add3A_728 = arith.constant 0 : i32
    %add3A_729 = vector.broadcast %add3A_728 : i32 to vector<16xi32>
    %add3A_730 = arith.addi %add3A_729, %iota3A : vector<16xi32>
    tpu.vector_store_idx %arg7[%add3A_730], %broadcast_in_dim3A_727 : memref<3200xi32, #tpu.memory_space<vmem>>[vector<16xi32>], vector<16xi32>,
    %add3A_731 = arith.constant 800 : i32
    %add3A_732 = vector.broadcast %add3A_731 : i32 to vector<16xi32>
    %add3A_733 = arith.addi %add3A_732, %iota3A : vector<16xi32>
    tpu.vector_store_idx %arg7[%add3A_733], %broadcast_in_dim3A_727 : memref<3200xi32, #tpu.memory_space<vmem>>[vector<16xi32>], vector<16xi32>,
    %add3A_734 = arith.constant 1600 : i32
    %add3A_735 = vector.broadcast %add3A_734 : i32 to vector<16xi32>
    %add3A_736 = arith.addi %add3A_735, %iota3A : vector<16xi32>
    tpu.vector_store_idx %arg7[%add3A_736], %broadcast_in_dim3A_727 : memref<3200xi32, #tpu.memory_space<vmem>>[vector<16xi32>], vector<16xi32>,
    %add3A_737 = arith.constant 2400 : i32
    %add3A_738 = vector.broadcast %add3A_737 : i32 to vector<16xi32>
    %add3A_739 = arith.addi %add3A_738, %iota3A : vector<16xi32>
    tpu.vector_store_idx %arg7[%add3A_739], %broadcast_in_dim3A_727 : memref<3200xi32, #tpu.memory_space<vmem>>[vector<16xi32>], vector<16xi32>,
    %broadcast_in_dim3A_740 = arith.constant 1 : i32
    %broadcast_in_dim3A_741 = vector.broadcast %broadcast_in_dim3A_740 : i32 to vector<16xi32>
    %add3A_742 = arith.constant 16 : i32
    %add3A_743 = vector.broadcast %add3A_742 : i32 to vector<16xi32>
    %add3A_744 = arith.addi %add3A_743, %iota3A : vector<16xi32>
    tpu.vector_store_idx %arg7[%add3A_744], %broadcast_in_dim3A_741 : memref<3200xi32, #tpu.memory_space<vmem>>[vector<16xi32>], vector<16xi32>,
    %add3A_745 = arith.constant 816 : i32
    %add3A_746 = vector.broadcast %add3A_745 : i32 to vector<16xi32>
    %add3A_747 = arith.addi %add3A_746, %iota3A : vector<16xi32>
    tpu.vector_store_idx %arg7[%add3A_747], %broadcast_in_dim3A_741 : memref<3200xi32, #tpu.memory_space<vmem>>[vector<16xi32>], vector<16xi32>,
    %add3A_748 = arith.constant 1616 : i32
    %add3A_749 = vector.broadcast %add3A_748 : i32 to vector<16xi32>
    %add3A_750 = arith.addi %add3A_749, %iota3A : vector<16xi32>
    tpu.vector_store_idx %arg7[%add3A_750], %broadcast_in_dim3A_741 : memref<3200xi32, #tpu.memory_space<vmem>>[vector<16xi32>], vector<16xi32>,
    %add3A_751 = arith.constant 2416 : i32
    %add3A_752 = vector.broadcast %add3A_751 : i32 to vector<16xi32>
    %add3A_753 = arith.addi %add3A_752, %iota3A : vector<16xi32>
    tpu.vector_store_idx %arg7[%add3A_753], %broadcast_in_dim3A_741 : memref<3200xi32, #tpu.memory_space<vmem>>[vector<16xi32>], vector<16xi32>,
    %broadcast_in_dim3A_754 = arith.constant 2 : i32
    %broadcast_in_dim3A_755 = vector.broadcast %broadcast_in_dim3A_754 : i32 to vector<16xi32>
    %add3A_756 = arith.constant 32 : i32
    %add3A_757 = vector.broadcast %add3A_756 : i32 to vector<16xi32>
    %add3A_758 = arith.addi %add3A_757, %iota3A : vector<16xi32>
    tpu.vector_store_idx %arg7[%add3A_758], %broadcast_in_dim3A_755 : memref<3200xi32, #tpu.memory_space<vmem>>[vector<16xi32>], vector<16xi32>,
    %add3A_759 = arith.constant 832 : i32
    %add3A_760 = vector.broadcast %add3A_759 : i32 to vector<16xi32>
    %add3A_761 = arith.addi %add3A_760, %iota3A : vector<16xi32>
    tpu.vector_store_idx %arg7[%add3A_761], %broadcast_in_dim3A_755 : memref<3200xi32, #tpu.memory_space<vmem>>[vector<16xi32>], vector<16xi32>,
    %add3A_762 = arith.constant 1632 : i32
    %add3A_763 = vector.broadcast %add3A_762 : i32 to vector<16xi32>
    %add3A_764 = arith.addi %add3A_763, %iota3A : vector<16xi32>
    tpu.vector_store_idx %arg7[%add3A_764], %broadcast_in_dim3A_755 : memref<3200xi32, #tpu.memory_space<vmem>>[vector<16xi32>], vector<16xi32>,
    %add3A_765 = arith.constant 2432 : i32
    %add3A_766 = vector.broadcast %add3A_765 : i32 to vector<16xi32>
    %add3A_767 = arith.addi %add3A_766, %iota3A : vector<16xi32>
    tpu.vector_store_idx %arg7[%add3A_767], %broadcast_in_dim3A_755 : memref<3200xi32, #tpu.memory_space<vmem>>[vector<16xi32>], vector<16xi32>,
    %broadcast_in_dim3A_768 = arith.constant 3 : i32
    %broadcast_in_dim3A_769 = vector.broadcast %broadcast_in_dim3A_768 : i32 to vector<16xi32>
    %add3A_770 = arith.constant 48 : i32
    %add3A_771 = vector.broadcast %add3A_770 : i32 to vector<16xi32>
    %add3A_772 = arith.addi %add3A_771, %iota3A : vector<16xi32>
    tpu.vector_store_idx %arg7[%add3A_772], %broadcast_in_dim3A_769 : memref<3200xi32, #tpu.memory_space<vmem>>[vector<16xi32>], vector<16xi32>,
    %add3A_773 = arith.constant 848 : i32
    %add3A_774 = vector.broadcast %add3A_773 : i32 to vector<16xi32>
    %add3A_775 = arith.addi %add3A_774, %iota3A : vector<16xi32>
    tpu.vector_store_idx %arg7[%add3A_775], %broadcast_in_dim3A_769 : memref<3200xi32, #tpu.memory_space<vmem>>[vector<16xi32>], vector<16xi32>,
    %add3A_776 = arith.constant 1648 : i32
    %add3A_777 = vector.broadcast %add3A_776 : i32 to vector<16xi32>
    %add3A_778 = arith.addi %add3A_777, %iota3A : vector<16xi32>
    tpu.vector_store_idx %arg7[%add3A_778], %broadcast_in_dim3A_769 : memref<3200xi32, #tpu.memory_space<vmem>>[vector<16xi32>], vector<16xi32>,
    %add3A_779 = arith.constant 2448 : i32
    %add3A_780 = vector.broadcast %add3A_779 : i32 to vector<16xi32>
    %add3A_781 = arith.addi %add3A_780, %iota3A : vector<16xi32>
    tpu.vector_store_idx %arg7[%add3A_781], %broadcast_in_dim3A_769 : memref<3200xi32, #tpu.memory_space<vmem>>[vector<16xi32>], vector<16xi32>,
    %broadcast_in_dim3A_782 = arith.constant 4 : i32
    %broadcast_in_dim3A_783 = vector.broadcast %broadcast_in_dim3A_782 : i32 to vector<16xi32>
    %add3A_784 = arith.constant 64 : i32
    %add3A_785 = vector.broadcast %add3A_784 : i32 to vector<16xi32>
    %add3A_786 = arith.addi %add3A_785, %iota3A : vector<16xi32>
    tpu.vector_store_idx %arg7[%add3A_786], %broadcast_in_dim3A_783 : memref<3200xi32, #tpu.memory_space<vmem>>[vector<16xi32>], vector<16xi32>,
    %add3A_787 = arith.constant 864 : i32
    %add3A_788 = vector.broadcast %add3A_787 : i32 to vector<16xi32>
    %add3A_789 = arith.addi %add3A_788, %iota3A : vector<16xi32>
    tpu.vector_store_idx %arg7[%add3A_789], %broadcast_in_dim3A_783 : memref<3200xi32, #tpu.memory_space<vmem>>[vector<16xi32>], vector<16xi32>,
    %add3A_790 = arith.constant 1664 : i32
    %add3A_791 = vector.broadcast %add3A_790 : i32 to vector<16xi32>
    %add3A_792 = arith.addi %add3A_791, %iota3A : vector<16xi32>
    tpu.vector_store_idx %arg7[%add3A_792], %broadcast_in_dim3A_783 : memref<3200xi32, #tpu.memory_space<vmem>>[vector<16xi32>], vector<16xi32>,
    %add3A_793 = arith.constant 2464 : i32
    %add3A_794 = vector.broadcast %add3A_793 : i32 to vector<16xi32>
    %add3A_795 = arith.addi %add3A_794, %iota3A : vector<16xi32>
    tpu.vector_store_idx %arg7[%add3A_795], %broadcast_in_dim3A_783 : memref<3200xi32, #tpu.memory_space<vmem>>[vector<16xi32>], vector<16xi32>,
    %broadcast_in_dim3A_796 = arith.constant 5 : i32
    %broadcast_in_dim3A_797 = vector.broadcast %broadcast_in_dim3A_796 : i32 to vector<16xi32>
    %add3A_798 = arith.constant 80 : i32
    %add3A_799 = vector.broadcast %add3A_798 : i32 to vector<16xi32>
    %add3A_800 = arith.addi %add3A_799, %iota3A : vector<16xi32>
    tpu.vector_store_idx %arg7[%add3A_800], %broadcast_in_dim3A_797 : memref<3200xi32, #tpu.memory_space<vmem>>[vector<16xi32>], vector<16xi32>,
    %add3A_801 = arith.constant 880 : i32
    %add3A_802 = vector.broadcast %add3A_801 : i32 to vector<16xi32>
    %add3A_803 = arith.addi %add3A_802, %iota3A : vector<16xi32>
    tpu.vector_store_idx %arg7[%add3A_803], %broadcast_in_dim3A_797 : memref<3200xi32, #tpu.memory_space<vmem>>[vector<16xi32>], vector<16xi32>,
    %add3A_804 = arith.constant 1680 : i32
    %add3A_805 = vector.broadcast %add3A_804 : i32 to vector<16xi32>
    %add3A_806 = arith.addi %add3A_805, %iota3A : vector<16xi32>
    tpu.vector_store_idx %arg7[%add3A_806], %broadcast_in_dim3A_797 : memref<3200xi32, #tpu.memory_space<vmem>>[vector<16xi32>], vector<16xi32>,
    %add3A_807 = arith.constant 2480 : i32
    %add3A_808 = vector.broadcast %add3A_807 : i32 to vector<16xi32>
    %add3A_809 = arith.addi %add3A_808, %iota3A : vector<16xi32>
    tpu.vector_store_idx %arg7[%add3A_809], %broadcast_in_dim3A_797 : memref<3200xi32, #tpu.memory_space<vmem>>[vector<16xi32>], vector<16xi32>,
    %broadcast_in_dim3A_810 = arith.constant 6 : i32
    %broadcast_in_dim3A_811 = vector.broadcast %broadcast_in_dim3A_810 : i32 to vector<16xi32>
    %add3A_812 = arith.constant 96 : i32
    %add3A_813 = vector.broadcast %add3A_812 : i32 to vector<16xi32>
    %add3A_814 = arith.addi %add3A_813, %iota3A : vector<16xi32>
    tpu.vector_store_idx %arg7[%add3A_814], %broadcast_in_dim3A_811 : memref<3200xi32, #tpu.memory_space<vmem>>[vector<16xi32>], vector<16xi32>,
    %add3A_815 = arith.constant 896 : i32
    %add3A_816 = vector.broadcast %add3A_815 : i32 to vector<16xi32>
    %add3A_817 = arith.addi %add3A_816, %iota3A : vector<16xi32>
    tpu.vector_store_idx %arg7[%add3A_817], %broadcast_in_dim3A_811 : memref<3200xi32, #tpu.memory_space<vmem>>[vector<16xi32>], vector<16xi32>,
    %add3A_818 = arith.constant 1696 : i32
    %add3A_819 = vector.broadcast %add3A_818 : i32 to vector<16xi32>
    %add3A_820 = arith.addi %add3A_819, %iota3A : vector<16xi32>
    tpu.vector_store_idx %arg7[%add3A_820], %broadcast_in_dim3A_811 : memref<3200xi32, #tpu.memory_space<vmem>>[vector<16xi32>], vector<16xi32>,
    %add3A_821 = arith.constant 2496 : i32
    %add3A_822 = vector.broadcast %add3A_821 : i32 to vector<16xi32>
    %add3A_823 = arith.addi %add3A_822, %iota3A : vector<16xi32>
    tpu.vector_store_idx %arg7[%add3A_823], %broadcast_in_dim3A_811 : memref<3200xi32, #tpu.memory_space<vmem>>[vector<16xi32>], vector<16xi32>,
    %broadcast_in_dim3A_824 = arith.constant 7 : i32
    %broadcast_in_dim3A_825 = vector.broadcast %broadcast_in_dim3A_824 : i32 to vector<16xi32>
    %add3A_826 = arith.constant 112 : i32
    %add3A_827 = vector.broadcast %add3A_826 : i32 to vector<16xi32>
    %add3A_828 = arith.addi %add3A_827, %iota3A : vector<16xi32>
    tpu.vector_store_idx %arg7[%add3A_828], %broadcast_in_dim3A_825 : memref<3200xi32, #tpu.memory_space<vmem>>[vector<16xi32>], vector<16xi32>,
    %add3A_829 = arith.constant 912 : i32
    %add3A_830 = vector.broadcast %add3A_829 : i32 to vector<16xi32>
    %add3A_831 = arith.addi %add3A_830, %iota3A : vector<16xi32>
    tpu.vector_store_idx %arg7[%add3A_831], %broadcast_in_dim3A_825 : memref<3200xi32, #tpu.memory_space<vmem>>[vector<16xi32>], vector<16xi32>,
    %add3A_832 = arith.constant 1712 : i32
    %add3A_833 = vector.broadcast %add3A_832 : i32 to vector<16xi32>
    %add3A_834 = arith.addi %add3A_833, %iota3A : vector<16xi32>
    tpu.vector_store_idx %arg7[%add3A_834], %broadcast_in_dim3A_825 : memref<3200xi32, #tpu.memory_space<vmem>>[vector<16xi32>], vector<16xi32>,
    %add3A_835 = arith.constant 2512 : i32
    %add3A_836 = vector.broadcast %add3A_835 : i32 to vector<16xi32>
    %add3A_837 = arith.addi %add3A_836, %iota3A : vector<16xi32>
    tpu.vector_store_idx %arg7[%add3A_837], %broadcast_in_dim3A_825 : memref<3200xi32, #tpu.memory_space<vmem>>[vector<16xi32>], vector<16xi32>,
    %broadcast_in_dim3A_838 = arith.constant 8 : i32
    %broadcast_in_dim3A_839 = vector.broadcast %broadcast_in_dim3A_838 : i32 to vector<16xi32>
    %add3A_840 = arith.constant 128 : i32
    %add3A_841 = vector.broadcast %add3A_840 : i32 to vector<16xi32>
    %add3A_842 = arith.addi %add3A_841, %iota3A : vector<16xi32>
    tpu.vector_store_idx %arg7[%add3A_842], %broadcast_in_dim3A_839 : memref<3200xi32, #tpu.memory_space<vmem>>[vector<16xi32>], vector<16xi32>,
    %add3A_843 = arith.constant 928 : i32
    %add3A_844 = vector.broadcast %add3A_843 : i32 to vector<16xi32>
    %add3A_845 = arith.addi %add3A_844, %iota3A : vector<16xi32>
    tpu.vector_store_idx %arg7[%add3A_845], %broadcast_in_dim3A_839 : memref<3200xi32, #tpu.memory_space<vmem>>[vector<16xi32>], vector<16xi32>,
    %add3A_846 = arith.constant 1728 : i32
    %add3A_847 = vector.broadcast %add3A_846 : i32 to vector<16xi32>
    %add3A_848 = arith.addi %add3A_847, %iota3A : vector<16xi32>
    tpu.vector_store_idx %arg7[%add3A_848], %broadcast_in_dim3A_839 : memref<3200xi32, #tpu.memory_space<vmem>>[vector<16xi32>], vector<16xi32>,
    %add3A_849 = arith.constant 2528 : i32
    %add3A_850 = vector.broadcast %add3A_849 : i32 to vector<16xi32>
    %add3A_851 = arith.addi %add3A_850, %iota3A : vector<16xi32>
    tpu.vector_store_idx %arg7[%add3A_851], %broadcast_in_dim3A_839 : memref<3200xi32, #tpu.memory_space<vmem>>[vector<16xi32>], vector<16xi32>,
    %broadcast_in_dim3A_852 = arith.constant 9 : i32
    %broadcast_in_dim3A_853 = vector.broadcast %broadcast_in_dim3A_852 : i32 to vector<16xi32>
    %add3A_854 = arith.constant 144 : i32
    %add3A_855 = vector.broadcast %add3A_854 : i32 to vector<16xi32>
    %add3A_856 = arith.addi %add3A_855, %iota3A : vector<16xi32>
    tpu.vector_store_idx %arg7[%add3A_856], %broadcast_in_dim3A_853 : memref<3200xi32, #tpu.memory_space<vmem>>[vector<16xi32>], vector<16xi32>,
    %add3A_857 = arith.constant 944 : i32
    %add3A_858 = vector.broadcast %add3A_857 : i32 to vector<16xi32>
    %add3A_859 = arith.addi %add3A_858, %iota3A : vector<16xi32>
    tpu.vector_store_idx %arg7[%add3A_859], %broadcast_in_dim3A_853 : memref<3200xi32, #tpu.memory_space<vmem>>[vector<16xi32>], vector<16xi32>,
    %add3A_860 = arith.constant 1744 : i32
    %add3A_861 = vector.broadcast %add3A_860 : i32 to vector<16xi32>
    %add3A_862 = arith.addi %add3A_861, %iota3A : vector<16xi32>
    tpu.vector_store_idx %arg7[%add3A_862], %broadcast_in_dim3A_853 : memref<3200xi32, #tpu.memory_space<vmem>>[vector<16xi32>], vector<16xi32>,
    %add3A_863 = arith.constant 2544 : i32
    %add3A_864 = vector.broadcast %add3A_863 : i32 to vector<16xi32>
    %add3A_865 = arith.addi %add3A_864, %iota3A : vector<16xi32>
    tpu.vector_store_idx %arg7[%add3A_865], %broadcast_in_dim3A_853 : memref<3200xi32, #tpu.memory_space<vmem>>[vector<16xi32>], vector<16xi32>,
    %broadcast_in_dim3A_866 = arith.constant 10 : i32
    %broadcast_in_dim3A_867 = vector.broadcast %broadcast_in_dim3A_866 : i32 to vector<16xi32>
    %add3A_868 = arith.constant 160 : i32
    %add3A_869 = vector.broadcast %add3A_868 : i32 to vector<16xi32>
    %add3A_870 = arith.addi %add3A_869, %iota3A : vector<16xi32>
    tpu.vector_store_idx %arg7[%add3A_870], %broadcast_in_dim3A_867 : memref<3200xi32, #tpu.memory_space<vmem>>[vector<16xi32>], vector<16xi32>,
    %add3A_871 = arith.constant 960 : i32
    %add3A_872 = vector.broadcast %add3A_871 : i32 to vector<16xi32>
    %add3A_873 = arith.addi %add3A_872, %iota3A : vector<16xi32>
    tpu.vector_store_idx %arg7[%add3A_873], %broadcast_in_dim3A_867 : memref<3200xi32, #tpu.memory_space<vmem>>[vector<16xi32>], vector<16xi32>,
    %add3A_874 = arith.constant 1760 : i32
    %add3A_875 = vector.broadcast %add3A_874 : i32 to vector<16xi32>
    %add3A_876 = arith.addi %add3A_875, %iota3A : vector<16xi32>
    tpu.vector_store_idx %arg7[%add3A_876], %broadcast_in_dim3A_867 : memref<3200xi32, #tpu.memory_space<vmem>>[vector<16xi32>], vector<16xi32>,
    %add3A_877 = arith.constant 2560 : i32
    %add3A_878 = vector.broadcast %add3A_877 : i32 to vector<16xi32>
    %add3A_879 = arith.addi %add3A_878, %iota3A : vector<16xi32>
    tpu.vector_store_idx %arg7[%add3A_879], %broadcast_in_dim3A_867 : memref<3200xi32, #tpu.memory_space<vmem>>[vector<16xi32>], vector<16xi32>,
    %broadcast_in_dim3A_880 = arith.constant 11 : i32
    %broadcast_in_dim3A_881 = vector.broadcast %broadcast_in_dim3A_880 : i32 to vector<16xi32>
    %add3A_882 = arith.constant 176 : i32
    %add3A_883 = vector.broadcast %add3A_882 : i32 to vector<16xi32>
    %add3A_884 = arith.addi %add3A_883, %iota3A : vector<16xi32>
    tpu.vector_store_idx %arg7[%add3A_884], %broadcast_in_dim3A_881 : memref<3200xi32, #tpu.memory_space<vmem>>[vector<16xi32>], vector<16xi32>,
    %add3A_885 = arith.constant 976 : i32
    %add3A_886 = vector.broadcast %add3A_885 : i32 to vector<16xi32>
    %add3A_887 = arith.addi %add3A_886, %iota3A : vector<16xi32>
    tpu.vector_store_idx %arg7[%add3A_887], %broadcast_in_dim3A_881 : memref<3200xi32, #tpu.memory_space<vmem>>[vector<16xi32>], vector<16xi32>,
    %add3A_888 = arith.constant 1776 : i32
    %add3A_889 = vector.broadcast %add3A_888 : i32 to vector<16xi32>
    %add3A_890 = arith.addi %add3A_889, %iota3A : vector<16xi32>
    tpu.vector_store_idx %arg7[%add3A_890], %broadcast_in_dim3A_881 : memref<3200xi32, #tpu.memory_space<vmem>>[vector<16xi32>], vector<16xi32>,
    %add3A_891 = arith.constant 2576 : i32
    %add3A_892 = vector.broadcast %add3A_891 : i32 to vector<16xi32>
    %add3A_893 = arith.addi %add3A_892, %iota3A : vector<16xi32>
    tpu.vector_store_idx %arg7[%add3A_893], %broadcast_in_dim3A_881 : memref<3200xi32, #tpu.memory_space<vmem>>[vector<16xi32>], vector<16xi32>,
    %broadcast_in_dim3A_894 = arith.constant 12 : i32
    %broadcast_in_dim3A_895 = vector.broadcast %broadcast_in_dim3A_894 : i32 to vector<16xi32>
    %add3A_896 = arith.constant 192 : i32
    %add3A_897 = vector.broadcast %add3A_896 : i32 to vector<16xi32>
    %add3A_898 = arith.addi %add3A_897, %iota3A : vector<16xi32>
    tpu.vector_store_idx %arg7[%add3A_898], %broadcast_in_dim3A_895 : memref<3200xi32, #tpu.memory_space<vmem>>[vector<16xi32>], vector<16xi32>,
    %add3A_899 = arith.constant 992 : i32
    %add3A_900 = vector.broadcast %add3A_899 : i32 to vector<16xi32>
    %add3A_901 = arith.addi %add3A_900, %iota3A : vector<16xi32>
    tpu.vector_store_idx %arg7[%add3A_901], %broadcast_in_dim3A_895 : memref<3200xi32, #tpu.memory_space<vmem>>[vector<16xi32>], vector<16xi32>,
    %add3A_902 = arith.constant 1792 : i32
    %add3A_903 = vector.broadcast %add3A_902 : i32 to vector<16xi32>
    %add3A_904 = arith.addi %add3A_903, %iota3A : vector<16xi32>
    tpu.vector_store_idx %arg7[%add3A_904], %broadcast_in_dim3A_895 : memref<3200xi32, #tpu.memory_space<vmem>>[vector<16xi32>], vector<16xi32>,
    %add3A_905 = arith.constant 2592 : i32
    %add3A_906 = vector.broadcast %add3A_905 : i32 to vector<16xi32>
    %add3A_907 = arith.addi %add3A_906, %iota3A : vector<16xi32>
    tpu.vector_store_idx %arg7[%add3A_907], %broadcast_in_dim3A_895 : memref<3200xi32, #tpu.memory_space<vmem>>[vector<16xi32>], vector<16xi32>,
    %broadcast_in_dim3A_908 = arith.constant 13 : i32
    %broadcast_in_dim3A_909 = vector.broadcast %broadcast_in_dim3A_908 : i32 to vector<16xi32>
    %add3A_910 = arith.constant 208 : i32
    %add3A_911 = vector.broadcast %add3A_910 : i32 to vector<16xi32>
    %add3A_912 = arith.addi %add3A_911, %iota3A : vector<16xi32>
    tpu.vector_store_idx %arg7[%add3A_912], %broadcast_in_dim3A_909 : memref<3200xi32, #tpu.memory_space<vmem>>[vector<16xi32>], vector<16xi32>,
    %add3A_913 = arith.constant 1008 : i32
    %add3A_914 = vector.broadcast %add3A_913 : i32 to vector<16xi32>
    %add3A_915 = arith.addi %add3A_914, %iota3A : vector<16xi32>
    tpu.vector_store_idx %arg7[%add3A_915], %broadcast_in_dim3A_909 : memref<3200xi32, #tpu.memory_space<vmem>>[vector<16xi32>], vector<16xi32>,
    %add3A_916 = arith.constant 1808 : i32
    %add3A_917 = vector.broadcast %add3A_916 : i32 to vector<16xi32>
    %add3A_918 = arith.addi %add3A_917, %iota3A : vector<16xi32>
    tpu.vector_store_idx %arg7[%add3A_918], %broadcast_in_dim3A_909 : memref<3200xi32, #tpu.memory_space<vmem>>[vector<16xi32>], vector<16xi32>,
    %add3A_919 = arith.constant 2608 : i32
    %add3A_920 = vector.broadcast %add3A_919 : i32 to vector<16xi32>
    %add3A_921 = arith.addi %add3A_920, %iota3A : vector<16xi32>
    tpu.vector_store_idx %arg7[%add3A_921], %broadcast_in_dim3A_909 : memref<3200xi32, #tpu.memory_space<vmem>>[vector<16xi32>], vector<16xi32>,
    %broadcast_in_dim3A_922 = arith.constant 14 : i32
    %broadcast_in_dim3A_923 = vector.broadcast %broadcast_in_dim3A_922 : i32 to vector<16xi32>
    %add3A_924 = arith.constant 224 : i32
    %add3A_925 = vector.broadcast %add3A_924 : i32 to vector<16xi32>
    %add3A_926 = arith.addi %add3A_925, %iota3A : vector<16xi32>
    tpu.vector_store_idx %arg7[%add3A_926], %broadcast_in_dim3A_923 : memref<3200xi32, #tpu.memory_space<vmem>>[vector<16xi32>], vector<16xi32>,
    %add3A_927 = arith.constant 1024 : i32
    %add3A_928 = vector.broadcast %add3A_927 : i32 to vector<16xi32>
    %add3A_929 = arith.addi %add3A_928, %iota3A : vector<16xi32>
    tpu.vector_store_idx %arg7[%add3A_929], %broadcast_in_dim3A_923 : memref<3200xi32, #tpu.memory_space<vmem>>[vector<16xi32>], vector<16xi32>,
    %add3A_930 = arith.constant 1824 : i32
    %add3A_931 = vector.broadcast %add3A_930 : i32 to vector<16xi32>
    %add3A_932 = arith.addi %add3A_931, %iota3A : vector<16xi32>
    tpu.vector_store_idx %arg7[%add3A_932], %broadcast_in_dim3A_923 : memref<3200xi32, #tpu.memory_space<vmem>>[vector<16xi32>], vector<16xi32>,
    %add3A_933 = arith.constant 2624 : i32
    %add3A_934 = vector.broadcast %add3A_933 : i32 to vector<16xi32>
    %add3A_935 = arith.addi %add3A_934, %iota3A : vector<16xi32>
    tpu.vector_store_idx %arg7[%add3A_935], %broadcast_in_dim3A_923 : memref<3200xi32, #tpu.memory_space<vmem>>[vector<16xi32>], vector<16xi32>,
    %broadcast_in_dim3A_936 = arith.constant 15 : i32
    %broadcast_in_dim3A_937 = vector.broadcast %broadcast_in_dim3A_936 : i32 to vector<16xi32>
    %add3A_938 = arith.constant 240 : i32
    %add3A_939 = vector.broadcast %add3A_938 : i32 to vector<16xi32>
    %add3A_940 = arith.addi %add3A_939, %iota3A : vector<16xi32>
    tpu.vector_store_idx %arg7[%add3A_940], %broadcast_in_dim3A_937 : memref<3200xi32, #tpu.memory_space<vmem>>[vector<16xi32>], vector<16xi32>,
    %add3A_941 = arith.constant 1040 : i32
    %add3A_942 = vector.broadcast %add3A_941 : i32 to vector<16xi32>
    %add3A_943 = arith.addi %add3A_942, %iota3A : vector<16xi32>
    tpu.vector_store_idx %arg7[%add3A_943], %broadcast_in_dim3A_937 : memref<3200xi32, #tpu.memory_space<vmem>>[vector<16xi32>], vector<16xi32>,
    %add3A_944 = arith.constant 1840 : i32
    %add3A_945 = vector.broadcast %add3A_944 : i32 to vector<16xi32>
    %add3A_946 = arith.addi %add3A_945, %iota3A : vector<16xi32>
    tpu.vector_store_idx %arg7[%add3A_946], %broadcast_in_dim3A_937 : memref<3200xi32, #tpu.memory_space<vmem>>[vector<16xi32>], vector<16xi32>,
    %add3A_947 = arith.constant 2640 : i32
    %add3A_948 = vector.broadcast %add3A_947 : i32 to vector<16xi32>
    %add3A_949 = arith.addi %add3A_948, %iota3A : vector<16xi32>
    tpu.vector_store_idx %arg7[%add3A_949], %broadcast_in_dim3A_937 : memref<3200xi32, #tpu.memory_space<vmem>>[vector<16xi32>], vector<16xi32>,
    %broadcast_in_dim3A_950 = arith.constant 16 : i32
    %broadcast_in_dim3A_951 = vector.broadcast %broadcast_in_dim3A_950 : i32 to vector<16xi32>
    %add3A_952 = arith.constant 256 : i32
    %add3A_953 = vector.broadcast %add3A_952 : i32 to vector<16xi32>
    %add3A_954 = arith.addi %add3A_953, %iota3A : vector<16xi32>
    tpu.vector_store_idx %arg7[%add3A_954], %broadcast_in_dim3A_951 : memref<3200xi32, #tpu.memory_space<vmem>>[vector<16xi32>], vector<16xi32>,
    %add3A_955 = arith.constant 1056 : i32
    %add3A_956 = vector.broadcast %add3A_955 : i32 to vector<16xi32>
    %add3A_957 = arith.addi %add3A_956, %iota3A : vector<16xi32>
    tpu.vector_store_idx %arg7[%add3A_957], %broadcast_in_dim3A_951 : memref<3200xi32, #tpu.memory_space<vmem>>[vector<16xi32>], vector<16xi32>,
    %add3A_958 = arith.constant 1856 : i32
    %add3A_959 = vector.broadcast %add3A_958 : i32 to vector<16xi32>
    %add3A_960 = arith.addi %add3A_959, %iota3A : vector<16xi32>
    tpu.vector_store_idx %arg7[%add3A_960], %broadcast_in_dim3A_951 : memref<3200xi32, #tpu.memory_space<vmem>>[vector<16xi32>], vector<16xi32>,
    %add3A_961 = arith.constant 2656 : i32
    %add3A_962 = vector.broadcast %add3A_961 : i32 to vector<16xi32>
    %add3A_963 = arith.addi %add3A_962, %iota3A : vector<16xi32>
    tpu.vector_store_idx %arg7[%add3A_963], %broadcast_in_dim3A_951 : memref<3200xi32, #tpu.memory_space<vmem>>[vector<16xi32>], vector<16xi32>,
    %broadcast_in_dim3A_964 = arith.constant 17 : i32
    %broadcast_in_dim3A_965 = vector.broadcast %broadcast_in_dim3A_964 : i32 to vector<16xi32>
    %add3A_966 = arith.constant 272 : i32
    %add3A_967 = vector.broadcast %add3A_966 : i32 to vector<16xi32>
    %add3A_968 = arith.addi %add3A_967, %iota3A : vector<16xi32>
    tpu.vector_store_idx %arg7[%add3A_968], %broadcast_in_dim3A_965 : memref<3200xi32, #tpu.memory_space<vmem>>[vector<16xi32>], vector<16xi32>,
    %add3A_969 = arith.constant 1072 : i32
    %add3A_970 = vector.broadcast %add3A_969 : i32 to vector<16xi32>
    %add3A_971 = arith.addi %add3A_970, %iota3A : vector<16xi32>
    tpu.vector_store_idx %arg7[%add3A_971], %broadcast_in_dim3A_965 : memref<3200xi32, #tpu.memory_space<vmem>>[vector<16xi32>], vector<16xi32>,
    %add3A_972 = arith.constant 1872 : i32
    %add3A_973 = vector.broadcast %add3A_972 : i32 to vector<16xi32>
    %add3A_974 = arith.addi %add3A_973, %iota3A : vector<16xi32>
    tpu.vector_store_idx %arg7[%add3A_974], %broadcast_in_dim3A_965 : memref<3200xi32, #tpu.memory_space<vmem>>[vector<16xi32>], vector<16xi32>,
    %add3A_975 = arith.constant 2672 : i32
    %add3A_976 = vector.broadcast %add3A_975 : i32 to vector<16xi32>
    %add3A_977 = arith.addi %add3A_976, %iota3A : vector<16xi32>
    tpu.vector_store_idx %arg7[%add3A_977], %broadcast_in_dim3A_965 : memref<3200xi32, #tpu.memory_space<vmem>>[vector<16xi32>], vector<16xi32>,
    %broadcast_in_dim3A_978 = arith.constant 18 : i32
    %broadcast_in_dim3A_979 = vector.broadcast %broadcast_in_dim3A_978 : i32 to vector<16xi32>
    %add3A_980 = arith.constant 288 : i32
    %add3A_981 = vector.broadcast %add3A_980 : i32 to vector<16xi32>
    %add3A_982 = arith.addi %add3A_981, %iota3A : vector<16xi32>
    tpu.vector_store_idx %arg7[%add3A_982], %broadcast_in_dim3A_979 : memref<3200xi32, #tpu.memory_space<vmem>>[vector<16xi32>], vector<16xi32>,
    %add3A_983 = arith.constant 1088 : i32
    %add3A_984 = vector.broadcast %add3A_983 : i32 to vector<16xi32>
    %add3A_985 = arith.addi %add3A_984, %iota3A : vector<16xi32>
    tpu.vector_store_idx %arg7[%add3A_985], %broadcast_in_dim3A_979 : memref<3200xi32, #tpu.memory_space<vmem>>[vector<16xi32>], vector<16xi32>,
    %add3A_986 = arith.constant 1888 : i32
    %add3A_987 = vector.broadcast %add3A_986 : i32 to vector<16xi32>
    %add3A_988 = arith.addi %add3A_987, %iota3A : vector<16xi32>
    tpu.vector_store_idx %arg7[%add3A_988], %broadcast_in_dim3A_979 : memref<3200xi32, #tpu.memory_space<vmem>>[vector<16xi32>], vector<16xi32>,
    %add3A_989 = arith.constant 2688 : i32
    %add3A_990 = vector.broadcast %add3A_989 : i32 to vector<16xi32>
    %add3A_991 = arith.addi %add3A_990, %iota3A : vector<16xi32>
    tpu.vector_store_idx %arg7[%add3A_991], %broadcast_in_dim3A_979 : memref<3200xi32, #tpu.memory_space<vmem>>[vector<16xi32>], vector<16xi32>,
    %broadcast_in_dim3A_992 = arith.constant 19 : i32
    %broadcast_in_dim3A_993 = vector.broadcast %broadcast_in_dim3A_992 : i32 to vector<16xi32>
    %add3A_994 = arith.constant 304 : i32
    %add3A_995 = vector.broadcast %add3A_994 : i32 to vector<16xi32>
    %add3A_996 = arith.addi %add3A_995, %iota3A : vector<16xi32>
    tpu.vector_store_idx %arg7[%add3A_996], %broadcast_in_dim3A_993 : memref<3200xi32, #tpu.memory_space<vmem>>[vector<16xi32>], vector<16xi32>,
    %add3A_997 = arith.constant 1104 : i32
    %add3A_998 = vector.broadcast %add3A_997 : i32 to vector<16xi32>
    %add3A_999 = arith.addi %add3A_998, %iota3A : vector<16xi32>
    tpu.vector_store_idx %arg7[%add3A_999], %broadcast_in_dim3A_993 : memref<3200xi32, #tpu.memory_space<vmem>>[vector<16xi32>], vector<16xi32>,
    %add3A_1000 = arith.constant 1904 : i32
    %add3A_1001 = vector.broadcast %add3A_1000 : i32 to vector<16xi32>
    %add3A_1002 = arith.addi %add3A_1001, %iota3A : vector<16xi32>
    tpu.vector_store_idx %arg7[%add3A_1002], %broadcast_in_dim3A_993 : memref<3200xi32, #tpu.memory_space<vmem>>[vector<16xi32>], vector<16xi32>,
    %add3A_1003 = arith.constant 2704 : i32
    %add3A_1004 = vector.broadcast %add3A_1003 : i32 to vector<16xi32>
    %add3A_1005 = arith.addi %add3A_1004, %iota3A : vector<16xi32>
    tpu.vector_store_idx %arg7[%add3A_1005], %broadcast_in_dim3A_993 : memref<3200xi32, #tpu.memory_space<vmem>>[vector<16xi32>], vector<16xi32>,
    %broadcast_in_dim3A_1006 = arith.constant 20 : i32
    %broadcast_in_dim3A_1007 = vector.broadcast %broadcast_in_dim3A_1006 : i32 to vector<16xi32>
    %add3A_1008 = arith.constant 320 : i32
    %add3A_1009 = vector.broadcast %add3A_1008 : i32 to vector<16xi32>
    %add3A_1010 = arith.addi %add3A_1009, %iota3A : vector<16xi32>
    tpu.vector_store_idx %arg7[%add3A_1010], %broadcast_in_dim3A_1007 : memref<3200xi32, #tpu.memory_space<vmem>>[vector<16xi32>], vector<16xi32>,
    %add3A_1011 = arith.constant 1120 : i32
    %add3A_1012 = vector.broadcast %add3A_1011 : i32 to vector<16xi32>
    %add3A_1013 = arith.addi %add3A_1012, %iota3A : vector<16xi32>
    tpu.vector_store_idx %arg7[%add3A_1013], %broadcast_in_dim3A_1007 : memref<3200xi32, #tpu.memory_space<vmem>>[vector<16xi32>], vector<16xi32>,
    %add3A_1014 = arith.constant 1920 : i32
    %add3A_1015 = vector.broadcast %add3A_1014 : i32 to vector<16xi32>
    %add3A_1016 = arith.addi %add3A_1015, %iota3A : vector<16xi32>
    tpu.vector_store_idx %arg7[%add3A_1016], %broadcast_in_dim3A_1007 : memref<3200xi32, #tpu.memory_space<vmem>>[vector<16xi32>], vector<16xi32>,
    %add3A_1017 = arith.constant 2720 : i32
    %add3A_1018 = vector.broadcast %add3A_1017 : i32 to vector<16xi32>
    %add3A_1019 = arith.addi %add3A_1018, %iota3A : vector<16xi32>
    tpu.vector_store_idx %arg7[%add3A_1019], %broadcast_in_dim3A_1007 : memref<3200xi32, #tpu.memory_space<vmem>>[vector<16xi32>], vector<16xi32>,
    %broadcast_in_dim3A_1020 = arith.constant 21 : i32
    %broadcast_in_dim3A_1021 = vector.broadcast %broadcast_in_dim3A_1020 : i32 to vector<16xi32>
    %add3A_1022 = arith.constant 336 : i32
    %add3A_1023 = vector.broadcast %add3A_1022 : i32 to vector<16xi32>
    %add3A_1024 = arith.addi %add3A_1023, %iota3A : vector<16xi32>
    tpu.vector_store_idx %arg7[%add3A_1024], %broadcast_in_dim3A_1021 : memref<3200xi32, #tpu.memory_space<vmem>>[vector<16xi32>], vector<16xi32>,
    %add3A_1025 = arith.constant 1136 : i32
    %add3A_1026 = vector.broadcast %add3A_1025 : i32 to vector<16xi32>
    %add3A_1027 = arith.addi %add3A_1026, %iota3A : vector<16xi32>
    tpu.vector_store_idx %arg7[%add3A_1027], %broadcast_in_dim3A_1021 : memref<3200xi32, #tpu.memory_space<vmem>>[vector<16xi32>], vector<16xi32>,
    %add3A_1028 = arith.constant 1936 : i32
    %add3A_1029 = vector.broadcast %add3A_1028 : i32 to vector<16xi32>
    %add3A_1030 = arith.addi %add3A_1029, %iota3A : vector<16xi32>
    tpu.vector_store_idx %arg7[%add3A_1030], %broadcast_in_dim3A_1021 : memref<3200xi32, #tpu.memory_space<vmem>>[vector<16xi32>], vector<16xi32>,
    %add3A_1031 = arith.constant 2736 : i32
    %add3A_1032 = vector.broadcast %add3A_1031 : i32 to vector<16xi32>
    %add3A_1033 = arith.addi %add3A_1032, %iota3A : vector<16xi32>
    tpu.vector_store_idx %arg7[%add3A_1033], %broadcast_in_dim3A_1021 : memref<3200xi32, #tpu.memory_space<vmem>>[vector<16xi32>], vector<16xi32>,
    %broadcast_in_dim3A_1034 = arith.constant 22 : i32
    %broadcast_in_dim3A_1035 = vector.broadcast %broadcast_in_dim3A_1034 : i32 to vector<16xi32>
    %add3A_1036 = arith.constant 352 : i32
    %add3A_1037 = vector.broadcast %add3A_1036 : i32 to vector<16xi32>
    %add3A_1038 = arith.addi %add3A_1037, %iota3A : vector<16xi32>
    tpu.vector_store_idx %arg7[%add3A_1038], %broadcast_in_dim3A_1035 : memref<3200xi32, #tpu.memory_space<vmem>>[vector<16xi32>], vector<16xi32>,
    %add3A_1039 = arith.constant 1152 : i32
    %add3A_1040 = vector.broadcast %add3A_1039 : i32 to vector<16xi32>
    %add3A_1041 = arith.addi %add3A_1040, %iota3A : vector<16xi32>
    tpu.vector_store_idx %arg7[%add3A_1041], %broadcast_in_dim3A_1035 : memref<3200xi32, #tpu.memory_space<vmem>>[vector<16xi32>], vector<16xi32>,
    %add3A_1042 = arith.constant 1952 : i32
    %add3A_1043 = vector.broadcast %add3A_1042 : i32 to vector<16xi32>
    %add3A_1044 = arith.addi %add3A_1043, %iota3A : vector<16xi32>
    tpu.vector_store_idx %arg7[%add3A_1044], %broadcast_in_dim3A_1035 : memref<3200xi32, #tpu.memory_space<vmem>>[vector<16xi32>], vector<16xi32>,
    %add3A_1045 = arith.constant 2752 : i32
    %add3A_1046 = vector.broadcast %add3A_1045 : i32 to vector<16xi32>
    %add3A_1047 = arith.addi %add3A_1046, %iota3A : vector<16xi32>
    tpu.vector_store_idx %arg7[%add3A_1047], %broadcast_in_dim3A_1035 : memref<3200xi32, #tpu.memory_space<vmem>>[vector<16xi32>], vector<16xi32>,
    %broadcast_in_dim3A_1048 = arith.constant 23 : i32
    %broadcast_in_dim3A_1049 = vector.broadcast %broadcast_in_dim3A_1048 : i32 to vector<16xi32>
    %add3A_1050 = arith.constant 368 : i32
    %add3A_1051 = vector.broadcast %add3A_1050 : i32 to vector<16xi32>
    %add3A_1052 = arith.addi %add3A_1051, %iota3A : vector<16xi32>
    tpu.vector_store_idx %arg7[%add3A_1052], %broadcast_in_dim3A_1049 : memref<3200xi32, #tpu.memory_space<vmem>>[vector<16xi32>], vector<16xi32>,
    %add3A_1053 = arith.constant 1168 : i32
    %add3A_1054 = vector.broadcast %add3A_1053 : i32 to vector<16xi32>
    %add3A_1055 = arith.addi %add3A_1054, %iota3A : vector<16xi32>
    tpu.vector_store_idx %arg7[%add3A_1055], %broadcast_in_dim3A_1049 : memref<3200xi32, #tpu.memory_space<vmem>>[vector<16xi32>], vector<16xi32>,
    %add3A_1056 = arith.constant 1968 : i32
    %add3A_1057 = vector.broadcast %add3A_1056 : i32 to vector<16xi32>
    %add3A_1058 = arith.addi %add3A_1057, %iota3A : vector<16xi32>
    tpu.vector_store_idx %arg7[%add3A_1058], %broadcast_in_dim3A_1049 : memref<3200xi32, #tpu.memory_space<vmem>>[vector<16xi32>], vector<16xi32>,
    %add3A_1059 = arith.constant 2768 : i32
    %add3A_1060 = vector.broadcast %add3A_1059 : i32 to vector<16xi32>
    %add3A_1061 = arith.addi %add3A_1060, %iota3A : vector<16xi32>
    tpu.vector_store_idx %arg7[%add3A_1061], %broadcast_in_dim3A_1049 : memref<3200xi32, #tpu.memory_space<vmem>>[vector<16xi32>], vector<16xi32>,
    %broadcast_in_dim3A_1062 = arith.constant 24 : i32
    %broadcast_in_dim3A_1063 = vector.broadcast %broadcast_in_dim3A_1062 : i32 to vector<16xi32>
    %add3A_1064 = arith.constant 384 : i32
    %add3A_1065 = vector.broadcast %add3A_1064 : i32 to vector<16xi32>
    %add3A_1066 = arith.addi %add3A_1065, %iota3A : vector<16xi32>
    tpu.vector_store_idx %arg7[%add3A_1066], %broadcast_in_dim3A_1063 : memref<3200xi32, #tpu.memory_space<vmem>>[vector<16xi32>], vector<16xi32>,
    %add3A_1067 = arith.constant 1184 : i32
    %add3A_1068 = vector.broadcast %add3A_1067 : i32 to vector<16xi32>
    %add3A_1069 = arith.addi %add3A_1068, %iota3A : vector<16xi32>
    tpu.vector_store_idx %arg7[%add3A_1069], %broadcast_in_dim3A_1063 : memref<3200xi32, #tpu.memory_space<vmem>>[vector<16xi32>], vector<16xi32>,
    %add3A_1070 = arith.constant 1984 : i32
    %add3A_1071 = vector.broadcast %add3A_1070 : i32 to vector<16xi32>
    %add3A_1072 = arith.addi %add3A_1071, %iota3A : vector<16xi32>
    tpu.vector_store_idx %arg7[%add3A_1072], %broadcast_in_dim3A_1063 : memref<3200xi32, #tpu.memory_space<vmem>>[vector<16xi32>], vector<16xi32>,
    %add3A_1073 = arith.constant 2784 : i32
    %add3A_1074 = vector.broadcast %add3A_1073 : i32 to vector<16xi32>
    %add3A_1075 = arith.addi %add3A_1074, %iota3A : vector<16xi32>
    tpu.vector_store_idx %arg7[%add3A_1075], %broadcast_in_dim3A_1063 : memref<3200xi32, #tpu.memory_space<vmem>>[vector<16xi32>], vector<16xi32>,
    %broadcast_in_dim3A_1076 = arith.constant 25 : i32
    %broadcast_in_dim3A_1077 = vector.broadcast %broadcast_in_dim3A_1076 : i32 to vector<16xi32>
    %add3A_1078 = arith.constant 400 : i32
    %add3A_1079 = vector.broadcast %add3A_1078 : i32 to vector<16xi32>
    %add3A_1080 = arith.addi %add3A_1079, %iota3A : vector<16xi32>
    tpu.vector_store_idx %arg7[%add3A_1080], %broadcast_in_dim3A_1077 : memref<3200xi32, #tpu.memory_space<vmem>>[vector<16xi32>], vector<16xi32>,
    %add3A_1081 = arith.constant 1200 : i32
    %add3A_1082 = vector.broadcast %add3A_1081 : i32 to vector<16xi32>
    %add3A_1083 = arith.addi %add3A_1082, %iota3A : vector<16xi32>
    tpu.vector_store_idx %arg7[%add3A_1083], %broadcast_in_dim3A_1077 : memref<3200xi32, #tpu.memory_space<vmem>>[vector<16xi32>], vector<16xi32>,
    %add3A_1084 = arith.constant 2000 : i32
    %add3A_1085 = vector.broadcast %add3A_1084 : i32 to vector<16xi32>
    %add3A_1086 = arith.addi %add3A_1085, %iota3A : vector<16xi32>
    tpu.vector_store_idx %arg7[%add3A_1086], %broadcast_in_dim3A_1077 : memref<3200xi32, #tpu.memory_space<vmem>>[vector<16xi32>], vector<16xi32>,
    %add3A_1087 = arith.constant 2800 : i32
    %add3A_1088 = vector.broadcast %add3A_1087 : i32 to vector<16xi32>
    %add3A_1089 = arith.addi %add3A_1088, %iota3A : vector<16xi32>
    tpu.vector_store_idx %arg7[%add3A_1089], %broadcast_in_dim3A_1077 : memref<3200xi32, #tpu.memory_space<vmem>>[vector<16xi32>], vector<16xi32>,
    %broadcast_in_dim3A_1090 = arith.constant 26 : i32
    %broadcast_in_dim3A_1091 = vector.broadcast %broadcast_in_dim3A_1090 : i32 to vector<16xi32>
    %add3A_1092 = arith.constant 416 : i32
    %add3A_1093 = vector.broadcast %add3A_1092 : i32 to vector<16xi32>
    %add3A_1094 = arith.addi %add3A_1093, %iota3A : vector<16xi32>
    tpu.vector_store_idx %arg7[%add3A_1094], %broadcast_in_dim3A_1091 : memref<3200xi32, #tpu.memory_space<vmem>>[vector<16xi32>], vector<16xi32>,
    %add3A_1095 = arith.constant 1216 : i32
    %add3A_1096 = vector.broadcast %add3A_1095 : i32 to vector<16xi32>
    %add3A_1097 = arith.addi %add3A_1096, %iota3A : vector<16xi32>
    tpu.vector_store_idx %arg7[%add3A_1097], %broadcast_in_dim3A_1091 : memref<3200xi32, #tpu.memory_space<vmem>>[vector<16xi32>], vector<16xi32>,
    %add3A_1098 = arith.constant 2016 : i32
    %add3A_1099 = vector.broadcast %add3A_1098 : i32 to vector<16xi32>
    %add3A_1100 = arith.addi %add3A_1099, %iota3A : vector<16xi32>
    tpu.vector_store_idx %arg7[%add3A_1100], %broadcast_in_dim3A_1091 : memref<3200xi32, #tpu.memory_space<vmem>>[vector<16xi32>], vector<16xi32>,
    %add3A_1101 = arith.constant 2816 : i32
    %add3A_1102 = vector.broadcast %add3A_1101 : i32 to vector<16xi32>
    %add3A_1103 = arith.addi %add3A_1102, %iota3A : vector<16xi32>
    tpu.vector_store_idx %arg7[%add3A_1103], %broadcast_in_dim3A_1091 : memref<3200xi32, #tpu.memory_space<vmem>>[vector<16xi32>], vector<16xi32>,
    %broadcast_in_dim3A_1104 = arith.constant 27 : i32
    %broadcast_in_dim3A_1105 = vector.broadcast %broadcast_in_dim3A_1104 : i32 to vector<16xi32>
    %add3A_1106 = arith.constant 432 : i32
    %add3A_1107 = vector.broadcast %add3A_1106 : i32 to vector<16xi32>
    %add3A_1108 = arith.addi %add3A_1107, %iota3A : vector<16xi32>
    tpu.vector_store_idx %arg7[%add3A_1108], %broadcast_in_dim3A_1105 : memref<3200xi32, #tpu.memory_space<vmem>>[vector<16xi32>], vector<16xi32>,
    %add3A_1109 = arith.constant 1232 : i32
    %add3A_1110 = vector.broadcast %add3A_1109 : i32 to vector<16xi32>
    %add3A_1111 = arith.addi %add3A_1110, %iota3A : vector<16xi32>
    tpu.vector_store_idx %arg7[%add3A_1111], %broadcast_in_dim3A_1105 : memref<3200xi32, #tpu.memory_space<vmem>>[vector<16xi32>], vector<16xi32>,
    %add3A_1112 = arith.constant 2032 : i32
    %add3A_1113 = vector.broadcast %add3A_1112 : i32 to vector<16xi32>
    %add3A_1114 = arith.addi %add3A_1113, %iota3A : vector<16xi32>
    tpu.vector_store_idx %arg7[%add3A_1114], %broadcast_in_dim3A_1105 : memref<3200xi32, #tpu.memory_space<vmem>>[vector<16xi32>], vector<16xi32>,
    %add3A_1115 = arith.constant 2832 : i32
    %add3A_1116 = vector.broadcast %add3A_1115 : i32 to vector<16xi32>
    %add3A_1117 = arith.addi %add3A_1116, %iota3A : vector<16xi32>
    tpu.vector_store_idx %arg7[%add3A_1117], %broadcast_in_dim3A_1105 : memref<3200xi32, #tpu.memory_space<vmem>>[vector<16xi32>], vector<16xi32>,
    %broadcast_in_dim3A_1118 = arith.constant 28 : i32
    %broadcast_in_dim3A_1119 = vector.broadcast %broadcast_in_dim3A_1118 : i32 to vector<16xi32>
    %add3A_1120 = arith.constant 448 : i32
    %add3A_1121 = vector.broadcast %add3A_1120 : i32 to vector<16xi32>
    %add3A_1122 = arith.addi %add3A_1121, %iota3A : vector<16xi32>
    tpu.vector_store_idx %arg7[%add3A_1122], %broadcast_in_dim3A_1119 : memref<3200xi32, #tpu.memory_space<vmem>>[vector<16xi32>], vector<16xi32>,
    %add3A_1123 = arith.constant 1248 : i32
    %add3A_1124 = vector.broadcast %add3A_1123 : i32 to vector<16xi32>
    %add3A_1125 = arith.addi %add3A_1124, %iota3A : vector<16xi32>
    tpu.vector_store_idx %arg7[%add3A_1125], %broadcast_in_dim3A_1119 : memref<3200xi32, #tpu.memory_space<vmem>>[vector<16xi32>], vector<16xi32>,
    %add3A_1126 = arith.constant 2048 : i32
    %add3A_1127 = vector.broadcast %add3A_1126 : i32 to vector<16xi32>
    %add3A_1128 = arith.addi %add3A_1127, %iota3A : vector<16xi32>
    tpu.vector_store_idx %arg7[%add3A_1128], %broadcast_in_dim3A_1119 : memref<3200xi32, #tpu.memory_space<vmem>>[vector<16xi32>], vector<16xi32>,
    %add3A_1129 = arith.constant 2848 : i32
    %add3A_1130 = vector.broadcast %add3A_1129 : i32 to vector<16xi32>
    %add3A_1131 = arith.addi %add3A_1130, %iota3A : vector<16xi32>
    tpu.vector_store_idx %arg7[%add3A_1131], %broadcast_in_dim3A_1119 : memref<3200xi32, #tpu.memory_space<vmem>>[vector<16xi32>], vector<16xi32>,
    %broadcast_in_dim3A_1132 = arith.constant 29 : i32
    %broadcast_in_dim3A_1133 = vector.broadcast %broadcast_in_dim3A_1132 : i32 to vector<16xi32>
    %add3A_1134 = arith.constant 464 : i32
    %add3A_1135 = vector.broadcast %add3A_1134 : i32 to vector<16xi32>
    %add3A_1136 = arith.addi %add3A_1135, %iota3A : vector<16xi32>
    tpu.vector_store_idx %arg7[%add3A_1136], %broadcast_in_dim3A_1133 : memref<3200xi32, #tpu.memory_space<vmem>>[vector<16xi32>], vector<16xi32>,
    %add3A_1137 = arith.constant 1264 : i32
    %add3A_1138 = vector.broadcast %add3A_1137 : i32 to vector<16xi32>
    %add3A_1139 = arith.addi %add3A_1138, %iota3A : vector<16xi32>
    tpu.vector_store_idx %arg7[%add3A_1139], %broadcast_in_dim3A_1133 : memref<3200xi32, #tpu.memory_space<vmem>>[vector<16xi32>], vector<16xi32>,
    %add3A_1140 = arith.constant 2064 : i32
    %add3A_1141 = vector.broadcast %add3A_1140 : i32 to vector<16xi32>
    %add3A_1142 = arith.addi %add3A_1141, %iota3A : vector<16xi32>
    tpu.vector_store_idx %arg7[%add3A_1142], %broadcast_in_dim3A_1133 : memref<3200xi32, #tpu.memory_space<vmem>>[vector<16xi32>], vector<16xi32>,
    %add3A_1143 = arith.constant 2864 : i32
    %add3A_1144 = vector.broadcast %add3A_1143 : i32 to vector<16xi32>
    %add3A_1145 = arith.addi %add3A_1144, %iota3A : vector<16xi32>
    tpu.vector_store_idx %arg7[%add3A_1145], %broadcast_in_dim3A_1133 : memref<3200xi32, #tpu.memory_space<vmem>>[vector<16xi32>], vector<16xi32>,
    %broadcast_in_dim3A_1146 = arith.constant 30 : i32
    %broadcast_in_dim3A_1147 = vector.broadcast %broadcast_in_dim3A_1146 : i32 to vector<16xi32>
    %add3A_1148 = arith.constant 480 : i32
    %add3A_1149 = vector.broadcast %add3A_1148 : i32 to vector<16xi32>
    %add3A_1150 = arith.addi %add3A_1149, %iota3A : vector<16xi32>
    tpu.vector_store_idx %arg7[%add3A_1150], %broadcast_in_dim3A_1147 : memref<3200xi32, #tpu.memory_space<vmem>>[vector<16xi32>], vector<16xi32>,
    %add3A_1151 = arith.constant 1280 : i32
    %add3A_1152 = vector.broadcast %add3A_1151 : i32 to vector<16xi32>
    %add3A_1153 = arith.addi %add3A_1152, %iota3A : vector<16xi32>
    tpu.vector_store_idx %arg7[%add3A_1153], %broadcast_in_dim3A_1147 : memref<3200xi32, #tpu.memory_space<vmem>>[vector<16xi32>], vector<16xi32>,
    %add3A_1154 = arith.constant 2080 : i32
    %add3A_1155 = vector.broadcast %add3A_1154 : i32 to vector<16xi32>
    %add3A_1156 = arith.addi %add3A_1155, %iota3A : vector<16xi32>
    tpu.vector_store_idx %arg7[%add3A_1156], %broadcast_in_dim3A_1147 : memref<3200xi32, #tpu.memory_space<vmem>>[vector<16xi32>], vector<16xi32>,
    %add3A_1157 = arith.constant 2880 : i32
    %add3A_1158 = vector.broadcast %add3A_1157 : i32 to vector<16xi32>
    %add3A_1159 = arith.addi %add3A_1158, %iota3A : vector<16xi32>
    tpu.vector_store_idx %arg7[%add3A_1159], %broadcast_in_dim3A_1147 : memref<3200xi32, #tpu.memory_space<vmem>>[vector<16xi32>], vector<16xi32>,
    %broadcast_in_dim3A_1160 = arith.constant 31 : i32
    %broadcast_in_dim3A_1161 = vector.broadcast %broadcast_in_dim3A_1160 : i32 to vector<16xi32>
    %add3A_1162 = arith.constant 496 : i32
    %add3A_1163 = vector.broadcast %add3A_1162 : i32 to vector<16xi32>
    %add3A_1164 = arith.addi %add3A_1163, %iota3A : vector<16xi32>
    tpu.vector_store_idx %arg7[%add3A_1164], %broadcast_in_dim3A_1161 : memref<3200xi32, #tpu.memory_space<vmem>>[vector<16xi32>], vector<16xi32>,
    %add3A_1165 = arith.constant 1296 : i32
    %add3A_1166 = vector.broadcast %add3A_1165 : i32 to vector<16xi32>
    %add3A_1167 = arith.addi %add3A_1166, %iota3A : vector<16xi32>
    tpu.vector_store_idx %arg7[%add3A_1167], %broadcast_in_dim3A_1161 : memref<3200xi32, #tpu.memory_space<vmem>>[vector<16xi32>], vector<16xi32>,
    %add3A_1168 = arith.constant 2096 : i32
    %add3A_1169 = vector.broadcast %add3A_1168 : i32 to vector<16xi32>
    %add3A_1170 = arith.addi %add3A_1169, %iota3A : vector<16xi32>
    tpu.vector_store_idx %arg7[%add3A_1170], %broadcast_in_dim3A_1161 : memref<3200xi32, #tpu.memory_space<vmem>>[vector<16xi32>], vector<16xi32>,
    %add3A_1171 = arith.constant 2896 : i32
    %add3A_1172 = vector.broadcast %add3A_1171 : i32 to vector<16xi32>
    %add3A_1173 = arith.addi %add3A_1172, %iota3A : vector<16xi32>
    tpu.vector_store_idx %arg7[%add3A_1173], %broadcast_in_dim3A_1161 : memref<3200xi32, #tpu.memory_space<vmem>>[vector<16xi32>], vector<16xi32>,
    %broadcast_in_dim3A_1174 = arith.constant 32 : i32
    %broadcast_in_dim3A_1175 = vector.broadcast %broadcast_in_dim3A_1174 : i32 to vector<16xi32>
    %add3A_1176 = arith.constant 512 : i32
    %add3A_1177 = vector.broadcast %add3A_1176 : i32 to vector<16xi32>
    %add3A_1178 = arith.addi %add3A_1177, %iota3A : vector<16xi32>
    tpu.vector_store_idx %arg7[%add3A_1178], %broadcast_in_dim3A_1175 : memref<3200xi32, #tpu.memory_space<vmem>>[vector<16xi32>], vector<16xi32>,
    %add3A_1179 = arith.constant 1312 : i32
    %add3A_1180 = vector.broadcast %add3A_1179 : i32 to vector<16xi32>
    %add3A_1181 = arith.addi %add3A_1180, %iota3A : vector<16xi32>
    tpu.vector_store_idx %arg7[%add3A_1181], %broadcast_in_dim3A_1175 : memref<3200xi32, #tpu.memory_space<vmem>>[vector<16xi32>], vector<16xi32>,
    %add3A_1182 = arith.constant 2112 : i32
    %add3A_1183 = vector.broadcast %add3A_1182 : i32 to vector<16xi32>
    %add3A_1184 = arith.addi %add3A_1183, %iota3A : vector<16xi32>
    tpu.vector_store_idx %arg7[%add3A_1184], %broadcast_in_dim3A_1175 : memref<3200xi32, #tpu.memory_space<vmem>>[vector<16xi32>], vector<16xi32>,
    %add3A_1185 = arith.constant 2912 : i32
    %add3A_1186 = vector.broadcast %add3A_1185 : i32 to vector<16xi32>
    %add3A_1187 = arith.addi %add3A_1186, %iota3A : vector<16xi32>
    tpu.vector_store_idx %arg7[%add3A_1187], %broadcast_in_dim3A_1175 : memref<3200xi32, #tpu.memory_space<vmem>>[vector<16xi32>], vector<16xi32>,
    %broadcast_in_dim3A_1188 = arith.constant 33 : i32
    %broadcast_in_dim3A_1189 = vector.broadcast %broadcast_in_dim3A_1188 : i32 to vector<16xi32>
    %add3A_1190 = arith.constant 528 : i32
    %add3A_1191 = vector.broadcast %add3A_1190 : i32 to vector<16xi32>
    %add3A_1192 = arith.addi %add3A_1191, %iota3A : vector<16xi32>
    tpu.vector_store_idx %arg7[%add3A_1192], %broadcast_in_dim3A_1189 : memref<3200xi32, #tpu.memory_space<vmem>>[vector<16xi32>], vector<16xi32>,
    %add3A_1193 = arith.constant 1328 : i32
    %add3A_1194 = vector.broadcast %add3A_1193 : i32 to vector<16xi32>
    %add3A_1195 = arith.addi %add3A_1194, %iota3A : vector<16xi32>
    tpu.vector_store_idx %arg7[%add3A_1195], %broadcast_in_dim3A_1189 : memref<3200xi32, #tpu.memory_space<vmem>>[vector<16xi32>], vector<16xi32>,
    %add3A_1196 = arith.constant 2128 : i32
    %add3A_1197 = vector.broadcast %add3A_1196 : i32 to vector<16xi32>
    %add3A_1198 = arith.addi %add3A_1197, %iota3A : vector<16xi32>
    tpu.vector_store_idx %arg7[%add3A_1198], %broadcast_in_dim3A_1189 : memref<3200xi32, #tpu.memory_space<vmem>>[vector<16xi32>], vector<16xi32>,
    %add3A_1199 = arith.constant 2928 : i32
    %add3A_1200 = vector.broadcast %add3A_1199 : i32 to vector<16xi32>
    %add3A_1201 = arith.addi %add3A_1200, %iota3A : vector<16xi32>
    tpu.vector_store_idx %arg7[%add3A_1201], %broadcast_in_dim3A_1189 : memref<3200xi32, #tpu.memory_space<vmem>>[vector<16xi32>], vector<16xi32>,
    %broadcast_in_dim3A_1202 = arith.constant 34 : i32
    %broadcast_in_dim3A_1203 = vector.broadcast %broadcast_in_dim3A_1202 : i32 to vector<16xi32>
    %add3A_1204 = arith.constant 544 : i32
    %add3A_1205 = vector.broadcast %add3A_1204 : i32 to vector<16xi32>
    %add3A_1206 = arith.addi %add3A_1205, %iota3A : vector<16xi32>
    tpu.vector_store_idx %arg7[%add3A_1206], %broadcast_in_dim3A_1203 : memref<3200xi32, #tpu.memory_space<vmem>>[vector<16xi32>], vector<16xi32>,
    %add3A_1207 = arith.constant 1344 : i32
    %add3A_1208 = vector.broadcast %add3A_1207 : i32 to vector<16xi32>
    %add3A_1209 = arith.addi %add3A_1208, %iota3A : vector<16xi32>
    tpu.vector_store_idx %arg7[%add3A_1209], %broadcast_in_dim3A_1203 : memref<3200xi32, #tpu.memory_space<vmem>>[vector<16xi32>], vector<16xi32>,
    %add3A_1210 = arith.constant 2144 : i32
    %add3A_1211 = vector.broadcast %add3A_1210 : i32 to vector<16xi32>
    %add3A_1212 = arith.addi %add3A_1211, %iota3A : vector<16xi32>
    tpu.vector_store_idx %arg7[%add3A_1212], %broadcast_in_dim3A_1203 : memref<3200xi32, #tpu.memory_space<vmem>>[vector<16xi32>], vector<16xi32>,
    %add3A_1213 = arith.constant 2944 : i32
    %add3A_1214 = vector.broadcast %add3A_1213 : i32 to vector<16xi32>
    %add3A_1215 = arith.addi %add3A_1214, %iota3A : vector<16xi32>
    tpu.vector_store_idx %arg7[%add3A_1215], %broadcast_in_dim3A_1203 : memref<3200xi32, #tpu.memory_space<vmem>>[vector<16xi32>], vector<16xi32>,
    %broadcast_in_dim3A_1216 = arith.constant 35 : i32
    %broadcast_in_dim3A_1217 = vector.broadcast %broadcast_in_dim3A_1216 : i32 to vector<16xi32>
    %add3A_1218 = arith.constant 560 : i32
    %add3A_1219 = vector.broadcast %add3A_1218 : i32 to vector<16xi32>
    %add3A_1220 = arith.addi %add3A_1219, %iota3A : vector<16xi32>
    tpu.vector_store_idx %arg7[%add3A_1220], %broadcast_in_dim3A_1217 : memref<3200xi32, #tpu.memory_space<vmem>>[vector<16xi32>], vector<16xi32>,
    %add3A_1221 = arith.constant 1360 : i32
    %add3A_1222 = vector.broadcast %add3A_1221 : i32 to vector<16xi32>
    %add3A_1223 = arith.addi %add3A_1222, %iota3A : vector<16xi32>
    tpu.vector_store_idx %arg7[%add3A_1223], %broadcast_in_dim3A_1217 : memref<3200xi32, #tpu.memory_space<vmem>>[vector<16xi32>], vector<16xi32>,
    %add3A_1224 = arith.constant 2160 : i32
    %add3A_1225 = vector.broadcast %add3A_1224 : i32 to vector<16xi32>
    %add3A_1226 = arith.addi %add3A_1225, %iota3A : vector<16xi32>
    tpu.vector_store_idx %arg7[%add3A_1226], %broadcast_in_dim3A_1217 : memref<3200xi32, #tpu.memory_space<vmem>>[vector<16xi32>], vector<16xi32>,
    %add3A_1227 = arith.constant 2960 : i32
    %add3A_1228 = vector.broadcast %add3A_1227 : i32 to vector<16xi32>
    %add3A_1229 = arith.addi %add3A_1228, %iota3A : vector<16xi32>
    tpu.vector_store_idx %arg7[%add3A_1229], %broadcast_in_dim3A_1217 : memref<3200xi32, #tpu.memory_space<vmem>>[vector<16xi32>], vector<16xi32>,
    %broadcast_in_dim3A_1230 = arith.constant 36 : i32
    %broadcast_in_dim3A_1231 = vector.broadcast %broadcast_in_dim3A_1230 : i32 to vector<16xi32>
    %add3A_1232 = arith.constant 576 : i32
    %add3A_1233 = vector.broadcast %add3A_1232 : i32 to vector<16xi32>
    %add3A_1234 = arith.addi %add3A_1233, %iota3A : vector<16xi32>
    tpu.vector_store_idx %arg7[%add3A_1234], %broadcast_in_dim3A_1231 : memref<3200xi32, #tpu.memory_space<vmem>>[vector<16xi32>], vector<16xi32>,
    %add3A_1235 = arith.constant 1376 : i32
    %add3A_1236 = vector.broadcast %add3A_1235 : i32 to vector<16xi32>
    %add3A_1237 = arith.addi %add3A_1236, %iota3A : vector<16xi32>
    tpu.vector_store_idx %arg7[%add3A_1237], %broadcast_in_dim3A_1231 : memref<3200xi32, #tpu.memory_space<vmem>>[vector<16xi32>], vector<16xi32>,
    %add3A_1238 = arith.constant 2176 : i32
    %add3A_1239 = vector.broadcast %add3A_1238 : i32 to vector<16xi32>
    %add3A_1240 = arith.addi %add3A_1239, %iota3A : vector<16xi32>
    tpu.vector_store_idx %arg7[%add3A_1240], %broadcast_in_dim3A_1231 : memref<3200xi32, #tpu.memory_space<vmem>>[vector<16xi32>], vector<16xi32>,
    %add3A_1241 = arith.constant 2976 : i32
    %add3A_1242 = vector.broadcast %add3A_1241 : i32 to vector<16xi32>
    %add3A_1243 = arith.addi %add3A_1242, %iota3A : vector<16xi32>
    tpu.vector_store_idx %arg7[%add3A_1243], %broadcast_in_dim3A_1231 : memref<3200xi32, #tpu.memory_space<vmem>>[vector<16xi32>], vector<16xi32>,
    %broadcast_in_dim3A_1244 = arith.constant 37 : i32
    %broadcast_in_dim3A_1245 = vector.broadcast %broadcast_in_dim3A_1244 : i32 to vector<16xi32>
    %add3A_1246 = arith.constant 592 : i32
    %add3A_1247 = vector.broadcast %add3A_1246 : i32 to vector<16xi32>
    %add3A_1248 = arith.addi %add3A_1247, %iota3A : vector<16xi32>
    tpu.vector_store_idx %arg7[%add3A_1248], %broadcast_in_dim3A_1245 : memref<3200xi32, #tpu.memory_space<vmem>>[vector<16xi32>], vector<16xi32>,
    %add3A_1249 = arith.constant 1392 : i32
    %add3A_1250 = vector.broadcast %add3A_1249 : i32 to vector<16xi32>
    %add3A_1251 = arith.addi %add3A_1250, %iota3A : vector<16xi32>
    tpu.vector_store_idx %arg7[%add3A_1251], %broadcast_in_dim3A_1245 : memref<3200xi32, #tpu.memory_space<vmem>>[vector<16xi32>], vector<16xi32>,
    %add3A_1252 = arith.constant 2192 : i32
    %add3A_1253 = vector.broadcast %add3A_1252 : i32 to vector<16xi32>
    %add3A_1254 = arith.addi %add3A_1253, %iota3A : vector<16xi32>
    tpu.vector_store_idx %arg7[%add3A_1254], %broadcast_in_dim3A_1245 : memref<3200xi32, #tpu.memory_space<vmem>>[vector<16xi32>], vector<16xi32>,
    %add3A_1255 = arith.constant 2992 : i32
    %add3A_1256 = vector.broadcast %add3A_1255 : i32 to vector<16xi32>
    %add3A_1257 = arith.addi %add3A_1256, %iota3A : vector<16xi32>
    tpu.vector_store_idx %arg7[%add3A_1257], %broadcast_in_dim3A_1245 : memref<3200xi32, #tpu.memory_space<vmem>>[vector<16xi32>], vector<16xi32>,
    %broadcast_in_dim3A_1258 = arith.constant 38 : i32
    %broadcast_in_dim3A_1259 = vector.broadcast %broadcast_in_dim3A_1258 : i32 to vector<16xi32>
    %add3A_1260 = arith.constant 608 : i32
    %add3A_1261 = vector.broadcast %add3A_1260 : i32 to vector<16xi32>
    %add3A_1262 = arith.addi %add3A_1261, %iota3A : vector<16xi32>
    tpu.vector_store_idx %arg7[%add3A_1262], %broadcast_in_dim3A_1259 : memref<3200xi32, #tpu.memory_space<vmem>>[vector<16xi32>], vector<16xi32>,
    %add3A_1263 = arith.constant 1408 : i32
    %add3A_1264 = vector.broadcast %add3A_1263 : i32 to vector<16xi32>
    %add3A_1265 = arith.addi %add3A_1264, %iota3A : vector<16xi32>
    tpu.vector_store_idx %arg7[%add3A_1265], %broadcast_in_dim3A_1259 : memref<3200xi32, #tpu.memory_space<vmem>>[vector<16xi32>], vector<16xi32>,
    %add3A_1266 = arith.constant 2208 : i32
    %add3A_1267 = vector.broadcast %add3A_1266 : i32 to vector<16xi32>
    %add3A_1268 = arith.addi %add3A_1267, %iota3A : vector<16xi32>
    tpu.vector_store_idx %arg7[%add3A_1268], %broadcast_in_dim3A_1259 : memref<3200xi32, #tpu.memory_space<vmem>>[vector<16xi32>], vector<16xi32>,
    %add3A_1269 = arith.constant 3008 : i32
    %add3A_1270 = vector.broadcast %add3A_1269 : i32 to vector<16xi32>
    %add3A_1271 = arith.addi %add3A_1270, %iota3A : vector<16xi32>
    tpu.vector_store_idx %arg7[%add3A_1271], %broadcast_in_dim3A_1259 : memref<3200xi32, #tpu.memory_space<vmem>>[vector<16xi32>], vector<16xi32>,
    %broadcast_in_dim3A_1272 = arith.constant 39 : i32
    %broadcast_in_dim3A_1273 = vector.broadcast %broadcast_in_dim3A_1272 : i32 to vector<16xi32>
    %add3A_1274 = arith.constant 624 : i32
    %add3A_1275 = vector.broadcast %add3A_1274 : i32 to vector<16xi32>
    %add3A_1276 = arith.addi %add3A_1275, %iota3A : vector<16xi32>
    tpu.vector_store_idx %arg7[%add3A_1276], %broadcast_in_dim3A_1273 : memref<3200xi32, #tpu.memory_space<vmem>>[vector<16xi32>], vector<16xi32>,
    %add3A_1277 = arith.constant 1424 : i32
    %add3A_1278 = vector.broadcast %add3A_1277 : i32 to vector<16xi32>
    %add3A_1279 = arith.addi %add3A_1278, %iota3A : vector<16xi32>
    tpu.vector_store_idx %arg7[%add3A_1279], %broadcast_in_dim3A_1273 : memref<3200xi32, #tpu.memory_space<vmem>>[vector<16xi32>], vector<16xi32>,
    %add3A_1280 = arith.constant 2224 : i32
    %add3A_1281 = vector.broadcast %add3A_1280 : i32 to vector<16xi32>
    %add3A_1282 = arith.addi %add3A_1281, %iota3A : vector<16xi32>
    tpu.vector_store_idx %arg7[%add3A_1282], %broadcast_in_dim3A_1273 : memref<3200xi32, #tpu.memory_space<vmem>>[vector<16xi32>], vector<16xi32>,
    %add3A_1283 = arith.constant 3024 : i32
    %add3A_1284 = vector.broadcast %add3A_1283 : i32 to vector<16xi32>
    %add3A_1285 = arith.addi %add3A_1284, %iota3A : vector<16xi32>
    tpu.vector_store_idx %arg7[%add3A_1285], %broadcast_in_dim3A_1273 : memref<3200xi32, #tpu.memory_space<vmem>>[vector<16xi32>], vector<16xi32>,
    %broadcast_in_dim3A_1286 = arith.constant 40 : i32
    %broadcast_in_dim3A_1287 = vector.broadcast %broadcast_in_dim3A_1286 : i32 to vector<16xi32>
    %add3A_1288 = arith.constant 640 : i32
    %add3A_1289 = vector.broadcast %add3A_1288 : i32 to vector<16xi32>
    %add3A_1290 = arith.addi %add3A_1289, %iota3A : vector<16xi32>
    tpu.vector_store_idx %arg7[%add3A_1290], %broadcast_in_dim3A_1287 : memref<3200xi32, #tpu.memory_space<vmem>>[vector<16xi32>], vector<16xi32>,
    %add3A_1291 = arith.constant 1440 : i32
    %add3A_1292 = vector.broadcast %add3A_1291 : i32 to vector<16xi32>
    %add3A_1293 = arith.addi %add3A_1292, %iota3A : vector<16xi32>
    tpu.vector_store_idx %arg7[%add3A_1293], %broadcast_in_dim3A_1287 : memref<3200xi32, #tpu.memory_space<vmem>>[vector<16xi32>], vector<16xi32>,
    %add3A_1294 = arith.constant 2240 : i32
    %add3A_1295 = vector.broadcast %add3A_1294 : i32 to vector<16xi32>
    %add3A_1296 = arith.addi %add3A_1295, %iota3A : vector<16xi32>
    tpu.vector_store_idx %arg7[%add3A_1296], %broadcast_in_dim3A_1287 : memref<3200xi32, #tpu.memory_space<vmem>>[vector<16xi32>], vector<16xi32>,
    %add3A_1297 = arith.constant 3040 : i32
    %add3A_1298 = vector.broadcast %add3A_1297 : i32 to vector<16xi32>
    %add3A_1299 = arith.addi %add3A_1298, %iota3A : vector<16xi32>
    tpu.vector_store_idx %arg7[%add3A_1299], %broadcast_in_dim3A_1287 : memref<3200xi32, #tpu.memory_space<vmem>>[vector<16xi32>], vector<16xi32>,
    %broadcast_in_dim3A_1300 = arith.constant 41 : i32
    %broadcast_in_dim3A_1301 = vector.broadcast %broadcast_in_dim3A_1300 : i32 to vector<16xi32>
    %add3A_1302 = arith.constant 656 : i32
    %add3A_1303 = vector.broadcast %add3A_1302 : i32 to vector<16xi32>
    %add3A_1304 = arith.addi %add3A_1303, %iota3A : vector<16xi32>
    tpu.vector_store_idx %arg7[%add3A_1304], %broadcast_in_dim3A_1301 : memref<3200xi32, #tpu.memory_space<vmem>>[vector<16xi32>], vector<16xi32>,
    %add3A_1305 = arith.constant 1456 : i32
    %add3A_1306 = vector.broadcast %add3A_1305 : i32 to vector<16xi32>
    %add3A_1307 = arith.addi %add3A_1306, %iota3A : vector<16xi32>
    tpu.vector_store_idx %arg7[%add3A_1307], %broadcast_in_dim3A_1301 : memref<3200xi32, #tpu.memory_space<vmem>>[vector<16xi32>], vector<16xi32>,
    %add3A_1308 = arith.constant 2256 : i32
    %add3A_1309 = vector.broadcast %add3A_1308 : i32 to vector<16xi32>
    %add3A_1310 = arith.addi %add3A_1309, %iota3A : vector<16xi32>
    tpu.vector_store_idx %arg7[%add3A_1310], %broadcast_in_dim3A_1301 : memref<3200xi32, #tpu.memory_space<vmem>>[vector<16xi32>], vector<16xi32>,
    %add3A_1311 = arith.constant 3056 : i32
    %add3A_1312 = vector.broadcast %add3A_1311 : i32 to vector<16xi32>
    %add3A_1313 = arith.addi %add3A_1312, %iota3A : vector<16xi32>
    tpu.vector_store_idx %arg7[%add3A_1313], %broadcast_in_dim3A_1301 : memref<3200xi32, #tpu.memory_space<vmem>>[vector<16xi32>], vector<16xi32>,
    %broadcast_in_dim3A_1314 = arith.constant 42 : i32
    %broadcast_in_dim3A_1315 = vector.broadcast %broadcast_in_dim3A_1314 : i32 to vector<16xi32>
    %add3A_1316 = arith.constant 672 : i32
    %add3A_1317 = vector.broadcast %add3A_1316 : i32 to vector<16xi32>
    %add3A_1318 = arith.addi %add3A_1317, %iota3A : vector<16xi32>
    tpu.vector_store_idx %arg7[%add3A_1318], %broadcast_in_dim3A_1315 : memref<3200xi32, #tpu.memory_space<vmem>>[vector<16xi32>], vector<16xi32>,
    %add3A_1319 = arith.constant 1472 : i32
    %add3A_1320 = vector.broadcast %add3A_1319 : i32 to vector<16xi32>
    %add3A_1321 = arith.addi %add3A_1320, %iota3A : vector<16xi32>
    tpu.vector_store_idx %arg7[%add3A_1321], %broadcast_in_dim3A_1315 : memref<3200xi32, #tpu.memory_space<vmem>>[vector<16xi32>], vector<16xi32>,
    %add3A_1322 = arith.constant 2272 : i32
    %add3A_1323 = vector.broadcast %add3A_1322 : i32 to vector<16xi32>
    %add3A_1324 = arith.addi %add3A_1323, %iota3A : vector<16xi32>
    tpu.vector_store_idx %arg7[%add3A_1324], %broadcast_in_dim3A_1315 : memref<3200xi32, #tpu.memory_space<vmem>>[vector<16xi32>], vector<16xi32>,
    %add3A_1325 = arith.constant 3072 : i32
    %add3A_1326 = vector.broadcast %add3A_1325 : i32 to vector<16xi32>
    %add3A_1327 = arith.addi %add3A_1326, %iota3A : vector<16xi32>
    tpu.vector_store_idx %arg7[%add3A_1327], %broadcast_in_dim3A_1315 : memref<3200xi32, #tpu.memory_space<vmem>>[vector<16xi32>], vector<16xi32>,
    %broadcast_in_dim3A_1328 = arith.constant 43 : i32
    %broadcast_in_dim3A_1329 = vector.broadcast %broadcast_in_dim3A_1328 : i32 to vector<16xi32>
    %add3A_1330 = arith.constant 688 : i32
    %add3A_1331 = vector.broadcast %add3A_1330 : i32 to vector<16xi32>
    %add3A_1332 = arith.addi %add3A_1331, %iota3A : vector<16xi32>
    tpu.vector_store_idx %arg7[%add3A_1332], %broadcast_in_dim3A_1329 : memref<3200xi32, #tpu.memory_space<vmem>>[vector<16xi32>], vector<16xi32>,
    %add3A_1333 = arith.constant 1488 : i32
    %add3A_1334 = vector.broadcast %add3A_1333 : i32 to vector<16xi32>
    %add3A_1335 = arith.addi %add3A_1334, %iota3A : vector<16xi32>
    tpu.vector_store_idx %arg7[%add3A_1335], %broadcast_in_dim3A_1329 : memref<3200xi32, #tpu.memory_space<vmem>>[vector<16xi32>], vector<16xi32>,
    %add3A_1336 = arith.constant 2288 : i32
    %add3A_1337 = vector.broadcast %add3A_1336 : i32 to vector<16xi32>
    %add3A_1338 = arith.addi %add3A_1337, %iota3A : vector<16xi32>
    tpu.vector_store_idx %arg7[%add3A_1338], %broadcast_in_dim3A_1329 : memref<3200xi32, #tpu.memory_space<vmem>>[vector<16xi32>], vector<16xi32>,
    %add3A_1339 = arith.constant 3088 : i32
    %add3A_1340 = vector.broadcast %add3A_1339 : i32 to vector<16xi32>
    %add3A_1341 = arith.addi %add3A_1340, %iota3A : vector<16xi32>
    tpu.vector_store_idx %arg7[%add3A_1341], %broadcast_in_dim3A_1329 : memref<3200xi32, #tpu.memory_space<vmem>>[vector<16xi32>], vector<16xi32>,
    %broadcast_in_dim3A_1342 = arith.constant 44 : i32
    %broadcast_in_dim3A_1343 = vector.broadcast %broadcast_in_dim3A_1342 : i32 to vector<16xi32>
    %add3A_1344 = arith.constant 704 : i32
    %add3A_1345 = vector.broadcast %add3A_1344 : i32 to vector<16xi32>
    %add3A_1346 = arith.addi %add3A_1345, %iota3A : vector<16xi32>
    tpu.vector_store_idx %arg7[%add3A_1346], %broadcast_in_dim3A_1343 : memref<3200xi32, #tpu.memory_space<vmem>>[vector<16xi32>], vector<16xi32>,
    %add3A_1347 = arith.constant 1504 : i32
    %add3A_1348 = vector.broadcast %add3A_1347 : i32 to vector<16xi32>
    %add3A_1349 = arith.addi %add3A_1348, %iota3A : vector<16xi32>
    tpu.vector_store_idx %arg7[%add3A_1349], %broadcast_in_dim3A_1343 : memref<3200xi32, #tpu.memory_space<vmem>>[vector<16xi32>], vector<16xi32>,
    %add3A_1350 = arith.constant 2304 : i32
    %add3A_1351 = vector.broadcast %add3A_1350 : i32 to vector<16xi32>
    %add3A_1352 = arith.addi %add3A_1351, %iota3A : vector<16xi32>
    tpu.vector_store_idx %arg7[%add3A_1352], %broadcast_in_dim3A_1343 : memref<3200xi32, #tpu.memory_space<vmem>>[vector<16xi32>], vector<16xi32>,
    %add3A_1353 = arith.constant 3104 : i32
    %add3A_1354 = vector.broadcast %add3A_1353 : i32 to vector<16xi32>
    %add3A_1355 = arith.addi %add3A_1354, %iota3A : vector<16xi32>
    tpu.vector_store_idx %arg7[%add3A_1355], %broadcast_in_dim3A_1343 : memref<3200xi32, #tpu.memory_space<vmem>>[vector<16xi32>], vector<16xi32>,
    %broadcast_in_dim3A_1356 = arith.constant 45 : i32
    %broadcast_in_dim3A_1357 = vector.broadcast %broadcast_in_dim3A_1356 : i32 to vector<16xi32>
    %add3A_1358 = arith.constant 720 : i32
    %add3A_1359 = vector.broadcast %add3A_1358 : i32 to vector<16xi32>
    %add3A_1360 = arith.addi %add3A_1359, %iota3A : vector<16xi32>
    tpu.vector_store_idx %arg7[%add3A_1360], %broadcast_in_dim3A_1357 : memref<3200xi32, #tpu.memory_space<vmem>>[vector<16xi32>], vector<16xi32>,
    %add3A_1361 = arith.constant 1520 : i32
    %add3A_1362 = vector.broadcast %add3A_1361 : i32 to vector<16xi32>
    %add3A_1363 = arith.addi %add3A_1362, %iota3A : vector<16xi32>
    tpu.vector_store_idx %arg7[%add3A_1363], %broadcast_in_dim3A_1357 : memref<3200xi32, #tpu.memory_space<vmem>>[vector<16xi32>], vector<16xi32>,
    %add3A_1364 = arith.constant 2320 : i32
    %add3A_1365 = vector.broadcast %add3A_1364 : i32 to vector<16xi32>
    %add3A_1366 = arith.addi %add3A_1365, %iota3A : vector<16xi32>
    tpu.vector_store_idx %arg7[%add3A_1366], %broadcast_in_dim3A_1357 : memref<3200xi32, #tpu.memory_space<vmem>>[vector<16xi32>], vector<16xi32>,
    %add3A_1367 = arith.constant 3120 : i32
    %add3A_1368 = vector.broadcast %add3A_1367 : i32 to vector<16xi32>
    %add3A_1369 = arith.addi %add3A_1368, %iota3A : vector<16xi32>
    tpu.vector_store_idx %arg7[%add3A_1369], %broadcast_in_dim3A_1357 : memref<3200xi32, #tpu.memory_space<vmem>>[vector<16xi32>], vector<16xi32>,
    %broadcast_in_dim3A_1370 = arith.constant 46 : i32
    %broadcast_in_dim3A_1371 = vector.broadcast %broadcast_in_dim3A_1370 : i32 to vector<16xi32>
    %add3A_1372 = arith.constant 736 : i32
    %add3A_1373 = vector.broadcast %add3A_1372 : i32 to vector<16xi32>
    %add3A_1374 = arith.addi %add3A_1373, %iota3A : vector<16xi32>
    tpu.vector_store_idx %arg7[%add3A_1374], %broadcast_in_dim3A_1371 : memref<3200xi32, #tpu.memory_space<vmem>>[vector<16xi32>], vector<16xi32>,
    %add3A_1375 = arith.constant 1536 : i32
    %add3A_1376 = vector.broadcast %add3A_1375 : i32 to vector<16xi32>
    %add3A_1377 = arith.addi %add3A_1376, %iota3A : vector<16xi32>
    tpu.vector_store_idx %arg7[%add3A_1377], %broadcast_in_dim3A_1371 : memref<3200xi32, #tpu.memory_space<vmem>>[vector<16xi32>], vector<16xi32>,
    %add3A_1378 = arith.constant 2336 : i32
    %add3A_1379 = vector.broadcast %add3A_1378 : i32 to vector<16xi32>
    %add3A_1380 = arith.addi %add3A_1379, %iota3A : vector<16xi32>
    tpu.vector_store_idx %arg7[%add3A_1380], %broadcast_in_dim3A_1371 : memref<3200xi32, #tpu.memory_space<vmem>>[vector<16xi32>], vector<16xi32>,
    %add3A_1381 = arith.constant 3136 : i32
    %add3A_1382 = vector.broadcast %add3A_1381 : i32 to vector<16xi32>
    %add3A_1383 = arith.addi %add3A_1382, %iota3A : vector<16xi32>
    tpu.vector_store_idx %arg7[%add3A_1383], %broadcast_in_dim3A_1371 : memref<3200xi32, #tpu.memory_space<vmem>>[vector<16xi32>], vector<16xi32>,
    %broadcast_in_dim3A_1384 = arith.constant 47 : i32
    %broadcast_in_dim3A_1385 = vector.broadcast %broadcast_in_dim3A_1384 : i32 to vector<16xi32>
    %add3A_1386 = arith.constant 752 : i32
    %add3A_1387 = vector.broadcast %add3A_1386 : i32 to vector<16xi32>
    %add3A_1388 = arith.addi %add3A_1387, %iota3A : vector<16xi32>
    tpu.vector_store_idx %arg7[%add3A_1388], %broadcast_in_dim3A_1385 : memref<3200xi32, #tpu.memory_space<vmem>>[vector<16xi32>], vector<16xi32>,
    %add3A_1389 = arith.constant 1552 : i32
    %add3A_1390 = vector.broadcast %add3A_1389 : i32 to vector<16xi32>
    %add3A_1391 = arith.addi %add3A_1390, %iota3A : vector<16xi32>
    tpu.vector_store_idx %arg7[%add3A_1391], %broadcast_in_dim3A_1385 : memref<3200xi32, #tpu.memory_space<vmem>>[vector<16xi32>], vector<16xi32>,
    %add3A_1392 = arith.constant 2352 : i32
    %add3A_1393 = vector.broadcast %add3A_1392 : i32 to vector<16xi32>
    %add3A_1394 = arith.addi %add3A_1393, %iota3A : vector<16xi32>
    tpu.vector_store_idx %arg7[%add3A_1394], %broadcast_in_dim3A_1385 : memref<3200xi32, #tpu.memory_space<vmem>>[vector<16xi32>], vector<16xi32>,
    %add3A_1395 = arith.constant 3152 : i32
    %add3A_1396 = vector.broadcast %add3A_1395 : i32 to vector<16xi32>
    %add3A_1397 = arith.addi %add3A_1396, %iota3A : vector<16xi32>
    tpu.vector_store_idx %arg7[%add3A_1397], %broadcast_in_dim3A_1385 : memref<3200xi32, #tpu.memory_space<vmem>>[vector<16xi32>], vector<16xi32>,
    %broadcast_in_dim3A_1398 = arith.constant 48 : i32
    %broadcast_in_dim3A_1399 = vector.broadcast %broadcast_in_dim3A_1398 : i32 to vector<16xi32>
    %add3A_1400 = arith.constant 768 : i32
    %add3A_1401 = vector.broadcast %add3A_1400 : i32 to vector<16xi32>
    %add3A_1402 = arith.addi %add3A_1401, %iota3A : vector<16xi32>
    tpu.vector_store_idx %arg7[%add3A_1402], %broadcast_in_dim3A_1399 : memref<3200xi32, #tpu.memory_space<vmem>>[vector<16xi32>], vector<16xi32>,
    %add3A_1403 = arith.constant 1568 : i32
    %add3A_1404 = vector.broadcast %add3A_1403 : i32 to vector<16xi32>
    %add3A_1405 = arith.addi %add3A_1404, %iota3A : vector<16xi32>
    tpu.vector_store_idx %arg7[%add3A_1405], %broadcast_in_dim3A_1399 : memref<3200xi32, #tpu.memory_space<vmem>>[vector<16xi32>], vector<16xi32>,
    %add3A_1406 = arith.constant 2368 : i32
    %add3A_1407 = vector.broadcast %add3A_1406 : i32 to vector<16xi32>
    %add3A_1408 = arith.addi %add3A_1407, %iota3A : vector<16xi32>
    tpu.vector_store_idx %arg7[%add3A_1408], %broadcast_in_dim3A_1399 : memref<3200xi32, #tpu.memory_space<vmem>>[vector<16xi32>], vector<16xi32>,
    %add3A_1409 = arith.constant 3168 : i32
    %add3A_1410 = vector.broadcast %add3A_1409 : i32 to vector<16xi32>
    %add3A_1411 = arith.addi %add3A_1410, %iota3A : vector<16xi32>
    tpu.vector_store_idx %arg7[%add3A_1411], %broadcast_in_dim3A_1399 : memref<3200xi32, #tpu.memory_space<vmem>>[vector<16xi32>], vector<16xi32>,
    %broadcast_in_dim3A_1412 = arith.constant 49 : i32
    %broadcast_in_dim3A_1413 = vector.broadcast %broadcast_in_dim3A_1412 : i32 to vector<16xi32>
    %add3A_1414 = arith.constant 784 : i32
    %add3A_1415 = vector.broadcast %add3A_1414 : i32 to vector<16xi32>
    %add3A_1416 = arith.addi %add3A_1415, %iota3A : vector<16xi32>
    tpu.vector_store_idx %arg7[%add3A_1416], %broadcast_in_dim3A_1413 : memref<3200xi32, #tpu.memory_space<vmem>>[vector<16xi32>], vector<16xi32>,
    %add3A_1417 = arith.constant 1584 : i32
    %add3A_1418 = vector.broadcast %add3A_1417 : i32 to vector<16xi32>
    %add3A_1419 = arith.addi %add3A_1418, %iota3A : vector<16xi32>
    tpu.vector_store_idx %arg7[%add3A_1419], %broadcast_in_dim3A_1413 : memref<3200xi32, #tpu.memory_space<vmem>>[vector<16xi32>], vector<16xi32>,
    %add3A_1420 = arith.constant 2384 : i32
    %add3A_1421 = vector.broadcast %add3A_1420 : i32 to vector<16xi32>
    %add3A_1422 = arith.addi %add3A_1421, %iota3A : vector<16xi32>
    tpu.vector_store_idx %arg7[%add3A_1422], %broadcast_in_dim3A_1413 : memref<3200xi32, #tpu.memory_space<vmem>>[vector<16xi32>], vector<16xi32>,
    %add3A_1423 = arith.constant 3184 : i32
    %add3A_1424 = vector.broadcast %add3A_1423 : i32 to vector<16xi32>
    %add3A_1425 = arith.addi %add3A_1424, %iota3A : vector<16xi32>
    tpu.vector_store_idx %arg7[%add3A_1425], %broadcast_in_dim3A_1413 : memref<3200xi32, #tpu.memory_space<vmem>>[vector<16xi32>], vector<16xi32>,
    %broadcast_in_dim3A_1426 = arith.constant 0.000000e+00 : f32
    %broadcast_in_dim3A_1427 = vector.broadcast %broadcast_in_dim3A_1426 : f32 to vector<16xf32>
    %scan3A_1428 = arith.constant 0 : i32
    %scan3A_1429 = arith.constant 49 : i32
    %scan3A_1430 = arith.addi %scan3A_1428, %scan3A_1429 : i32
    %scan3A_1431 = arith.constant 1 : i32
    %scan3A_1432:4 = scf.for %scan3A_1448 = %scan3A_1428 to %scan3A_1430 step %scan3A_1431 iter_args(%scan3A_1449 = %broadcast_in_dim3A_1427, %scan3A_1450 = %broadcast_in_dim3A_1427, %scan3A_1451 = %broadcast_in_dim3A_1427, %scan3A_1452 = %broadcast_in_dim3A_1427) -> (vector<16xf32>, vector<16xf32>, vector<16xf32>, vector<16xf32>)  : i32 {
      %add3A_1453 = arith.constant 3136 : i32
      %add3A_1454 = arith.addi %add3A_1453, %scan3A_1448 : i32
      %add3A_1455 = vector.broadcast %add3A_1454 : i32 to vector<16xi32>
      %add3A_1456 = arith.addi %add3A_1455, %mul3A_7 : vector<16xi32>
      %gather3A = tpu.vector_load_idx %arg6[%add3A_1456] : memref<6272xi32, #tpu.memory_space<vmem>>[vector<16xi32>], vector<16xi32>,
      %and3A = arith.constant 63 : i32
      %and3A_1457 = vector.broadcast %and3A : i32 to vector<16xi32>
      %and3A_1458 = arith.andi %gather3A, %and3A_1457 : vector<16xi32>
      %shift_right_arithmetic3A = arith.constant 6 : i32
      %shift_right_arithmetic3A_1459 = vector.broadcast %shift_right_arithmetic3A : i32 to vector<16xi32>
      %shift_right_arithmetic3A_1460 = arith.shrsi %gather3A, %shift_right_arithmetic3A_1459 : vector<16xi32>
      %and3A_1461 = arith.constant 63 : i32
      %and3A_1462 = vector.broadcast %and3A_1461 : i32 to vector<16xi32>
      %and3A_1463 = arith.andi %shift_right_arithmetic3A_1460, %and3A_1462 : vector<16xi32>
      %shift_right_arithmetic3A_1464 = arith.constant 12 : i32
      %shift_right_arithmetic3A_1465 = vector.broadcast %shift_right_arithmetic3A_1464 : i32 to vector<16xi32>
      %shift_right_arithmetic3A_1466 = arith.shrsi %gather3A, %shift_right_arithmetic3A_1465 : vector<16xi32>
      %mul3A_1467 = arith.constant 16 : i32
      %mul3A_1468 = vector.broadcast %mul3A_1467 : i32 to vector<16xi32>
      %mul3A_1469 = arith.muli %and3A_1463, %mul3A_1468 : vector<16xi32>
      %add3A_1470 = arith.constant 0 : i32
      %add3A_1471 = vector.broadcast %add3A_1470 : i32 to vector<16xi32>
      %add3A_1472 = arith.addi %add3A_1471, %mul3A_1469 : vector<16xi32>
      %add3A_1473 = arith.addi %add3A_1472, %iota3A : vector<16xi32>
      %gather3A_1474 = tpu.vector_load_idx %arg7[%add3A_1473] : memref<3200xi32, #tpu.memory_space<vmem>>[vector<16xi32>], vector<16xi32>,
      %mul3A_1475 = arith.constant 16 : i32
      %mul3A_1476 = vector.broadcast %mul3A_1475 : i32 to vector<16xi32>
      %mul3A_1477 = arith.muli %and3A_1458, %mul3A_1476 : vector<16xi32>
      %add3A_1478 = arith.constant 0 : i32
      %add3A_1479 = vector.broadcast %add3A_1478 : i32 to vector<16xi32>
      %add3A_1480 = arith.addi %add3A_1479, %mul3A_1477 : vector<16xi32>
      %add3A_1481 = arith.addi %add3A_1480, %iota3A : vector<16xi32>
      %gather3A_1482 = tpu.vector_load_idx %arg7[%add3A_1481] : memref<3200xi32, #tpu.memory_space<vmem>>[vector<16xi32>], vector<16xi32>,
      %shift_left3A = arith.constant 13 : i32
      %shift_left3A_1483 = vector.broadcast %shift_left3A : i32 to vector<16xi32>
      %shift_left3A_1484 = arith.shli %shift_right_arithmetic3A_1466, %shift_left3A_1483 : vector<16xi32>
      %shift_left3A_1485 = arith.constant 7 : i32
      %shift_left3A_1486 = vector.broadcast %shift_left3A_1485 : i32 to vector<16xi32>
      %shift_left3A_1487 = arith.shli %gather3A_1474, %shift_left3A_1486 : vector<16xi32>
      %add3A_1488 = arith.addi %shift_left3A_1484, %shift_left3A_1487 : vector<16xi32>
      %add3A_1489 = arith.addi %add3A_1488, %gather3A_1482 : vector<16xi32>
      %gather3A_1490 = tpu.vector_load_idx %arg5[%add3A_1489] : memref<24576xf32, #tpu.memory_space<vmem>>[vector<16xi32>], vector<16xf32>,
      %mul3A_1491 = arith.constant 16 : i32
      %mul3A_1492 = vector.broadcast %mul3A_1491 : i32 to vector<16xi32>
      %mul3A_1493 = arith.muli %and3A_1463, %mul3A_1492 : vector<16xi32>
      %add3A_1494 = arith.constant 0 : i32
      %add3A_1495 = vector.broadcast %add3A_1494 : i32 to vector<16xi32>
      %add3A_1496 = arith.addi %add3A_1495, %mul3A_1493 : vector<16xi32>
      %add3A_1497 = arith.addi %add3A_1496, %iota3A : vector<16xi32>
      %eq3A = arith.constant 2 : i32
      %eq3A_1498 = vector.broadcast %eq3A : i32 to vector<16xi32>
      %eq3A_1499 = arith.cmpi eq, %shift_right_arithmetic3A_1466, %eq3A_1498 : vector<16xi32>
      tpu.vector_store_idx %arg7[%add3A_1497], %gather3A_1482 masked %eq3A_1499 : memref<3200xi32, #tpu.memory_space<vmem>>[vector<16xi32>], vector<16xi32>, vector<16xi1>
      %add3A_1500 = arith.addf %scan3A_1449, %gather3A_1490 : vector<16xf32>
      %add3A_1501 = arith.constant 3920 : i32
      %add3A_1502 = arith.addi %add3A_1501, %scan3A_1448 : i32
      %add3A_1503 = vector.broadcast %add3A_1502 : i32 to vector<16xi32>
      %add3A_1504 = arith.addi %add3A_1503, %mul3A_7 : vector<16xi32>
      %gather3A_1505 = tpu.vector_load_idx %arg6[%add3A_1504] : memref<6272xi32, #tpu.memory_space<vmem>>[vector<16xi32>], vector<16xi32>,
      %and3A_1506 = arith.constant 63 : i32
      %and3A_1507 = vector.broadcast %and3A_1506 : i32 to vector<16xi32>
      %and3A_1508 = arith.andi %gather3A_1505, %and3A_1507 : vector<16xi32>
      %shift_right_arithmetic3A_1509 = arith.constant 6 : i32
      %shift_right_arithmetic3A_1510 = vector.broadcast %shift_right_arithmetic3A_1509 : i32 to vector<16xi32>
      %shift_right_arithmetic3A_1511 = arith.shrsi %gather3A_1505, %shift_right_arithmetic3A_1510 : vector<16xi32>
      %and3A_1512 = arith.constant 63 : i32
      %and3A_1513 = vector.broadcast %and3A_1512 : i32 to vector<16xi32>
      %and3A_1514 = arith.andi %shift_right_arithmetic3A_1511, %and3A_1513 : vector<16xi32>
      %shift_right_arithmetic3A_1515 = arith.constant 12 : i32
      %shift_right_arithmetic3A_1516 = vector.broadcast %shift_right_arithmetic3A_1515 : i32 to vector<16xi32>
      %shift_right_arithmetic3A_1517 = arith.shrsi %gather3A_1505, %shift_right_arithmetic3A_1516 : vector<16xi32>
      %mul3A_1518 = arith.constant 16 : i32
      %mul3A_1519 = vector.broadcast %mul3A_1518 : i32 to vector<16xi32>
      %mul3A_1520 = arith.muli %and3A_1514, %mul3A_1519 : vector<16xi32>
      %add3A_1521 = arith.constant 800 : i32
      %add3A_1522 = vector.broadcast %add3A_1521 : i32 to vector<16xi32>
      %add3A_1523 = arith.addi %add3A_1522, %mul3A_1520 : vector<16xi32>
      %add3A_1524 = arith.addi %add3A_1523, %iota3A : vector<16xi32>
      %gather3A_1525 = tpu.vector_load_idx %arg7[%add3A_1524] : memref<3200xi32, #tpu.memory_space<vmem>>[vector<16xi32>], vector<16xi32>,
      %mul3A_1526 = arith.constant 16 : i32
      %mul3A_1527 = vector.broadcast %mul3A_1526 : i32 to vector<16xi32>
      %mul3A_1528 = arith.muli %and3A_1508, %mul3A_1527 : vector<16xi32>
      %add3A_1529 = arith.constant 800 : i32
      %add3A_1530 = vector.broadcast %add3A_1529 : i32 to vector<16xi32>
      %add3A_1531 = arith.addi %add3A_1530, %mul3A_1528 : vector<16xi32>
      %add3A_1532 = arith.addi %add3A_1531, %iota3A : vector<16xi32>
      %gather3A_1533 = tpu.vector_load_idx %arg7[%add3A_1532] : memref<3200xi32, #tpu.memory_space<vmem>>[vector<16xi32>], vector<16xi32>,
      %shift_left3A_1534 = arith.constant 13 : i32
      %shift_left3A_1535 = vector.broadcast %shift_left3A_1534 : i32 to vector<16xi32>
      %shift_left3A_1536 = arith.shli %shift_right_arithmetic3A_1517, %shift_left3A_1535 : vector<16xi32>
      %shift_left3A_1537 = arith.constant 7 : i32
      %shift_left3A_1538 = vector.broadcast %shift_left3A_1537 : i32 to vector<16xi32>
      %shift_left3A_1539 = arith.shli %gather3A_1525, %shift_left3A_1538 : vector<16xi32>
      %add3A_1540 = arith.addi %shift_left3A_1536, %shift_left3A_1539 : vector<16xi32>
      %add3A_1541 = arith.addi %add3A_1540, %gather3A_1533 : vector<16xi32>
      %gather3A_1542 = tpu.vector_load_idx %arg5[%add3A_1541] : memref<24576xf32, #tpu.memory_space<vmem>>[vector<16xi32>], vector<16xf32>,
      %mul3A_1543 = arith.constant 16 : i32
      %mul3A_1544 = vector.broadcast %mul3A_1543 : i32 to vector<16xi32>
      %mul3A_1545 = arith.muli %and3A_1514, %mul3A_1544 : vector<16xi32>
      %add3A_1546 = arith.constant 800 : i32
      %add3A_1547 = vector.broadcast %add3A_1546 : i32 to vector<16xi32>
      %add3A_1548 = arith.addi %add3A_1547, %mul3A_1545 : vector<16xi32>
      %add3A_1549 = arith.addi %add3A_1548, %iota3A : vector<16xi32>
      %eq3A_1550 = arith.constant 2 : i32
      %eq3A_1551 = vector.broadcast %eq3A_1550 : i32 to vector<16xi32>
      %eq3A_1552 = arith.cmpi eq, %shift_right_arithmetic3A_1517, %eq3A_1551 : vector<16xi32>
      tpu.vector_store_idx %arg7[%add3A_1549], %gather3A_1533 masked %eq3A_1552 : memref<3200xi32, #tpu.memory_space<vmem>>[vector<16xi32>], vector<16xi32>, vector<16xi1>
      %add3A_1553 = arith.addf %scan3A_1450, %gather3A_1542 : vector<16xf32>
      %add3A_1554 = arith.constant 4704 : i32
      %add3A_1555 = arith.addi %add3A_1554, %scan3A_1448 : i32
      %add3A_1556 = vector.broadcast %add3A_1555 : i32 to vector<16xi32>
      %add3A_1557 = arith.addi %add3A_1556, %mul3A_7 : vector<16xi32>
      %gather3A_1558 = tpu.vector_load_idx %arg6[%add3A_1557] : memref<6272xi32, #tpu.memory_space<vmem>>[vector<16xi32>], vector<16xi32>,
      %and3A_1559 = arith.constant 63 : i32
      %and3A_1560 = vector.broadcast %and3A_1559 : i32 to vector<16xi32>
      %and3A_1561 = arith.andi %gather3A_1558, %and3A_1560 : vector<16xi32>
      %shift_right_arithmetic3A_1562 = arith.constant 6 : i32
      %shift_right_arithmetic3A_1563 = vector.broadcast %shift_right_arithmetic3A_1562 : i32 to vector<16xi32>
      %shift_right_arithmetic3A_1564 = arith.shrsi %gather3A_1558, %shift_right_arithmetic3A_1563 : vector<16xi32>
      %and3A_1565 = arith.constant 63 : i32
      %and3A_1566 = vector.broadcast %and3A_1565 : i32 to vector<16xi32>
      %and3A_1567 = arith.andi %shift_right_arithmetic3A_1564, %and3A_1566 : vector<16xi32>
      %shift_right_arithmetic3A_1568 = arith.constant 12 : i32
      %shift_right_arithmetic3A_1569 = vector.broadcast %shift_right_arithmetic3A_1568 : i32 to vector<16xi32>
      %shift_right_arithmetic3A_1570 = arith.shrsi %gather3A_1558, %shift_right_arithmetic3A_1569 : vector<16xi32>
      %mul3A_1571 = arith.constant 16 : i32
      %mul3A_1572 = vector.broadcast %mul3A_1571 : i32 to vector<16xi32>
      %mul3A_1573 = arith.muli %and3A_1567, %mul3A_1572 : vector<16xi32>
      %add3A_1574 = arith.constant 1600 : i32
      %add3A_1575 = vector.broadcast %add3A_1574 : i32 to vector<16xi32>
      %add3A_1576 = arith.addi %add3A_1575, %mul3A_1573 : vector<16xi32>
      %add3A_1577 = arith.addi %add3A_1576, %iota3A : vector<16xi32>
      %gather3A_1578 = tpu.vector_load_idx %arg7[%add3A_1577] : memref<3200xi32, #tpu.memory_space<vmem>>[vector<16xi32>], vector<16xi32>,
      %mul3A_1579 = arith.constant 16 : i32
      %mul3A_1580 = vector.broadcast %mul3A_1579 : i32 to vector<16xi32>
      %mul3A_1581 = arith.muli %and3A_1561, %mul3A_1580 : vector<16xi32>
      %add3A_1582 = arith.constant 1600 : i32
      %add3A_1583 = vector.broadcast %add3A_1582 : i32 to vector<16xi32>
      %add3A_1584 = arith.addi %add3A_1583, %mul3A_1581 : vector<16xi32>
      %add3A_1585 = arith.addi %add3A_1584, %iota3A : vector<16xi32>
      %gather3A_1586 = tpu.vector_load_idx %arg7[%add3A_1585] : memref<3200xi32, #tpu.memory_space<vmem>>[vector<16xi32>], vector<16xi32>,
      %shift_left3A_1587 = arith.constant 13 : i32
      %shift_left3A_1588 = vector.broadcast %shift_left3A_1587 : i32 to vector<16xi32>
      %shift_left3A_1589 = arith.shli %shift_right_arithmetic3A_1570, %shift_left3A_1588 : vector<16xi32>
      %shift_left3A_1590 = arith.constant 7 : i32
      %shift_left3A_1591 = vector.broadcast %shift_left3A_1590 : i32 to vector<16xi32>
      %shift_left3A_1592 = arith.shli %gather3A_1578, %shift_left3A_1591 : vector<16xi32>
      %add3A_1593 = arith.addi %shift_left3A_1589, %shift_left3A_1592 : vector<16xi32>
      %add3A_1594 = arith.addi %add3A_1593, %gather3A_1586 : vector<16xi32>
      %gather3A_1595 = tpu.vector_load_idx %arg5[%add3A_1594] : memref<24576xf32, #tpu.memory_space<vmem>>[vector<16xi32>], vector<16xf32>,
      %mul3A_1596 = arith.constant 16 : i32
      %mul3A_1597 = vector.broadcast %mul3A_1596 : i32 to vector<16xi32>
      %mul3A_1598 = arith.muli %and3A_1567, %mul3A_1597 : vector<16xi32>
      %add3A_1599 = arith.constant 1600 : i32
      %add3A_1600 = vector.broadcast %add3A_1599 : i32 to vector<16xi32>
      %add3A_1601 = arith.addi %add3A_1600, %mul3A_1598 : vector<16xi32>
      %add3A_1602 = arith.addi %add3A_1601, %iota3A : vector<16xi32>
      %eq3A_1603 = arith.constant 2 : i32
      %eq3A_1604 = vector.broadcast %eq3A_1603 : i32 to vector<16xi32>
      %eq3A_1605 = arith.cmpi eq, %shift_right_arithmetic3A_1570, %eq3A_1604 : vector<16xi32>
      tpu.vector_store_idx %arg7[%add3A_1602], %gather3A_1586 masked %eq3A_1605 : memref<3200xi32, #tpu.memory_space<vmem>>[vector<16xi32>], vector<16xi32>, vector<16xi1>
      %add3A_1606 = arith.addf %scan3A_1451, %gather3A_1595 : vector<16xf32>
      %add3A_1607 = arith.constant 5488 : i32
      %add3A_1608 = arith.addi %add3A_1607, %scan3A_1448 : i32
      %add3A_1609 = vector.broadcast %add3A_1608 : i32 to vector<16xi32>
      %add3A_1610 = arith.addi %add3A_1609, %mul3A_7 : vector<16xi32>
      %gather3A_1611 = tpu.vector_load_idx %arg6[%add3A_1610] : memref<6272xi32, #tpu.memory_space<vmem>>[vector<16xi32>], vector<16xi32>,
      %and3A_1612 = arith.constant 63 : i32
      %and3A_1613 = vector.broadcast %and3A_1612 : i32 to vector<16xi32>
      %and3A_1614 = arith.andi %gather3A_1611, %and3A_1613 : vector<16xi32>
      %shift_right_arithmetic3A_1615 = arith.constant 6 : i32
      %shift_right_arithmetic3A_1616 = vector.broadcast %shift_right_arithmetic3A_1615 : i32 to vector<16xi32>
      %shift_right_arithmetic3A_1617 = arith.shrsi %gather3A_1611, %shift_right_arithmetic3A_1616 : vector<16xi32>
      %and3A_1618 = arith.constant 63 : i32
      %and3A_1619 = vector.broadcast %and3A_1618 : i32 to vector<16xi32>
      %and3A_1620 = arith.andi %shift_right_arithmetic3A_1617, %and3A_1619 : vector<16xi32>
      %shift_right_arithmetic3A_1621 = arith.constant 12 : i32
      %shift_right_arithmetic3A_1622 = vector.broadcast %shift_right_arithmetic3A_1621 : i32 to vector<16xi32>
      %shift_right_arithmetic3A_1623 = arith.shrsi %gather3A_1611, %shift_right_arithmetic3A_1622 : vector<16xi32>
      %mul3A_1624 = arith.constant 16 : i32
      %mul3A_1625 = vector.broadcast %mul3A_1624 : i32 to vector<16xi32>
      %mul3A_1626 = arith.muli %and3A_1620, %mul3A_1625 : vector<16xi32>
      %add3A_1627 = arith.constant 2400 : i32
      %add3A_1628 = vector.broadcast %add3A_1627 : i32 to vector<16xi32>
      %add3A_1629 = arith.addi %add3A_1628, %mul3A_1626 : vector<16xi32>
      %add3A_1630 = arith.addi %add3A_1629, %iota3A : vector<16xi32>
      %gather3A_1631 = tpu.vector_load_idx %arg7[%add3A_1630] : memref<3200xi32, #tpu.memory_space<vmem>>[vector<16xi32>], vector<16xi32>,
      %mul3A_1632 = arith.constant 16 : i32
      %mul3A_1633 = vector.broadcast %mul3A_1632 : i32 to vector<16xi32>
      %mul3A_1634 = arith.muli %and3A_1614, %mul3A_1633 : vector<16xi32>
      %add3A_1635 = arith.constant 2400 : i32
      %add3A_1636 = vector.broadcast %add3A_1635 : i32 to vector<16xi32>
      %add3A_1637 = arith.addi %add3A_1636, %mul3A_1634 : vector<16xi32>
      %add3A_1638 = arith.addi %add3A_1637, %iota3A : vector<16xi32>
      %gather3A_1639 = tpu.vector_load_idx %arg7[%add3A_1638] : memref<3200xi32, #tpu.memory_space<vmem>>[vector<16xi32>], vector<16xi32>,
      %shift_left3A_1640 = arith.constant 13 : i32
      %shift_left3A_1641 = vector.broadcast %shift_left3A_1640 : i32 to vector<16xi32>
      %shift_left3A_1642 = arith.shli %shift_right_arithmetic3A_1623, %shift_left3A_1641 : vector<16xi32>
      %shift_left3A_1643 = arith.constant 7 : i32
      %shift_left3A_1644 = vector.broadcast %shift_left3A_1643 : i32 to vector<16xi32>
      %shift_left3A_1645 = arith.shli %gather3A_1631, %shift_left3A_1644 : vector<16xi32>
      %add3A_1646 = arith.addi %shift_left3A_1642, %shift_left3A_1645 : vector<16xi32>
      %add3A_1647 = arith.addi %add3A_1646, %gather3A_1639 : vector<16xi32>
      %gather3A_1648 = tpu.vector_load_idx %arg5[%add3A_1647] : memref<24576xf32, #tpu.memory_space<vmem>>[vector<16xi32>], vector<16xf32>,
      %mul3A_1649 = arith.constant 16 : i32
      %mul3A_1650 = vector.broadcast %mul3A_1649 : i32 to vector<16xi32>
      %mul3A_1651 = arith.muli %and3A_1620, %mul3A_1650 : vector<16xi32>
      %add3A_1652 = arith.constant 2400 : i32
      %add3A_1653 = vector.broadcast %add3A_1652 : i32 to vector<16xi32>
      %add3A_1654 = arith.addi %add3A_1653, %mul3A_1651 : vector<16xi32>
      %add3A_1655 = arith.addi %add3A_1654, %iota3A : vector<16xi32>
      %eq3A_1656 = arith.constant 2 : i32
      %eq3A_1657 = vector.broadcast %eq3A_1656 : i32 to vector<16xi32>
      %eq3A_1658 = arith.cmpi eq, %shift_right_arithmetic3A_1623, %eq3A_1657 : vector<16xi32>
      tpu.vector_store_idx %arg7[%add3A_1655], %gather3A_1639 masked %eq3A_1658 : memref<3200xi32, #tpu.memory_space<vmem>>[vector<16xi32>], vector<16xi32>, vector<16xi1>
      %add3A_1659 = arith.addf %scan3A_1452, %gather3A_1648 : vector<16xf32>
      scf.yield %add3A_1500, %add3A_1553, %add3A_1606, %add3A_1659 : vector<16xf32>, vector<16xf32>, vector<16xf32>, vector<16xf32>
    }
    %scan3A_1433 = arith.constant 49 : i32
    %add3A_1434 = arith.constant 64 : i32
    %add3A_1435 = vector.broadcast %add3A_1434 : i32 to vector<16xi32>
    %add3A_1436 = arith.addi %add3A_1435, %iota3A : vector<16xi32>
    tpu.vector_store_idx %arg8[%add3A_1436], %scan3A_1432#0 : memref<128xf32, #tpu.memory_space<vmem>>[vector<16xi32>], vector<16xf32>,
    %add3A_1437 = arith.constant 80 : i32
    %add3A_1438 = vector.broadcast %add3A_1437 : i32 to vector<16xi32>
    %add3A_1439 = arith.addi %add3A_1438, %iota3A : vector<16xi32>
    tpu.vector_store_idx %arg8[%add3A_1439], %scan3A_1432#1 : memref<128xf32, #tpu.memory_space<vmem>>[vector<16xi32>], vector<16xf32>,
    %add3A_1440 = arith.constant 96 : i32
    %add3A_1441 = vector.broadcast %add3A_1440 : i32 to vector<16xi32>
    %add3A_1442 = arith.addi %add3A_1441, %iota3A : vector<16xi32>
    tpu.vector_store_idx %arg8[%add3A_1442], %scan3A_1432#2 : memref<128xf32, #tpu.memory_space<vmem>>[vector<16xi32>], vector<16xf32>,
    %add3A_1443 = arith.constant 112 : i32
    %add3A_1444 = vector.broadcast %add3A_1443 : i32 to vector<16xi32>
    %add3A_1445 = arith.addi %add3A_1444, %iota3A : vector<16xi32>
    tpu.vector_store_idx %arg8[%add3A_1445], %scan3A_1432#3 : memref<128xf32, #tpu.memory_space<vmem>>[vector<16xi32>], vector<16xf32>,
    %mul3A_1446 = arith.constant 128 : i32
    %mul3A_1447 = arith.muli %add3A, %mul3A_1446 : i32
    "tpu.region"() ({
      %run_scoped3A = tpu.sem_alloc : memref<!tpu.dma_semaphore, #tpu.memory_space<semaphore_mem>>
      %dma_start3A = tpu.memref_slice %arg4[%mul3A_1447] : memref<4096xf32, #tpu.memory_space<hbm>> -> memref<128xf32, #tpu.memory_space<hbm>>
      %dma_start3A_1448 = tpu.memref_slice %arg4[%mul3A_1447] : memref<4096xf32, #tpu.memory_space<hbm>> -> memref<128xf32, #tpu.memory_space<hbm>>
      tpu.enqueue_dma source(%arg8 : memref<128xf32, #tpu.memory_space<vmem>>) target(%dma_start3A_1448 : memref<128xf32, #tpu.memory_space<hbm>>) target_semaphore(%run_scoped3A : memref<!tpu.dma_semaphore, #tpu.memory_space<semaphore_mem>>)
      %dma_wait3A = tpu.memref_slice %arg4[%mul3A_1447] : memref<4096xf32, #tpu.memory_space<hbm>> -> memref<128xf32, #tpu.memory_space<hbm>>
      %dma_wait3A_1449 = tpu.memref_slice %arg4[%mul3A_1447] : memref<4096xf32, #tpu.memory_space<hbm>> -> memref<128xf32, #tpu.memory_space<hbm>>
      tpu.wait_dma2 semaphore(%run_scoped3A : memref<!tpu.dma_semaphore, #tpu.memory_space<semaphore_mem>>) src(%arg8 : memref<128xf32, #tpu.memory_space<vmem>>) dst(%dma_wait3A_1449 : memref<128xf32, #tpu.memory_space<hbm>>)
      tpu.yield
    }) : () -> ()
    return
  }
}

module attributes {stable_mosaic.version = 14 : i64} {
  func.func @_table_body(%arg0: memref<50x64xf32, #tpu.memory_space<vmem>>, %arg1: memref<50x1xf32, #tpu.memory_space<vmem>>, %arg2: memref<50x64xf32, #tpu.memory_space<vmem>>, %arg3: memref<3x64x64xf32, #tpu.memory_space<vmem>>, %arg4: memref<3x64x128xf32, #tpu.memory_space<vmem>>, %arg5: memref<128x64xf32, #tpu.memory_space<vmem>>) attributes {dimension_semantics = [], scalar_prefetch = 0 : i64, scratch_operands = 1 : i64, tpu.core_type = #tpu.core_type<tc>} {
    %broadcast_in_dim3A = arith.constant 0.000000e+00 : f32
    %broadcast_in_dim3A_0 = vector.broadcast %broadcast_in_dim3A : f32 to vector<128x64xf32>
    %swap3A = arith.constant 0 : index
    %swap3A_1 = arith.constant 0 : index
    %swap3A_2 = vector.load %arg5[%swap3A, %swap3A_1] : memref<128x64xf32, #tpu.memory_space<vmem>>, vector<128x64xf32>
    tpu.vector_store %arg5[%swap3A, %swap3A_1], %broadcast_in_dim3A_0 {strides = array<i32>} : memref<128x64xf32, #tpu.memory_space<vmem>>, vector<128x64xf32>,
    %get3A = arith.constant 0 : index
    %get3A_3 = arith.constant 0 : index
    %get3A_4 = vector.load %arg0[%get3A, %get3A_3] : memref<50x64xf32, #tpu.memory_space<vmem>>, vector<50x64xf32>
    %reduce_max3A = arith.constant dense<0xFF800000> : vector<50xf32>
    %reduce_max3A_5 = vector.multi_reduction <maximumf>, %get3A_4, %reduce_max3A [1] : vector<50x64xf32> to vector<50xf32>
    %max3A = arith.constant 0xFF800000 : f32
    %max3A_6 = vector.broadcast %max3A : f32 to vector<50xf32>
    %max3A_7 = arith.maximumf %max3A_6, %reduce_max3A_5 : vector<50xf32>
    %broadcast_in_dim3A_8 = vector.shape_cast %max3A_7 : vector<50xf32> to vector<50x1xf32>
    %sub3A = vector.broadcast %broadcast_in_dim3A_8 : vector<50x1xf32> to vector<50x64xf32>
    %sub3A_9 = arith.subf %get3A_4, %sub3A : vector<50x64xf32>
    %exp3A = math.exp %sub3A_9 : vector<50x64xf32>
    %reduce_sum3A = arith.constant dense<0.000000e+00> : vector<50xf32>
    %reduce_sum3A_10 = vector.multi_reduction <add>, %exp3A, %reduce_sum3A [1] : vector<50x64xf32> to vector<50xf32>
    %broadcast_in_dim3A_11 = vector.shape_cast %reduce_sum3A_10 : vector<50xf32> to vector<50x1xf32>
    %div3A = vector.broadcast %broadcast_in_dim3A_11 : vector<50x1xf32> to vector<50x64xf32>
    %div3A_12 = arith.divf %exp3A, %div3A : vector<50x64xf32>
    %get3A_13 = arith.constant 0 : index
    %get3A_14 = arith.constant 0 : index
    %get3A_15 = vector.load %arg1[%get3A_13, %get3A_14] : memref<50x1xf32, #tpu.memory_space<vmem>>, vector<50x1xf32>
    %mul3A = vector.broadcast %get3A_15 : vector<50x1xf32> to vector<50x64xf32>
    %mul3A_16 = arith.mulf %div3A_12, %mul3A : vector<50x64xf32>
    %get3A_17 = arith.constant 0 : index
    %get3A_18 = arith.constant 0 : index
    %get3A_19 = vector.load %arg2[%get3A_17, %get3A_18] : memref<50x64xf32, #tpu.memory_space<vmem>>, vector<50x64xf32>
    %add3A = arith.addf %mul3A_16, %get3A_19 : vector<50x64xf32>
    %swap3A_20 = arith.constant 0 : index
    %swap3A_21 = arith.constant 0 : index
    %swap3A_22 = vector.load %arg5[%swap3A_20, %swap3A_21] : memref<128x64xf32, #tpu.memory_space<vmem>>, vector<50x64xf32>
    tpu.vector_store %arg5[%swap3A_20, %swap3A_21], %add3A {strides = array<i32>} : memref<128x64xf32, #tpu.memory_space<vmem>>, vector<50x64xf32>,
    %get3A_23 = arith.constant 0 : index
    %get3A_24 = arith.constant 0 : index
    %get3A_25 = vector.load %arg5[%get3A_23, %get3A_24] : memref<128x64xf32, #tpu.memory_space<vmem>>, vector<64x64xf32>
    %get3A_26 = arith.constant 0 : index
    %get3A_27 = arith.constant 0 : index
    %get3A_28 = arith.constant 0 : index
    %get3A_29 = vector.load %arg3[%get3A_26, %get3A_27, %get3A_28] : memref<3x64x64xf32, #tpu.memory_space<vmem>>, vector<1x64x64xf32>
    %get3A_30 = vector.shape_cast %get3A_29 : vector<1x64x64xf32> to vector<64x64xf32>
    %dot_general3A = arith.constant dense<0.000000e+00> : vector<64x64xf32>
    %dot_general3A_31 = tpu.matmul %get3A_25, %get3A_30, %dot_general3A {dimension_numbers = #tpu.dot_dimension_numbers<[1], [0], [0], [1], [0, 0, 1, 1], [], []>, transpose_lhs_hint = false} : vector<64x64xf32>, vector<64x64xf32>, vector<64x64xf32> -> vector<64x64xf32>
    %get3A_32 = arith.constant 0 : index
    %get3A_33 = arith.constant 0 : index
    %get3A_34 = vector.load %arg5[%get3A_32, %get3A_33] : memref<128x64xf32, #tpu.memory_space<vmem>>, vector<128x64xf32>
    %dot_general3A_35 = arith.constant dense<0.000000e+00> : vector<64x128xf32>
    %dot_general3A_36 = tpu.matmul %dot_general3A_31, %get3A_34, %dot_general3A_35 {dimension_numbers = #tpu.dot_dimension_numbers<[1], [1], [0], [0], [0, 0, 1, 0], [], []>, transpose_lhs_hint = false} : vector<64x64xf32>, vector<128x64xf32>, vector<64x128xf32> -> vector<64x128xf32>
    %swap3A_37 = arith.constant 0 : index
    %swap3A_38 = arith.constant 0 : index
    %swap3A_39 = arith.constant 0 : index
    %swap3A_40 = vector.load %arg4[%swap3A_37, %swap3A_38, %swap3A_39] : memref<3x64x128xf32, #tpu.memory_space<vmem>>, vector<1x64x128xf32>
    %swap3A_41 = vector.shape_cast %swap3A_40 : vector<1x64x128xf32> to vector<64x128xf32>
    %swap3A_42 = vector.shape_cast %dot_general3A_36 : vector<64x128xf32> to vector<1x64x128xf32>
    tpu.vector_store %arg4[%swap3A_37, %swap3A_38, %swap3A_39], %swap3A_42 {strides = array<i32>} : memref<3x64x128xf32, #tpu.memory_space<vmem>>, vector<1x64x128xf32>,
    %get3A_43 = arith.constant 1 : index
    %get3A_44 = arith.constant 0 : index
    %get3A_45 = arith.constant 0 : index
    %get3A_46 = vector.load %arg3[%get3A_43, %get3A_44, %get3A_45] : memref<3x64x64xf32, #tpu.memory_space<vmem>>, vector<1x64x64xf32>
    %get3A_47 = vector.shape_cast %get3A_46 : vector<1x64x64xf32> to vector<64x64xf32>
    %dot_general3A_48 = arith.constant dense<0.000000e+00> : vector<64x64xf32>
    %dot_general3A_49 = tpu.matmul %get3A_25, %get3A_47, %dot_general3A_48 {dimension_numbers = #tpu.dot_dimension_numbers<[1], [0], [0], [1], [0, 0, 1, 1], [], []>, transpose_lhs_hint = false} : vector<64x64xf32>, vector<64x64xf32>, vector<64x64xf32> -> vector<64x64xf32>
    %get3A_50 = arith.constant 0 : index
    %get3A_51 = arith.constant 0 : index
    %get3A_52 = vector.load %arg5[%get3A_50, %get3A_51] : memref<128x64xf32, #tpu.memory_space<vmem>>, vector<128x64xf32>
    %dot_general3A_53 = arith.constant dense<0.000000e+00> : vector<64x128xf32>
    %dot_general3A_54 = tpu.matmul %dot_general3A_49, %get3A_52, %dot_general3A_53 {dimension_numbers = #tpu.dot_dimension_numbers<[1], [1], [0], [0], [0, 0, 1, 0], [], []>, transpose_lhs_hint = false} : vector<64x64xf32>, vector<128x64xf32>, vector<64x128xf32> -> vector<64x128xf32>
    %swap3A_55 = arith.constant 1 : index
    %swap3A_56 = arith.constant 0 : index
    %swap3A_57 = arith.constant 0 : index
    %swap3A_58 = vector.load %arg4[%swap3A_55, %swap3A_56, %swap3A_57] : memref<3x64x128xf32, #tpu.memory_space<vmem>>, vector<1x64x128xf32>
    %swap3A_59 = vector.shape_cast %swap3A_58 : vector<1x64x128xf32> to vector<64x128xf32>
    %swap3A_60 = vector.shape_cast %dot_general3A_54 : vector<64x128xf32> to vector<1x64x128xf32>
    tpu.vector_store %arg4[%swap3A_55, %swap3A_56, %swap3A_57], %swap3A_60 {strides = array<i32>} : memref<3x64x128xf32, #tpu.memory_space<vmem>>, vector<1x64x128xf32>,
    %get3A_61 = arith.constant 2 : index
    %get3A_62 = arith.constant 0 : index
    %get3A_63 = arith.constant 0 : index
    %get3A_64 = vector.load %arg3[%get3A_61, %get3A_62, %get3A_63] : memref<3x64x64xf32, #tpu.memory_space<vmem>>, vector<1x64x64xf32>
    %get3A_65 = vector.shape_cast %get3A_64 : vector<1x64x64xf32> to vector<64x64xf32>
    %dot_general3A_66 = arith.constant dense<0.000000e+00> : vector<64x64xf32>
    %dot_general3A_67 = tpu.matmul %get3A_25, %get3A_65, %dot_general3A_66 {dimension_numbers = #tpu.dot_dimension_numbers<[1], [0], [0], [1], [0, 0, 1, 1], [], []>, transpose_lhs_hint = false} : vector<64x64xf32>, vector<64x64xf32>, vector<64x64xf32> -> vector<64x64xf32>
    %get3A_68 = arith.constant 0 : index
    %get3A_69 = arith.constant 0 : index
    %get3A_70 = vector.load %arg5[%get3A_68, %get3A_69] : memref<128x64xf32, #tpu.memory_space<vmem>>, vector<128x64xf32>
    %dot_general3A_71 = arith.constant dense<0.000000e+00> : vector<64x128xf32>
    %dot_general3A_72 = tpu.matmul %dot_general3A_67, %get3A_70, %dot_general3A_71 {dimension_numbers = #tpu.dot_dimension_numbers<[1], [1], [0], [0], [0, 0, 1, 0], [], []>, transpose_lhs_hint = false} : vector<64x64xf32>, vector<128x64xf32>, vector<64x128xf32> -> vector<64x128xf32>
    %swap3A_73 = arith.constant 2 : index
    %swap3A_74 = arith.constant 0 : index
    %swap3A_75 = arith.constant 0 : index
    %swap3A_76 = vector.load %arg4[%swap3A_73, %swap3A_74, %swap3A_75] : memref<3x64x128xf32, #tpu.memory_space<vmem>>, vector<1x64x128xf32>
    %swap3A_77 = vector.shape_cast %swap3A_76 : vector<1x64x128xf32> to vector<64x128xf32>
    %swap3A_78 = vector.shape_cast %dot_general3A_72 : vector<64x128xf32> to vector<1x64x128xf32>
    tpu.vector_store %arg4[%swap3A_73, %swap3A_74, %swap3A_75], %swap3A_78 {strides = array<i32>} : memref<3x64x128xf32, #tpu.memory_space<vmem>>, vector<1x64x128xf32>,
    return
  }
}

</mosaic_0001>

<sc_bundles>
// kernel: kernel.4.cloned.1.call-start
scs
__scs_entry_jumppad:
0x0: {  	(pc) =	sbr.rel $0x88, $3  }
0x1: {  	(tag) =	ssettag $0x0;
	lr =	simm.s32 $0x1  }
0x2: {  	[smem:$0x3F99] =	sst lr;
	_ =	strace $0xD0000000  }
0x3: {  	_ = 	snop  }
0x4: {  	_ = 	snop  }
0x5: {  	_ = 	snop  }
0x6: {  	_ = 	snop  }
0x7: {  	_ = 	snop  }
__scs_overlays_trampoline_lowered:
0x8: {  	[smem:$0x3FA8] =	sst s0  }
0x9: {  	[smem:$0x3FA9] =	sst s1  }
0xa: {  	[smem:$0x3FAA] =	sst s2  }
0xb: {  	[smem:$0x3FAB] =	sst s3  }
0xc: {  	[smem:$0x3FAC] =	sst s4  }
0xd: {  	[smem:$0x3FAD] =	sst s5  }
0xe: {  	[smem:$0x3FAE] =	sst s6  }
0xf: {  	[smem:$0x3FAF] =	sst s7  }
0x10: {  	[smem:$0x3FB0] =	sst s8  }
0x11: {  	[smem:$0x3FB1] =	sst s9;
	s0 =	simm.s32 @!p0 $0x0  }
0x12: {  	s1 =	sld [smem:$0x3F97];
	s0 =	simm.s32 @p0 $0x1  }
0x13: {  	[smem:$0x3FB2] =	sst s0;
	s0 =	simm.s32 @!p1 $0x0  }
0x14: {  	s2 =	sld [smem:$0x3F96];
	s0 =	simm.s32 @p1 $0x1  }
0x15: {  	[smem:$0x3FB3] =	sst s0;
	s0 =	simm.s32 @!p2 $0x0  }
0x16: {  	s3 =	sld [smem:$0x3FDB];
	s0 =	simm.s32 @p2 $0x1  }
0x17: {  	s4 =	simm.s32 $0x1BF5;
	[smem:$0x3FB5] =	sst s0  }
0x18: {  	s0 =	sld [smem:$0x3F98];
	_ =	swait.ge [sflag:s4], $0x0  }
0x19: {  	s7 =	sld [smem:$0x3F99]  }
0x1a: {  	s8 =	sadd.s32 $0xFFFFE003, lr  }
0x1b: {  	s9 =	sadd.s32 $0xFFFFFEF7, lr;
	s5 =	simm.s32 $0xFFFFFFFF;
	p2 =	slt.u32 s8, $0xFFFFF086  }
0x1c: {  	p1 =	slt.u32 s9, $0xF7A;
	s5 =	simm.s32 @!p2 $0x0  }
0x1d: {  	s5 =	simm.s32 @p1 $0x1;
	p0 =	seq.s32 s7, s2  }
0x1e: {  	s7 =	smul.u32 @!p0 $0xF7A, s2;
	p2 =	seq.s32 @!p0 s5, $0x0  }
0x1f: {  	s9 =	smul.u32 $0xF7A, s1;
	s8 =	simm.s32 @!p0 $0x1BF5;
	p2 =	por !p2, p0  }
0x20: {  	[sflag:s8] =	ssyncset.s32 @!p0 $0xFFFFF086;
	s6 =	sadd.s32 @!p0 s3, s7;
	s7 =	simm.s32 @!p0 $0x108  }
0x21: {  	s3 =	sadd.s32 s3, s9;
	s6 =	sadd.s32 @!p0 $0x88, s6;
	s7 =	simm.s32 @p2 $0x1082  }
0x22: {  	[simem:s7], [sflag:s8] =	dma.local @!p0 [hbm:s6], $0xF7A  }
0x23: {  	s9 =	sor.u32 $0xD0000000, s2;
	s6 =	simm.s32 $0x108;
	_ =	swait.ge @!p0 [sflag:s8], $0x0  }
0x24: {  	s3 =	sadd.s32 $0x88, s3;
	s6 =	simm.s32 @!p1 $0x1082;
	[sflag:s4] =	ssyncset.s32 $0xFFFFF086  }
0x25: {  	[simem:s6], [sflag:s4] =	dma.local [hbm:s3], $0xF7A  }
0x26: {  	[smem:$0x3F99] =	sst s1;
	(tag) =	ssettag s2;
	_ =	strace s9  }
0x27: {  	s1 =	sld [smem:$0x3FA9]  }
0x28: {  	s2 =	sld [smem:$0x3FAA]  }
0x29: {  	s4 =	sld [smem:$0x3FAC]  }
0x2a: {  	p0 =	seq.s32 s5, $0x0;
	s5 =	sld [smem:$0x3FAD]  }
0x2b: {  	s6 =	sld [smem:$0x3FAE]  }
0x2c: {  	s7 =	sld [smem:$0x3FAF]  }
0x2d: {  	s3 =	simm.s32 $0x108;
	s8 =	sld [smem:$0x3FB0]  }
0x2e: {  	s3 =	simm.s32 @!p0 $0x1082;
	s9 =	sld [smem:$0x3FB1]  }
0x2f: {  	lr =	sadd.s32 s0, s3;
	s0 =	sld [smem:$0x3FA8]  }
0x30: {  	s3 =	sld [smem:$0x3FAB]  }
0x31: {  	[smem:$0x3FB4] =	sst s10  }
0x32: {  	s10 =	sld [smem:$0x3FB2];
	_ =	sdelay $0x3  }
0x33: {  	p0 =	seq.s32 s10, $0x1;
	s10 =	sld [smem:$0x3FB4];
	_ =	sdelay $0x3  }
0x34: {  	[smem:$0x3FB4] =	sst s10  }
0x35: {  	s10 =	sld [smem:$0x3FB3];
	_ =	sdelay $0x3  }
0x36: {  	p1 =	seq.s32 s10, $0x1;
	s10 =	sld [smem:$0x3FB4];
	_ =	sdelay $0x3  }
0x37: {  	[smem:$0x3FB4] =	sst s10  }
0x38: {  	s10 =	sld [smem:$0x3FB5]  }
0x39: {  	_ = 	snop;
	(pc) =	sbr.ind lr, $3  }
0x3a: {  	_ = 	snop  }
0x3b: {  	_ = 	snop  }
0x3c: {  	p2 =	seq.s32 s10, $0x1;
	s10 =	sld [smem:$0x3FB4]  }
0x3d: {  	_ =	shalt  }
0x3e: {  	_ =	shalt  }
0x3f: {  	_ =	shalt  }
0x40: {  	_ =	shalt  }
0x41: {  	_ =	shalt  }
0x42: {  	_ =	shalt  }
0x43: {  	_ =	shalt  }
0x44: {  	_ =	shalt  }
0x45: {  	_ =	shalt  }
0x46: {  	_ =	shalt  }
0x47: {  	_ =	shalt  }
0x48: {  	_ =	shalt  }
0x49: {  	_ =	shalt  }
0x4a: {  	_ =	shalt  }
0x4b: {  	_ =	shalt  }
0x4c: {  	_ =	shalt  }
0x4d: {  	_ =	shalt  }
0x4e: {  	_ =	shalt  }
0x4f: {  	_ =	shalt  }
0x50: {  	_ =	shalt  }
0x51: {  	_ =	shalt  }
0x52: {  	_ =	shalt  }
0x53: {  	_ =	shalt  }
0x54: {  	_ =	shalt  }
0x55: {  	_ =	shalt  }
0x56: {  	_ =	shalt  }
0x57: {  	_ =	shalt  }
0x58: {  	_ =	shalt  }
0x59: {  	_ =	shalt  }
0x5a: {  	_ =	shalt  }
0x5b: {  	_ =	shalt  }
0x5c: {  	_ =	shalt  }
0x5d: {  	_ =	shalt  }
0x5e: {  	_ =	shalt  }
0x5f: {  	_ =	shalt  }
0x60: {  	_ =	shalt  }
0x61: {  	_ =	shalt  }
0x62: {  	_ =	shalt  }
0x63: {  	_ =	shalt  }
0x64: {  	_ =	shalt  }
0x65: {  	_ =	shalt  }
0x66: {  	_ =	shalt  }
0x67: {  	_ =	shalt  }
0x68: {  	_ =	shalt  }
0x69: {  	_ =	shalt  }
0x6a: {  	_ =	shalt  }
0x6b: {  	_ =	shalt  }
0x6c: {  	_ =	shalt  }
0x6d: {  	_ =	shalt  }
0x6e: {  	_ =	shalt  }
0x6f: {  	_ =	shalt  }
0x70: {  	_ =	shalt  }
0x71: {  	_ =	shalt  }
0x72: {  	_ =	shalt  }
0x73: {  	_ =	shalt  }
0x74: {  	_ =	shalt  }
0x75: {  	_ =	shalt  }
0x76: {  	_ =	shalt  }
0x77: {  	_ =	shalt  }
0x78: {  	_ =	shalt  }
0x79: {  	_ =	shalt  }
0x7a: {  	_ =	shalt  }
0x7b: {  	_ =	shalt  }
0x7c: {  	_ =	shalt  }
0x7d: {  	_ =	shalt  }
0x7e: {  	_ =	shalt  }
0x7f: {  	_ =	shalt  }
0x80: {  	_ =	shalt  }
0x81: {  	_ =	shalt  }
0x82: {  	_ =	shalt  }
0x83: {  	_ =	shalt  }
0x84: {  	_ =	shalt  }
0x85: {  	_ =	shalt  }
0x86: {  	_ =	shalt  }
0x87: {  	_ =	shalt  }
.Lfunc_end0:
.L_simem_size_0:
called_computation_lowered:
.L_overlay_start_0:
0x88: {  	s2 =	sld [smem:$0x3FD9]  }
0x89: {  	s3 =	sld [smem:$0x3FFE];
	_ =	sdelay $0x1  }
0x8a: {  	s1 =	srdreg.scid  }
0x8b: {  	s0 =	sand.u32 $0x1, s1  }
0x8c: {  	s17 =	sshll.u32 s0, $0xA;
	s2 =	sadd.s32 s3, s2  }
0x8d: {  	s2 =	sadd.s32 s2, s17  }
0x8e: {  	[smem:$0x3FC0] =	sst s2  }
0x8f: {  	_ = 	snop  }
0x90: {  	s2 =	sld [smem:$0x3FD0];
	(tm) =	ssettm $0x1  }
0x91: {  	s18 =	sld [smem:$0x3FFB];
	_ =	sdelay $0x3  }
0x92: {  	_ =	strace s18  }
0x93: {  	s3 =	sld [smem:$0x3FFC];
	_ =	sdelay $0x3  }
0x94: {  	_ =	strace s3  }
0x95: {  	s3 =	sld [smem:$0x3FFD];
	_ =	sdelay $0x3  }
0x96: {  	_ =	strace s3  }
0x97: {  	_ =	strace $0x8FFFFFFF  }
0x98: {  	s19 =	sld [smem:$0x3FDB];
	_ =	sdelay $0x1  }
0x99: {  	s4 =	simm.s32 $_scs_section_size  }
0x9a: {  	s5 =	simm.s32 $_size__tile_overlayer_lowered;
	s6 =	simm.s32 $_tile_overlayer_lowered  }
0x9b: {  	s22 =	simm.s32 $0x1BFF;
	s21 =	sshll.u32 s6, $0x1;
	s3 =	sadd.s32 s4, s19  }
0x9c: {  	s7 =	simm.s32 $0x0;
	s20 =	sshll.u32 s5, $0x1;
	s5 =	sadd.s32 s21, s3  }
0x9d: {  	[timem:s7], [sflag:s22] =	dma.local [hbm:s5], s20  }
0x9e: {  	_ =	swait.ge [sflag:s22], s20  }
0x9f: {  	s4 =	ssub.s32 $0x0, s20;
	[sflag:s22] =	ssyncset.done $0x0  }
0xa0: {  	[sflag:s22] =	ssyncadd.s32 s4;
	_ =	sdelay $0x1  }
0xa1: {  	s23 =	simm.s32 $0x1B8B  }
0xa2: {  	_ =	swait.ge [sflag:s23], $0x1  }
0xa3: {  	[sflag:s23] =	ssyncset.done $0x0  }
0xa4: {  	s25 =	simm.s32 $0x1B8E;
	s24 =	sld [smem:$0x3FFE];
	[sflag:s23] =	ssyncadd.s32 $0xFFFFFFFF  }
0xa5: {  	s26 =	simm.s32 $execute0_lowered;
	[smem:$0x3FD2] =	sst s25  }
0xa6: {  	s5 =	sshll.u32 s26, $0x1;
	_ =	strace $0x80000046;
	[dreg:$0x1] =	wrdreg $0xFFFFFFFF  }
0xa7: {  	s28 =	simm.s32 $_size_execute0_lowered;
	s3 =	sadd.s32 s3, s5;
	[dreg:$0x0] =	wrdreg $0x0  }
0xa8: {  	s5 =	sshll.u32 s28, $0x1;
	[dreg:$0x2] =	wrdreg s3  }
0xa9: {  	[dreg:$0x3] =	wrdreg s5  }
0xaa: {  	[dreg:$0x4] =	wrdreg $0xC0  }
0xab: {  	_ =	task [dreg:s7], $0x5FFFF  }
0xac: {  	[dreg:$0x1] =	wrdreg $0xFFFFFFFF  }
0xad: {  	[dreg:$0x0] =	wrdreg $0x60  }
0xae: {  	[dreg:$0x2] =	wrdreg s24  }
0xaf: {  	[dreg:$0x3] =	wrdreg s2  }
0xb0: {  	[dreg:$0x4] =	wrdreg $0x9  }
0xb1: {  	_ =	task.clear_ibuf [dreg:s7], $0x5FFFF;
	_ =	strace $0x90000046  }
0xb2: {  	s29 =	simm.s32 $0x9;
	_ =	strace $0x80000048  }
0xb3: {  	_ =	swait.ge [sflag:s29], $0x1  }
0xb4: {  	[sflag:s29] =	ssyncadd.s32 $0xFFFFFFFF  }
0xb5: {  	_ =	strace $0x90000048  }
0xb6: {  	_ =	sfence  }
0xb7: {  	s30 =	sld [smem:$0x0];
	_ =	sdelay $0x2  }
0xb8: {  	s31 =	sshll.u32 s1, $0xD;
	s1 =	sshrl.u32 s1, $0x2  }
0xb9: {  	s3 =	sand.u32 $0x4000, s31;
	s1 =	sadd.s32 s1, s30  }
0xba: {  	s0 =	sor.u32 s3, s0;
	s1 =	sshll.u32 s1, $0x11  }
0xbb: {  	s0 =	sor.u32 s1, s0  }
0xbc: {  	s0 =	sadd.s32 $0x8F2B, s0  }
0xbd: {  	[sflag:s0] =	ssyncadd.remote.s32 $0x1  }
0xbe: {  	_ =	sfence.sel $0xFFFF  }
0xbf: {  	[dreg:$0x0] =	wrdreg $0xFFFFFFFF;
	(pc) =	sbr.abs _section_cstart, $3  }
0xc0: {  	[dreg:$0x1] =	wrdreg $0xFFFFFFFF  }
0xc1: {  	_ =	task.clear_ibuf [dreg:s7], $0x2FFFF;
	_ =	strace $0x9FFFFFFF  }
0xc2: {  	(tm) =	ssettm $0x7FFFFFFF  }
0xc3: {  	_ =	shalt  }
tec
execute0_lowered:
.L_overlay_start_1:
0x0: {  	(tag) =	ssettag $0x1  }
0x1: {  	v0 =	vlaneseq.u32  }
0x2: {  	v1 =	vor.u32 $0x350, v0  }
0x3: {  	[tilespmem:$0x1FD10] =	vst v1;
	v1 =	vor.u32 $0x360, v0  }
0x4: {  	[tilespmem:$0x1FD20] =	vst v1;
	v1 =	vor.u32 $0x370, v0  }
0x5: {  	[tilespmem:$0x1FD30] =	vst v1;
	v1 =	vor.u32 $0x380, v0  }
0x6: {  	[tilespmem:$0x1FD40] =	vst v1;
	v1 =	vor.u32 $0x390, v0  }
0x7: {  	[tilespmem:$0x1FD50] =	vst v1;
	v1 =	vor.u32 $0x3A0, v0  }
0x8: {  	[tilespmem:$0x1FD60] =	vst v1;
	v1 =	vor.u32 $0x3B0, v0  }
0x9: {  	[tilespmem:$0x1FD70] =	vst v1;
	v1 =	vor.u32 $0x3C0, v0  }
0xa: {  	s4 =	rddreg [dreg:$0x0];
	[tilespmem:$0x1FD80] =	vst v1;
	v1 =	vor.u32 $0x3D0, v0  }
0xb: {  	s5 =	rddreg [dreg:$0x1];
	s2 =	simm.s32 $0x0;
	[tilespmem:$0x1FD90] =	vst v1;
	v1 =	vor.u32 $0x3E0, v0  }
0xc: {  	s1 =	srdreg.scid;
	v23 =	vor.u32 $0x10, v0;
	[smem:$0x7FF] =	sst s2;
	[tilespmem:$0x1FDA0] =	vst v1  }
0xd: {  	v24 =	vor.u32 $0x330, v0;
	s6 =	sand.u32 $0x1, s1;
	s1 =	rddreg [dreg:$0x2];
	_ =	strace $0x80000047;
	[tilespmem:$0x1FDB0] =	vst v23  }
0xe: {  	v27 =	vor.u32 $0x650, v0;
	[tilespmem:$0x1FDC0] =	vst v24  }
0xf: {  	v28 =	vor.u32 $0x970, v0;
	[tilespmem:$0x1FDD0] =	vst v27  }
0x10: {  	v29 =	vor.u32 $0x20, v0;
	[tilespmem:$0x1FDE0] =	vst v28  }
0x11: {  	v33 =	vor.u32 $0x340, v0;
	[tilespmem:$0x1FDF0] =	vst v29  }
0x12: {  	v34 =	vor.u32 $0x660, v0;
	[tilespmem:$0x1FE00] =	vst v33  }
0x13: {  	v37 =	vor.u32 $0x980, v0;
	[tilespmem:$0x1FE10] =	vst v34  }
0x14: {  	v38 =	vor.u32 $0x30, v0;
	[tilespmem:$0x1FE20] =	vst v37  }
0x15: {  	v40 =	vor.u32 $0x670, v0;
	[tilespmem:$0x1FE30] =	vst v38  }
0x16: {  	v6 =	vor.u32 $0x990, v0;
	[tilespmem:$0x1FE40] =	vst v40  }
0x17: {  	v42 =	vor.u32 $0x40, v0;
	[tilespmem:$0x1FE50] =	vst v6  }
0x18: {  	v43 =	vor.u32 $0x680, v0;
	[tilespmem:$0x1FE60] =	vst v42  }
0x19: {  	v7 =	vor.u32 $0x9A0, v0;
	[tilespmem:$0x1FE70] =	vst v43  }
0x1a: {  	v44 =	vor.u32 $0x50, v0;
	[tilespmem:$0x1FE80] =	vst v7  }
0x1b: {  	v45 =	vor.u32 $0x690, v0;
	[tilespmem:$0x1FE90] =	vst v44  }
0x1c: {  	v8 =	vor.u32 $0x9B0, v0;
	[tilespmem:$0x1FEA0] =	vst v45  }
0x1d: {  	v47 =	vor.u32 $0x60, v0;
	[tilespmem:$0x1FEB0] =	vst v8  }
0x1e: {  	v48 =	vor.u32 $0x6A0, v0;
	[tilespmem:$0x1FEC0] =	vst v47  }
0x1f: {  	v9 =	vor.u32 $0x9C0, v0;
	[tilespmem:$0x1FED0] =	vst v48  }
0x20: {  	v49 =	vor.u32 $0x70, v0;
	[tilespmem:$0x1FEE0] =	vst v9  }
0x21: {  	v50 =	vor.u32 $0x6B0, v0;
	[tilespmem:$0x1FEF0] =	vst v49  }
0x22: {  	v10 =	vor.u32 $0x9D0, v0;
	[tilespmem:$0x1FF00] =	vst v50  }
0x23: {  	v52 =	vor.u32 $0x80, v0;
	[tilespmem:$0x1FF10] =	vst v10  }
0x24: {  	v53 =	vor.u32 $0x6C0, v0;
	[tilespmem:$0x1FF20] =	vst v52  }
0x25: {  	v11 =	vor.u32 $0x9E0, v0;
	[tilespmem:$0x1FF30] =	vst v53  }
0x26: {  	v54 =	vor.u32 $0x90, v0;
	[tilespmem:$0x1FF40] =	vst v11  }
0x27: {  	v55 =	vor.u32 $0x6D0, v0;
	[tilespmem:$0x1FF50] =	vst v54  }
0x28: {  	v12 =	vor.u32 $0x9F0, v0;
	[tilespmem:$0x1FF60] =	vst v55  }
0x29: {  	v57 =	vor.u32 $0xA0, v0;
	[tilespmem:$0x1FF70] =	vst v12  }
0x2a: {  	v58 =	vor.u32 $0x6E0, v0;
	[tilespmem:$0x1FF80] =	vst v57  }
0x2b: {  	s0 =	stileid.u32;
	v13 =	vor.u32 $0xA00, v0;
	[tilespmem:$0x1FF90] =	vst v58  }
0x2c: {  	s9 =	simm.s32 $0x7880;
	v59 =	vor.u32 $0xB0, v0;
	s3 =	sshll.u32 s0, $0x1;
	[tilespmem:$0x1FFA0] =	vst v13  }
0x2d: {  	s10 =	simm.s32 $0x8500;
	v60 =	vor.u32 $0x6F0, v0;
	s7 =	sor.u32 s6, s3;
	s6 =	ssub.s32 $0x2, s6;
	[tilespmem:$0x1FFB0] =	vst v59  }
0x2e: {  	s11 =	simm.s32 $0x0;
	v14 =	vor.u32 $0xA10, v0;
	s8 =	smul.u32 $0x310, s7;
	s31 =	sshrl.u32 s6, $0x1;
	[tilespmem:$0x1FFC0] =	vst v60  }
0x2f: {  	v19 =	vimm.s32 $0x0;
	v22 =	vimm.s32 $0x1;
	v62 =	vor.u32 $0xC0, v0;
	s3 =	sadd.s32 $0x6E00, s4;
	s7 =	sshll.u32 s7, $0x4;
	s6 =	ssub.s32 s6, s31;
	[tilespmem:$0x1FFD0] =	vst v14  }
0x30: {  	v32 =	vimm.s32 $0x2;
	v39 =	vimm.s32 $0xD;
	v63 =	vor.u32 $0x700, v0;
	s5 =	sadd.s32 s5, s7;
	s7 =	simm.s32 $0x1;
	s4 =	sadd.s32 s8, s4;
	[tilespmem:$0x1FFE0] =	vst v62  }
0x31: {  	v2 =	vor.u32 $0x320, v0;
	v3 =	vor.u32 $0x640, v0;
	v4 =	vor.u32 $0x960, v0;
	s6 =	smax.u32 s6, $0x1;
	s8 =	simm.s32 $0x6000;
	s4 =	sadd.s32 $0xC00, s4;
	[tilespmem:$0x1FFF0] =	vst v63  }
.LBB2_1:
0x32: {  	[tilespmem:s2], [sflag:$0x1] =	stream.linear.gather [hbm4b:s3+s2], $0x6000, $0x38;
	[tilespmem:$0x8580] =	vst v63  }
0x33: {  	_ =	swait.ge [sflag:s7], $0x6000  }
0x34: {  	[sflag:s7] =	ssyncset.done $0x0  }
0x35: {  	[sflag:s7] =	ssyncadd.s32 $0xFFFFA000  }
0x36: {  	[tilespmem:s8], [sflag:$0x1] =	stream.linear.gather [hbm4b:s4+s2], $0x1880, $0x38;
	[tilespmem:$0x8580] =	vst v63  }
0x37: {  	_ =	swait.ge [sflag:s7], $0x1880  }
0x38: {  	[sflag:s7] =	ssyncset.done $0x0  }
0x39: {  	[sflag:s7] =	ssyncadd.s32 $0xFFFFE780  }
0x3a: {  	[tilespmem:v0+s9+$0x0] =	vst.idx.msk $0xffff, v19  }
0x3b: {  	[tilespmem:v2+s9+$0x0] =	vst.idx.msk $0xffff, v19  }
0x3c: {  	[tilespmem:v3+s9+$0x0] =	vst.idx.msk $0xffff, v19  }
0x3d: {  	[tilespmem:v4+s9+$0x0] =	vst.idx.msk $0xffff, v19  }
0x3e: {  	[tilespmem:v23+s9+$0x0] =	vst.idx.msk $0xffff, v22  }
0x3f: {  	v5 =	vld [tilespmem:$0x1FD10];
	[tilespmem:v24+s9+$0x0] =	vst.idx.msk $0xffff, v22  }
0x40: {  	[tilespmem:v27+s9+$0x0] =	vst.idx.msk $0xffff, v22  }
0x41: {  	[tilespmem:v28+s9+$0x0] =	vst.idx.msk $0xffff, v22  }
0x42: {  	[tilespmem:v29+s9+$0x0] =	vst.idx.msk $0xffff, v32  }
0x43: {  	[tilespmem:v33+s9+$0x0] =	vst.idx.msk $0xffff, v32  }
0x44: {  	[tilespmem:v34+s9+$0x0] =	vst.idx.msk $0xffff, v32  }
0x45: {  	v1 =	vimm.s32 $0x3;
	[tilespmem:v37+s9+$0x0] =	vst.idx.msk $0xffff, v32  }
0x46: {  	[tilespmem:v38+s9+$0x0] =	vst.idx.msk $0xffff, v1  }
0x47: {  	[tilespmem:v5+s9+$0x0] =	vst.idx.msk $0xffff, v1;
	v5 =	vld [tilespmem:$0x1FD20];
	_ =	sdelay $0x4  }
0x48: {  	[tilespmem:v40+s9+$0x0] =	vst.idx.msk $0xffff, v1  }
0x49: {  	[tilespmem:v6+s9+$0x0] =	vst.idx.msk $0xffff, v1;
	v1 =	vimm.s32 $0x4  }
0x4a: {  	[tilespmem:v42+s9+$0x0] =	vst.idx.msk $0xffff, v1  }
0x4b: {  	[tilespmem:v5+s9+$0x0] =	vst.idx.msk $0xffff, v1;
	v5 =	vld [tilespmem:$0x1FD30];
	_ =	sdelay $0x4  }
0x4c: {  	[tilespmem:v43+s9+$0x0] =	vst.idx.msk $0xffff, v1  }
0x4d: {  	[tilespmem:v7+s9+$0x0] =	vst.idx.msk $0xffff, v1;
	v1 =	vimm.s32 $0x5  }
0x4e: {  	[tilespmem:v44+s9+$0x0] =	vst.idx.msk $0xffff, v1  }
0x4f: {  	[tilespmem:v5+s9+$0x0] =	vst.idx.msk $0xffff, v1;
	v5 =	vld [tilespmem:$0x1FD40];
	_ =	sdelay $0x4  }
0x50: {  	[tilespmem:v45+s9+$0x0] =	vst.idx.msk $0xffff, v1  }
0x51: {  	[tilespmem:v8+s9+$0x0] =	vst.idx.msk $0xffff, v1;
	v1 =	vimm.s32 $0x6  }
0x52: {  	[tilespmem:v47+s9+$0x0] =	vst.idx.msk $0xffff, v1  }
0x53: {  	[tilespmem:v5+s9+$0x0] =	vst.idx.msk $0xffff, v1;
	v5 =	vld [tilespmem:$0x1FD50];
	_ =	sdelay $0x4  }
0x54: {  	[tilespmem:v48+s9+$0x0] =	vst.idx.msk $0xffff, v1  }
0x55: {  	[tilespmem:v9+s9+$0x0] =	vst.idx.msk $0xffff, v1;
	v1 =	vimm.s32 $0x7  }
0x56: {  	[tilespmem:v49+s9+$0x0] =	vst.idx.msk $0xffff, v1  }
0x57: {  	[tilespmem:v5+s9+$0x0] =	vst.idx.msk $0xffff, v1;
	v5 =	vld [tilespmem:$0x1FD60];
	_ =	sdelay $0x4  }
0x58: {  	[tilespmem:v50+s9+$0x0] =	vst.idx.msk $0xffff, v1  }
0x59: {  	[tilespmem:v10+s9+$0x0] =	vst.idx.msk $0xffff, v1;
	v1 =	vimm.s32 $0x8  }
0x5a: {  	[tilespmem:v52+s9+$0x0] =	vst.idx.msk $0xffff, v1  }
0x5b: {  	[tilespmem:v5+s9+$0x0] =	vst.idx.msk $0xffff, v1;
	v5 =	vld [tilespmem:$0x1FD70];
	_ =	sdelay $0x4  }
0x5c: {  	[tilespmem:v53+s9+$0x0] =	vst.idx.msk $0xffff, v1  }
0x5d: {  	[tilespmem:v11+s9+$0x0] =	vst.idx.msk $0xffff, v1;
	v1 =	vimm.s32 $0x9  }
0x5e: {  	[tilespmem:v54+s9+$0x0] =	vst.idx.msk $0xffff, v1  }
0x5f: {  	[tilespmem:v5+s9+$0x0] =	vst.idx.msk $0xffff, v1;
	v5 =	vld [tilespmem:$0x1FD80];
	_ =	sdelay $0x4  }
0x60: {  	[tilespmem:v55+s9+$0x0] =	vst.idx.msk $0xffff, v1  }
0x61: {  	[tilespmem:v12+s9+$0x0] =	vst.idx.msk $0xffff, v1;
	v1 =	vimm.s32 $0xA  }
0x62: {  	[tilespmem:v57+s9+$0x0] =	vst.idx.msk $0xffff, v1  }
0x63: {  	[tilespmem:v5+s9+$0x0] =	vst.idx.msk $0xffff, v1;
	v5 =	vld [tilespmem:$0x1FD90];
	_ =	sdelay $0x4  }
0x64: {  	[tilespmem:v58+s9+$0x0] =	vst.idx.msk $0xffff, v1  }
0x65: {  	[tilespmem:v13+s9+$0x0] =	vst.idx.msk $0xffff, v1;
	v1 =	vimm.s32 $0xB  }
0x66: {  	[tilespmem:v59+s9+$0x0] =	vst.idx.msk $0xffff, v1  }
0x67: {  	v6 =	vor.u32 $0xA20, v0;
	[tilespmem:v5+s9+$0x0] =	vst.idx.msk $0xffff, v1;
	v5 =	vld [tilespmem:$0x1FDA0]  }
0x68: {  	[tilespmem:$0x1F550] =	vst v6;
	v7 =	vor.u32 $0xD0, v0  }
0x69: {  	[tilespmem:$0x1F560] =	vst v7;
	v8 =	vor.u32 $0x3F0, v0  }
0x6a: {  	[tilespmem:$0x1F570] =	vst v8;
	v9 =	vor.u32 $0xA30, v0  }
0x6b: {  	[tilespmem:$0x1F590] =	vst v9  }
0x6c: {  	[tilespmem:v60+s9+$0x0] =	vst.idx.msk $0xffff, v1  }
0x6d: {  	[tilespmem:v14+s9+$0x0] =	vst.idx.msk $0xffff, v1;
	v1 =	vimm.s32 $0xC  }
0x6e: {  	[tilespmem:v62+s9+$0x0] =	vst.idx.msk $0xffff, v1  }
0x6f: {  	[tilespmem:v5+s9+$0x0] =	vst.idx.msk $0xffff, v1  }
0x70: {  	v5 =	vor.u32 $0x710, v0;
	[tilespmem:v63+s9+$0x0] =	vst.idx.msk $0xffff, v1  }
0x71: {  	[tilespmem:$0x1F580] =	vst v5  }
0x72: {  	[tilespmem:v6+s9+$0x0] =	vst.idx.msk $0xffff, v1  }
0x73: {  	v6 =	vor.u32 $0xE0, v0;
	[tilespmem:v7+s9+$0x0] =	vst.idx.msk $0xffff, v39  }
0x74: {  	[tilespmem:$0x1F5A0] =	vst v6  }
0x75: {  	v7 =	vor.u32 $0x400, v0;
	[tilespmem:v8+s9+$0x0] =	vst.idx.msk $0xffff, v39  }
0x76: {  	[tilespmem:$0x1F5B0] =	vst v7  }
0x77: {  	v8 =	vor.u32 $0x720, v0;
	[tilespmem:v5+s9+$0x0] =	vst.idx.msk $0xffff, v39  }
0x78: {  	[tilespmem:$0x1F5C0] =	vst v8  }
0x79: {  	v5 =	vor.u32 $0xA40, v0;
	[tilespmem:v9+s9+$0x0] =	vst.idx.msk $0xffff, v39  }
0x7a: {  	v1 =	vimm.s32 $0xE;
	[tilespmem:$0x1F5D0] =	vst v5  }
0x7b: {  	v9 =	vor.u32 $0xF0, v0;
	[tilespmem:v6+s9+$0x0] =	vst.idx.msk $0xffff, v1  }
0x7c: {  	[tilespmem:$0x1F5E0] =	vst v9  }
0x7d: {  	v6 =	vor.u32 $0x410, v0;
	[tilespmem:v7+s9+$0x0] =	vst.idx.msk $0xffff, v1  }
0x7e: {  	[tilespmem:$0x1F5F0] =	vst v6  }
0x7f: {  	v7 =	vor.u32 $0x730, v0;
	[tilespmem:v8+s9+$0x0] =	vst.idx.msk $0xffff, v1  }
0x80: {  	[tilespmem:$0x1F600] =	vst v7  }
0x81: {  	v8 =	vor.u32 $0xA50, v0;
	[tilespmem:v5+s9+$0x0] =	vst.idx.msk $0xffff, v1  }
0x82: {  	v1 =	vimm.s32 $0xF;
	[tilespmem:$0x1F610] =	vst v8  }
0x83: {  	v5 =	vor.u32 $0x100, v0;
	[tilespmem:v9+s9+$0x0] =	vst.idx.msk $0xffff, v1  }
0x84: {  	[tilespmem:$0x1F620] =	vst v5  }
0x85: {  	v9 =	vor.u32 $0x420, v0;
	[tilespmem:v6+s9+$0x0] =	vst.idx.msk $0xffff, v1  }
0x86: {  	[tilespmem:$0x1F630] =	vst v9  }
0x87: {  	v6 =	vor.u32 $0x740, v0;
	[tilespmem:v7+s9+$0x0] =	vst.idx.msk $0xffff, v1  }
0x88: {  	[tilespmem:$0x1F640] =	vst v6  }
0x89: {  	v7 =	vor.u32 $0xA60, v0;
	[tilespmem:v8+s9+$0x0] =	vst.idx.msk $0xffff, v1  }
0x8a: {  	v1 =	vimm.s32 $0x10;
	[tilespmem:$0x1F650] =	vst v7  }
0x8b: {  	v8 =	vor.u32 $0x110, v0;
	[tilespmem:v5+s9+$0x0] =	vst.idx.msk $0xffff, v1  }
0x8c: {  	[tilespmem:$0x1F660] =	vst v8  }
0x8d: {  	v5 =	vor.u32 $0x430, v0;
	[tilespmem:v9+s9+$0x0] =	vst.idx.msk $0xffff, v1  }
0x8e: {  	[tilespmem:$0x1F670] =	vst v5  }
0x8f: {  	v9 =	vor.u32 $0x750, v0;
	[tilespmem:v6+s9+$0x0] =	vst.idx.msk $0xffff, v1  }
0x90: {  	[tilespmem:$0x1F680] =	vst v9  }
0x91: {  	v6 =	vor.u32 $0xA70, v0;
	[tilespmem:v7+s9+$0x0] =	vst.idx.msk $0xffff, v1  }
0x92: {  	v1 =	vimm.s32 $0x11;
	[tilespmem:$0x1F690] =	vst v6  }
0x93: {  	v7 =	vor.u32 $0x120, v0;
	[tilespmem:v8+s9+$0x0] =	vst.idx.msk $0xffff, v1  }
0x94: {  	[tilespmem:$0x1F6A0] =	vst v7  }
0x95: {  	v8 =	vor.u32 $0x440, v0;
	[tilespmem:v5+s9+$0x0] =	vst.idx.msk $0xffff, v1  }
0x96: {  	[tilespmem:$0x1F6B0] =	vst v8  }
0x97: {  	v5 =	vor.u32 $0x760, v0;
	[tilespmem:v9+s9+$0x0] =	vst.idx.msk $0xffff, v1  }
0x98: {  	[tilespmem:$0x1F6C0] =	vst v5  }
0x99: {  	v9 =	vor.u32 $0xA80, v0;
	[tilespmem:v6+s9+$0x0] =	vst.idx.msk $0xffff, v1  }
0x9a: {  	v1 =	vimm.s32 $0x12;
	[tilespmem:$0x1F6D0] =	vst v9  }
0x9b: {  	v6 =	vor.u32 $0x130, v0;
	[tilespmem:v7+s9+$0x0] =	vst.idx.msk $0xffff, v1  }
0x9c: {  	[tilespmem:$0x1F6E0] =	vst v6  }
0x9d: {  	v7 =	vor.u32 $0x450, v0;
	[tilespmem:v8+s9+$0x0] =	vst.idx.msk $0xffff, v1  }
0x9e: {  	[tilespmem:$0x1F6F0] =	vst v7  }
0x9f: {  	v8 =	vor.u32 $0x770, v0;
	[tilespmem:v5+s9+$0x0] =	vst.idx.msk $0xffff, v1  }
0xa0: {  	[tilespmem:$0x1F700] =	vst v8  }
0xa1: {  	v5 =	vor.u32 $0xA90, v0;
	[tilespmem:v9+s9+$0x0] =	vst.idx.msk $0xffff, v1  }
0xa2: {  	v1 =	vimm.s32 $0x13;
	[tilespmem:$0x1F710] =	vst v5  }
0xa3: {  	v9 =	vor.u32 $0x140, v0;
	[tilespmem:v6+s9+$0x0] =	vst.idx.msk $0xffff, v1  }
0xa4: {  	[tilespmem:$0x1F720] =	vst v9  }
0xa5: {  	v6 =	vor.u32 $0x460, v0;
	[tilespmem:v7+s9+$0x0] =	vst.idx.msk $0xffff, v1  }
0xa6: {  	[tilespmem:$0x1F730] =	vst v6  }
0xa7: {  	v7 =	vor.u32 $0x780, v0;
	[tilespmem:v8+s9+$0x0] =	vst.idx.msk $0xffff, v1  }
0xa8: {  	[tilespmem:$0x1F740] =	vst v7  }
0xa9: {  	v8 =	vor.u32 $0xAA0, v0;
	[tilespmem:v5+s9+$0x0] =	vst.idx.msk $0xffff, v1  }
0xaa: {  	v1 =	vimm.s32 $0x14;
	[tilespmem:$0x1F750] =	vst v8  }
0xab: {  	v5 =	vor.u32 $0x150, v0;
	[tilespmem:v9+s9+$0x0] =	vst.idx.msk $0xffff, v1  }
0xac: {  	[tilespmem:$0x1F760] =	vst v5  }
0xad: {  	v9 =	vor.u32 $0x470, v0;
	[tilespmem:v6+s9+$0x0] =	vst.idx.msk $0xffff, v1  }
0xae: {  	[tilespmem:$0x1F770] =	vst v9  }
0xaf: {  	v6 =	vor.u32 $0x790, v0;
	[tilespmem:v7+s9+$0x0] =	vst.idx.msk $0xffff, v1  }
0xb0: {  	[tilespmem:$0x1F780] =	vst v6  }
0xb1: {  	v7 =	vor.u32 $0xAB0, v0;
	[tilespmem:v8+s9+$0x0] =	vst.idx.msk $0xffff, v1  }
0xb2: {  	v1 =	vimm.s32 $0x15;
	[tilespmem:$0x1F790] =	vst v7  }
0xb3: {  	v8 =	vor.u32 $0x160, v0;
	[tilespmem:v5+s9+$0x0] =	vst.idx.msk $0xffff, v1  }
0xb4: {  	[tilespmem:$0x1F7A0] =	vst v8  }
0xb5: {  	v5 =	vor.u32 $0x480, v0;
	[tilespmem:v9+s9+$0x0] =	vst.idx.msk $0xffff, v1  }
0xb6: {  	[tilespmem:$0x1F7B0] =	vst v5  }
0xb7: {  	v9 =	vor.u32 $0x7A0, v0;
	[tilespmem:v6+s9+$0x0] =	vst.idx.msk $0xffff, v1  }
0xb8: {  	[tilespmem:$0x1F7C0] =	vst v9  }
0xb9: {  	v6 =	vor.u32 $0xAC0, v0;
	[tilespmem:v7+s9+$0x0] =	vst.idx.msk $0xffff, v1  }
0xba: {  	v1 =	vimm.s32 $0x16;
	[tilespmem:$0x1F7D0] =	vst v6  }
0xbb: {  	v7 =	vor.u32 $0x170, v0;
	[tilespmem:v8+s9+$0x0] =	vst.idx.msk $0xffff, v1  }
0xbc: {  	[tilespmem:$0x1F7E0] =	vst v7  }
0xbd: {  	v8 =	vor.u32 $0x490, v0;
	[tilespmem:v5+s9+$0x0] =	vst.idx.msk $0xffff, v1  }
0xbe: {  	[tilespmem:$0x1F7F0] =	vst v8  }
0xbf: {  	v5 =	vor.u32 $0x7B0, v0;
	[tilespmem:v9+s9+$0x0] =	vst.idx.msk $0xffff, v1  }
0xc0: {  	[tilespmem:$0x1F800] =	vst v5  }
0xc1: {  	v9 =	vor.u32 $0xAD0, v0;
	[tilespmem:v6+s9+$0x0] =	vst.idx.msk $0xffff, v1  }
0xc2: {  	v1 =	vimm.s32 $0x17;
	[tilespmem:$0x1F810] =	vst v9  }
0xc3: {  	v6 =	vor.u32 $0x180, v0;
	[tilespmem:v7+s9+$0x0] =	vst.idx.msk $0xffff, v1  }
0xc4: {  	[tilespmem:$0x1F820] =	vst v6  }
0xc5: {  	v7 =	vor.u32 $0x4A0, v0;
	[tilespmem:v8+s9+$0x0] =	vst.idx.msk $0xffff, v1  }
0xc6: {  	[tilespmem:$0x1F830] =	vst v7  }
0xc7: {  	v8 =	vor.u32 $0x7C0, v0;
	[tilespmem:v5+s9+$0x0] =	vst.idx.msk $0xffff, v1  }
0xc8: {  	[tilespmem:$0x1F840] =	vst v8  }
0xc9: {  	v5 =	vor.u32 $0xAE0, v0;
	[tilespmem:v9+s9+$0x0] =	vst.idx.msk $0xffff, v1  }
0xca: {  	v1 =	vimm.s32 $0x18;
	[tilespmem:$0x1F850] =	vst v5  }
0xcb: {  	v9 =	vor.u32 $0x190, v0;
	[tilespmem:v6+s9+$0x0] =	vst.idx.msk $0xffff, v1  }
0xcc: {  	[tilespmem:$0x1F860] =	vst v9  }
0xcd: {  	v6 =	vor.u32 $0x4B0, v0;
	[tilespmem:v7+s9+$0x0] =	vst.idx.msk $0xffff, v1  }
0xce: {  	[tilespmem:$0x1F870] =	vst v6  }
0xcf: {  	v7 =	vor.u32 $0x7D0, v0;
	[tilespmem:v8+s9+$0x0] =	vst.idx.msk $0xffff, v1  }
0xd0: {  	[tilespmem:$0x1F880] =	vst v7  }
0xd1: {  	v8 =	vor.u32 $0xAF0, v0;
	[tilespmem:v5+s9+$0x0] =	vst.idx.msk $0xffff, v1  }
0xd2: {  	v1 =	vimm.s32 $0x19;
	[tilespmem:$0x1F890] =	vst v8  }
0xd3: {  	v5 =	vor.u32 $0x1A0, v0;
	[tilespmem:v9+s9+$0x0] =	vst.idx.msk $0xffff, v1  }
0xd4: {  	[tilespmem:$0x1F8A0] =	vst v5  }
0xd5: {  	v9 =	vor.u32 $0x4C0, v0;
	[tilespmem:v6+s9+$0x0] =	vst.idx.msk $0xffff, v1  }
0xd6: {  	[tilespmem:$0x1F8B0] =	vst v9  }
0xd7: {  	v6 =	vor.u32 $0x7E0, v0;
	[tilespmem:v7+s9+$0x0] =	vst.idx.msk $0xffff, v1  }
0xd8: {  	[tilespmem:$0x1F8C0] =	vst v6  }
0xd9: {  	v7 =	vor.u32 $0xB00, v0;
	[tilespmem:v8+s9+$0x0] =	vst.idx.msk $0xffff, v1  }
0xda: {  	v1 =	vimm.s32 $0x1A;
	[tilespmem:$0x1F8D0] =	vst v7  }
0xdb: {  	v8 =	vor.u32 $0x1B0, v0;
	[tilespmem:v5+s9+$0x0] =	vst.idx.msk $0xffff, v1  }
0xdc: {  	[tilespmem:$0x1F8E0] =	vst v8  }
0xdd: {  	v5 =	vor.u32 $0x4D0, v0;
	[tilespmem:v9+s9+$0x0] =	vst.idx.msk $0xffff, v1  }
0xde: {  	[tilespmem:$0x1F8F0] =	vst v5  }
0xdf: {  	v9 =	vor.u32 $0x7F0, v0;
	[tilespmem:v6+s9+$0x0] =	vst.idx.msk $0xffff, v1  }
0xe0: {  	[tilespmem:$0x1F900] =	vst v9  }
0xe1: {  	v6 =	vor.u32 $0xB10, v0;
	[tilespmem:v7+s9+$0x0] =	vst.idx.msk $0xffff, v1  }
0xe2: {  	v1 =	vimm.s32 $0x1B;
	[tilespmem:$0x1F910] =	vst v6  }
0xe3: {  	v7 =	vor.u32 $0x1C0, v0;
	[tilespmem:v8+s9+$0x0] =	vst.idx.msk $0xffff, v1  }
0xe4: {  	[tilespmem:$0x1F920] =	vst v7  }
0xe5: {  	v8 =	vor.u32 $0x4E0, v0;
	[tilespmem:v5+s9+$0x0] =	vst.idx.msk $0xffff, v1  }
0xe6: {  	[tilespmem:$0x1F930] =	vst v8  }
0xe7: {  	v5 =	vor.u32 $0x800, v0;
	[tilespmem:v9+s9+$0x0] =	vst.idx.msk $0xffff, v1  }
0xe8: {  	[tilespmem:$0x1F940] =	vst v5  }
0xe9: {  	v9 =	vor.u32 $0xB20, v0;
	[tilespmem:v6+s9+$0x0] =	vst.idx.msk $0xffff, v1  }
0xea: {  	v1 =	vimm.s32 $0x1C;
	[tilespmem:$0x1F950] =	vst v9  }
0xeb: {  	v6 =	vor.u32 $0x1D0, v0;
	[tilespmem:v7+s9+$0x0] =	vst.idx.msk $0xffff, v1  }
0xec: {  	[tilespmem:$0x1F960] =	vst v6  }
0xed: {  	v7 =	vor.u32 $0x4F0, v0;
	[tilespmem:v8+s9+$0x0] =	vst.idx.msk $0xffff, v1  }
0xee: {  	[tilespmem:$0x1F970] =	vst v7  }
0xef: {  	v8 =	vor.u32 $0x810, v0;
	[tilespmem:v5+s9+$0x0] =	vst.idx.msk $0xffff, v1  }
0xf0: {  	[tilespmem:$0x1F980] =	vst v8  }
0xf1: {  	v5 =	vor.u32 $0xB30, v0;
	[tilespmem:v9+s9+$0x0] =	vst.idx.msk $0xffff, v1  }
0xf2: {  	v1 =	vimm.s32 $0x1D;
	[tilespmem:$0x1F990] =	vst v5  }
0xf3: {  	v9 =	vor.u32 $0x1E0, v0;
	[tilespmem:v6+s9+$0x0] =	vst.idx.msk $0xffff, v1  }
0xf4: {  	[tilespmem:$0x1F9A0] =	vst v9  }
0xf5: {  	v6 =	vor.u32 $0x500, v0;
	[tilespmem:v7+s9+$0x0] =	vst.idx.msk $0xffff, v1  }
0xf6: {  	[tilespmem:$0x1F9B0] =	vst v6  }
0xf7: {  	v7 =	vor.u32 $0x820, v0;
	[tilespmem:v8+s9+$0x0] =	vst.idx.msk $0xffff, v1  }
0xf8: {  	[tilespmem:$0x1F9C0] =	vst v7  }
0xf9: {  	v8 =	vor.u32 $0xB40, v0;
	[tilespmem:v5+s9+$0x0] =	vst.idx.msk $0xffff, v1  }
0xfa: {  	v1 =	vimm.s32 $0x1E;
	[tilespmem:$0x1F9D0] =	vst v8  }
0xfb: {  	v5 =	vor.u32 $0x1F0, v0;
	[tilespmem:v9+s9+$0x0] =	vst.idx.msk $0xffff, v1  }
0xfc: {  	[tilespmem:$0x1F9E0] =	vst v5  }
0xfd: {  	v9 =	vor.u32 $0x510, v0;
	[tilespmem:v6+s9+$0x0] =	vst.idx.msk $0xffff, v1  }
0xfe: {  	[tilespmem:$0x1F9F0] =	vst v9  }
0xff: {  	v6 =	vor.u32 $0x830, v0;
	[tilespmem:v7+s9+$0x0] =	vst.idx.msk $0xffff, v1  }
0x100: {  	[tilespmem:$0x1FA00] =	vst v6  }
0x101: {  	v7 =	vor.u32 $0xB50, v0;
	[tilespmem:v8+s9+$0x0] =	vst.idx.msk $0xffff, v1  }
0x102: {  	v1 =	vimm.s32 $0x1F;
	[tilespmem:$0x1FA10] =	vst v7  }
0x103: {  	v8 =	vor.u32 $0x200, v0;
	[tilespmem:v5+s9+$0x0] =	vst.idx.msk $0xffff, v1  }
0x104: {  	[tilespmem:$0x1FA20] =	vst v8  }
0x105: {  	v5 =	vor.u32 $0x520, v0;
	[tilespmem:v9+s9+$0x0] =	vst.idx.msk $0xffff, v1  }
0x106: {  	[tilespmem:$0x1FA30] =	vst v5  }
0x107: {  	v9 =	vor.u32 $0x840, v0;
	[tilespmem:v6+s9+$0x0] =	vst.idx.msk $0xffff, v1  }
0x108: {  	[tilespmem:$0x1FA40] =	vst v9  }
0x109: {  	v6 =	vor.u32 $0xB60, v0;
	[tilespmem:v7+s9+$0x0] =	vst.idx.msk $0xffff, v1  }
0x10a: {  	v1 =	vimm.s32 $0x20;
	[tilespmem:$0x1FA50] =	vst v6  }
0x10b: {  	v7 =	vor.u32 $0x210, v0;
	[tilespmem:v8+s9+$0x0] =	vst.idx.msk $0xffff, v1  }
0x10c: {  	[tilespmem:$0x1FA60] =	vst v7  }
0x10d: {  	v8 =	vor.u32 $0x530, v0;
	[tilespmem:v5+s9+$0x0] =	vst.idx.msk $0xffff, v1  }
0x10e: {  	[tilespmem:$0x1FA70] =	vst v8  }
0x10f: {  	v5 =	vor.u32 $0x850, v0;
	[tilespmem:v9+s9+$0x0] =	vst.idx.msk $0xffff, v1  }
0x110: {  	[tilespmem:$0x1FA80] =	vst v5  }
0x111: {  	v9 =	vor.u32 $0xB70, v0;
	[tilespmem:v6+s9+$0x0] =	vst.idx.msk $0xffff, v1  }
0x112: {  	v1 =	vimm.s32 $0x21;
	[tilespmem:$0x1FA90] =	vst v9  }
0x113: {  	v6 =	vor.u32 $0x220, v0;
	[tilespmem:v7+s9+$0x0] =	vst.idx.msk $0xffff, v1  }
0x114: {  	[tilespmem:$0x1FAA0] =	vst v6  }
0x115: {  	v7 =	vor.u32 $0x540, v0;
	[tilespmem:v8+s9+$0x0] =	vst.idx.msk $0xffff, v1  }
0x116: {  	[tilespmem:$0x1FAB0] =	vst v7  }
0x117: {  	v8 =	vor.u32 $0x860, v0;
	[tilespmem:v5+s9+$0x0] =	vst.idx.msk $0xffff, v1  }
0x118: {  	[tilespmem:$0x1FAC0] =	vst v8  }
0x119: {  	v5 =	vor.u32 $0xB80, v0;
	[tilespmem:v9+s9+$0x0] =	vst.idx.msk $0xffff, v1  }
0x11a: {  	v1 =	vimm.s32 $0x22;
	[tilespmem:$0x1FAD0] =	vst v5  }
0x11b: {  	v9 =	vor.u32 $0x230, v0;
	[tilespmem:v6+s9+$0x0] =	vst.idx.msk $0xffff, v1  }
0x11c: {  	[tilespmem:$0x1FAE0] =	vst v9  }
0x11d: {  	v6 =	vor.u32 $0x550, v0;
	[tilespmem:v7+s9+$0x0] =	vst.idx.msk $0xffff, v1  }
0x11e: {  	[tilespmem:$0x1FAF0] =	vst v6  }
0x11f: {  	v7 =	vor.u32 $0x870, v0;
	[tilespmem:v8+s9+$0x0] =	vst.idx.msk $0xffff, v1  }
0x120: {  	[tilespmem:$0x1FB00] =	vst v7  }
0x121: {  	v8 =	vor.u32 $0xB90, v0;
	[tilespmem:v5+s9+$0x0] =	vst.idx.msk $0xffff, v1  }
0x122: {  	v1 =	vimm.s32 $0x23;
	[tilespmem:$0x1FB10] =	vst v8  }
0x123: {  	v5 =	vor.u32 $0x240, v0;
	[tilespmem:v9+s9+$0x0] =	vst.idx.msk $0xffff, v1  }
0x124: {  	[tilespmem:$0x1FB20] =	vst v5  }
0x125: {  	v9 =	vor.u32 $0x560, v0;
	[tilespmem:v6+s9+$0x0] =	vst.idx.msk $0xffff, v1  }
0x126: {  	[tilespmem:$0x1FB30] =	vst v9  }
0x127: {  	v6 =	vor.u32 $0x880, v0;
	[tilespmem:v7+s9+$0x0] =	vst.idx.msk $0xffff, v1  }
0x128: {  	[tilespmem:$0x1FB40] =	vst v6  }
0x129: {  	v7 =	vor.u32 $0xBA0, v0;
	[tilespmem:v8+s9+$0x0] =	vst.idx.msk $0xffff, v1  }
0x12a: {  	v1 =	vimm.s32 $0x24;
	[tilespmem:$0x1FB50] =	vst v7  }
0x12b: {  	v8 =	vor.u32 $0x250, v0;
	[tilespmem:v5+s9+$0x0] =	vst.idx.msk $0xffff, v1  }
0x12c: {  	[tilespmem:$0x1FB60] =	vst v8  }
0x12d: {  	v5 =	vor.u32 $0x570, v0;
	[tilespmem:v9+s9+$0x0] =	vst.idx.msk $0xffff, v1  }
0x12e: {  	[tilespmem:$0x1FB70] =	vst v5  }
0x12f: {  	v9 =	vor.u32 $0x890, v0;
	[tilespmem:v6+s9+$0x0] =	vst.idx.msk $0xffff, v1  }
0x130: {  	[tilespmem:$0x1FB80] =	vst v9  }
0x131: {  	v6 =	vor.u32 $0xBB0, v0;
	[tilespmem:v7+s9+$0x0] =	vst.idx.msk $0xffff, v1  }
0x132: {  	v1 =	vimm.s32 $0x25;
	[tilespmem:$0x1FB90] =	vst v6  }
0x133: {  	v7 =	vor.u32 $0x260, v0;
	[tilespmem:v8+s9+$0x0] =	vst.idx.msk $0xffff, v1  }
0x134: {  	[tilespmem:$0x1FBA0] =	vst v7  }
0x135: {  	v8 =	vor.u32 $0x580, v0;
	[tilespmem:v5+s9+$0x0] =	vst.idx.msk $0xffff, v1  }
0x136: {  	[tilespmem:$0x1FBB0] =	vst v8  }
0x137: {  	v5 =	vor.u32 $0x8A0, v0;
	[tilespmem:v9+s9+$0x0] =	vst.idx.msk $0xffff, v1  }
0x138: {  	[tilespmem:$0x1FBC0] =	vst v5  }
0x139: {  	v9 =	vor.u32 $0xBC0, v0;
	[tilespmem:v6+s9+$0x0] =	vst.idx.msk $0xffff, v1  }
0x13a: {  	v1 =	vimm.s32 $0x26;
	[tilespmem:$0x1FBD0] =	vst v9  }
0x13b: {  	v6 =	vor.u32 $0x270, v0;
	[tilespmem:v7+s9+$0x0] =	vst.idx.msk $0xffff, v1  }
0x13c: {  	[tilespmem:$0x1FBE0] =	vst v6  }
0x13d: {  	v7 =	vor.u32 $0x590, v0;
	[tilespmem:v8+s9+$0x0] =	vst.idx.msk $0xffff, v1  }
0x13e: {  	[tilespmem:$0x1FBF0] =	vst v7  }
0x13f: {  	v8 =	vor.u32 $0x8B0, v0;
	[tilespmem:v5+s9+$0x0] =	vst.idx.msk $0xffff, v1  }
0x140: {  	[tilespmem:$0x1FC00] =	vst v8  }
0x141: {  	v5 =	vor.u32 $0xBD0, v0;
	[tilespmem:v9+s9+$0x0] =	vst.idx.msk $0xffff, v1  }
0x142: {  	v1 =	vimm.s32 $0x27;
	[tilespmem:$0x1FC10] =	vst v5  }
0x143: {  	v9 =	vor.u32 $0x280, v0;
	[tilespmem:v6+s9+$0x0] =	vst.idx.msk $0xffff, v1  }
0x144: {  	[tilespmem:$0x1FC20] =	vst v9  }
0x145: {  	v6 =	vor.u32 $0x5A0, v0;
	[tilespmem:v7+s9+$0x0] =	vst.idx.msk $0xffff, v1  }
0x146: {  	[tilespmem:$0x1FC30] =	vst v6  }
0x147: {  	v7 =	vor.u32 $0x8C0, v0;
	[tilespmem:v8+s9+$0x0] =	vst.idx.msk $0xffff, v1  }
0x148: {  	[tilespmem:$0x1FC40] =	vst v7  }
0x149: {  	v8 =	vor.u32 $0xBE0, v0;
	[tilespmem:v5+s9+$0x0] =	vst.idx.msk $0xffff, v1  }
0x14a: {  	v1 =	vimm.s32 $0x28;
	[tilespmem:$0x1FC50] =	vst v8  }
0x14b: {  	v5 =	vor.u32 $0x290, v0;
	[tilespmem:v9+s9+$0x0] =	vst.idx.msk $0xffff, v1  }
0x14c: {  	[tilespmem:$0x1FC60] =	vst v5  }
0x14d: {  	v9 =	vor.u32 $0x5B0, v0;
	[tilespmem:v6+s9+$0x0] =	vst.idx.msk $0xffff, v1  }
0x14e: {  	[tilespmem:$0x1FC70] =	vst v9  }
0x14f: {  	v6 =	vor.u32 $0x8D0, v0;
	[tilespmem:v7+s9+$0x0] =	vst.idx.msk $0xffff, v1  }
0x150: {  	[tilespmem:$0x1FC80] =	vst v6  }
0x151: {  	v7 =	vor.u32 $0xBF0, v0;
	[tilespmem:v8+s9+$0x0] =	vst.idx.msk $0xffff, v1  }
0x152: {  	v1 =	vimm.s32 $0x29;
	[tilespmem:$0x1FC90] =	vst v7  }
0x153: {  	v8 =	vor.u32 $0x2A0, v0;
	[tilespmem:v5+s9+$0x0] =	vst.idx.msk $0xffff, v1  }
0x154: {  	[tilespmem:$0x1FCA0] =	vst v8  }
0x155: {  	v5 =	vor.u32 $0x5C0, v0;
	[tilespmem:v9+s9+$0x0] =	vst.idx.msk $0xffff, v1  }
0x156: {  	[tilespmem:$0x1FCB0] =	vst v5  }
0x157: {  	v9 =	vor.u32 $0x8E0, v0;
	[tilespmem:v6+s9+$0x0] =	vst.idx.msk $0xffff, v1  }
0x158: {  	[tilespmem:$0x1FCC0] =	vst v9  }
0x159: {  	v6 =	vor.u32 $0xC00, v0;
	[tilespmem:v7+s9+$0x0] =	vst.idx.msk $0xffff, v1  }
0x15a: {  	v1 =	vimm.s32 $0x2A;
	[tilespmem:$0x1FCD0] =	vst v6  }
0x15b: {  	v7 =	vor.u32 $0x2B0, v0;
	[tilespmem:v8+s9+$0x0] =	vst.idx.msk $0xffff, v1  }
0x15c: {  	[tilespmem:$0x1FCE0] =	vst v7  }
0x15d: {  	v8 =	vor.u32 $0x5D0, v0;
	[tilespmem:v5+s9+$0x0] =	vst.idx.msk $0xffff, v1  }
0x15e: {  	[tilespmem:$0x1FCF0] =	vst v8  }
0x15f: {  	v5 =	vor.u32 $0x8F0, v0;
	[tilespmem:v9+s9+$0x0] =	vst.idx.msk $0xffff, v1  }
0x160: {  	v15 =	vor.u32 $0xC10, v0;
	[tilespmem:$0x1FD00] =	vst v5  }
0x161: {  	v20 =	vor.u32 $0x2C0, v0;
	[tilespmem:v6+s9+$0x0] =	vst.idx.msk $0xffff, v1;
	v1 =	vimm.s32 $0x2B  }
0x162: {  	v25 =	vor.u32 $0x5E0, v0;
	[tilespmem:v7+s9+$0x0] =	vst.idx.msk $0xffff, v1  }
0x163: {  	v30 =	vor.u32 $0x900, v0;
	[tilespmem:v8+s9+$0x0] =	vst.idx.msk $0xffff, v1  }
0x164: {  	v35 =	vor.u32 $0xC20, v0;
	[tilespmem:v5+s9+$0x0] =	vst.idx.msk $0xffff, v1  }
0x165: {  	v5 =	vimm.s32 $0x2C;
	[tilespmem:v15+s9+$0x0] =	vst.idx.msk $0xffff, v1;
	v1 =	vor.u32 $0x2D0, v0  }
0x166: {  	v11 =	vor.u32 $0x5F0, v0;
	[tilespmem:v20+s9+$0x0] =	vst.idx.msk $0xffff, v5  }
0x167: {  	v16 =	vor.u32 $0x910, v0;
	[tilespmem:v25+s9+$0x0] =	vst.idx.msk $0xffff, v5  }
0x168: {  	v21 =	vor.u32 $0xC30, v0;
	[tilespmem:v30+s9+$0x0] =	vst.idx.msk $0xffff, v5  }
0x169: {  	v26 =	vor.u32 $0x2E0, v0;
	[tilespmem:v35+s9+$0x0] =	vst.idx.msk $0xffff, v5;
	v5 =	vimm.s32 $0x2D  }
0x16a: {  	v31 =	vor.u32 $0x600, v0;
	[tilespmem:v1+s9+$0x0] =	vst.idx.msk $0xffff, v5  }
0x16b: {  	v36 =	vor.u32 $0x920, v0;
	[tilespmem:v11+s9+$0x0] =	vst.idx.msk $0xffff, v5  }
0x16c: {  	v41 =	vor.u32 $0xC40, v0;
	[tilespmem:v16+s9+$0x0] =	vst.idx.msk $0xffff, v5  }
0x16d: {  	v46 =	vor.u32 $0x2F0, v0;
	[tilespmem:v21+s9+$0x0] =	vst.idx.msk $0xffff, v5;
	v5 =	vimm.s32 $0x2E  }
0x16e: {  	v51 =	vor.u32 $0x610, v0;
	[tilespmem:v26+s9+$0x0] =	vst.idx.msk $0xffff, v5  }
0x16f: {  	v56 =	vor.u32 $0x930, v0;
	[tilespmem:v31+s9+$0x0] =	vst.idx.msk $0xffff, v5  }
0x170: {  	v61 =	vor.u32 $0xC50, v0;
	[tilespmem:v36+s9+$0x0] =	vst.idx.msk $0xffff, v5  }
0x171: {  	v7 =	vor.u32 $0x300, v0;
	[tilespmem:v41+s9+$0x0] =	vst.idx.msk $0xffff, v5;
	v5 =	vimm.s32 $0x2F  }
0x172: {  	v8 =	vor.u32 $0x620, v0;
	[tilespmem:v46+s9+$0x0] =	vst.idx.msk $0xffff, v5  }
0x173: {  	v9 =	vor.u32 $0x940, v0;
	[tilespmem:v51+s9+$0x0] =	vst.idx.msk $0xffff, v5  }
0x174: {  	v12 =	vor.u32 $0xC60, v0;
	[tilespmem:v56+s9+$0x0] =	vst.idx.msk $0xffff, v5  }
0x175: {  	v13 =	vor.u32 $0x310, v0;
	[tilespmem:v61+s9+$0x0] =	vst.idx.msk $0xffff, v5;
	v5 =	vimm.s32 $0x30  }
0x176: {  	v14 =	vor.u32 $0x630, v0;
	[tilespmem:v7+s9+$0x0] =	vst.idx.msk $0xffff, v5  }
0x177: {  	v17 =	vor.u32 $0x950, v0;
	[tilespmem:v8+s9+$0x0] =	vst.idx.msk $0xffff, v5  }
0x178: {  	v18 =	vor.u32 $0xC70, v0;
	[tilespmem:v9+s9+$0x0] =	vst.idx.msk $0xffff, v5  }
0x179: {  	[tilespmem:v12+s9+$0x0] =	vst.idx.msk $0xffff, v5;
	v5 =	vimm.s32 $0x31  }
0x17a: {  	[tilespmem:v13+s9+$0x0] =	vst.idx.msk $0xffff, v5  }
0x17b: {  	[tilespmem:v14+s9+$0x0] =	vst.idx.msk $0xffff, v5  }
0x17c: {  	v19 =	vimm.f32 $0.0e+00;
	[tilespmem:v17+s9+$0x0] =	vst.idx.msk $0xffff, v5  }
0x17d: {  	s12 =	simm.s32 $0x0;
	v23 =	vimm.f32 $0.0e+00;
	v24 =	vimm.f32 $0.0e+00;
	v22 =	vimm.f32 $0.0e+00;
	[tilespmem:v18+s9+$0x0] =	vst.idx.msk $0xffff, v5  }
.LBB2_2:
0x17e: {  	v6 =	vmul.u32 $0x31, v0;
	_ =	sdelay $0x1  }
0x17f: {  	v27 =	vadd.s32 s12, v6;
	_ =	sdelay $0x4  }
0x180: {  	v27 =	vld.idx.msk [tilespmem:v27+s8+$0x0], $0xffff;
	_ =	sdelay $0x4  }
0x181: {  	v28 =	vshrl.u32 v27, $0x2  }
0x182: {  	v28 =	vand.u32 $0x3F0, v28  }
0x183: {  	v29 =	vshll.u32 v27, $0x4;
	v28 =	vor.u32 v0, v28  }
0x184: {  	v29 =	vor.u32 v0, v29  }
0x185: {  	v29 =	vand.u32 $0x3FF, v29;
	_ =	sdelay $0x2  }
0x186: {  	v32 =	vld.idx.msk [tilespmem:v28+s9+$0x0], $0xffff;
	_ =	sdelay $0x1  }
0x187: {  	v29 =	vld.idx.msk [tilespmem:v29+s9+$0x0], $0xffff;
	_ =	sdelay $0x1  }
0x188: {  	v27 =	vshra.s32 v27, $0xC  }
0x189: {  	v33 =	vshll.u32 v27, $0xD;
	v32 =	vshll.u32 v32, $0x7  }
0x18a: {  	vm0 =	veq.s32 v27, $0x2;
	v32 =	vadd.s32 v32, v33  }
0x18b: {  	s13 =	sadd.s32 $0x310, s12;
	v32 =	vadd.s32 v29, v32  }
0x18c: {  	v27 =	vadd.s32 s13, v6;
	_ =	sdelay $0x3  }
0x18d: {  	v32 =	vld.idx.msk [tilespmem:v32+s2+$0x0], $0xffff;
	[tilespmem:v28+s9+$0x0] =	vst.idx.msk vm0, v29  }
0x18e: {  	v27 =	vld.idx.msk [tilespmem:v27+s8+$0x0], $0xffff;
	_ =	sdelay $0x4  }
0x18f: {  	v28 =	vshrl.u32 v27, $0x2  }
0x190: {  	v28 =	vand.u32 $0x3F0, v28  }
0x191: {  	v29 =	vshll.u32 v27, $0x4;
	v28 =	vadd.s32 v2, v28  }
0x192: {  	v29 =	vand.u32 $0x3F0, v29  }
0x193: {  	v29 =	vadd.s32 v2, v29;
	_ =	sdelay $0x2  }
0x194: {  	v60 =	vld.idx.msk [tilespmem:v28+s9+$0x0], $0xffff;
	_ =	sdelay $0x1  }
0x195: {  	v29 =	vld.idx.msk [tilespmem:v29+s9+$0x0], $0xffff;
	_ =	sdelay $0x1  }
0x196: {  	v27 =	vshra.s32 v27, $0xC  }
0x197: {  	v34 =	vshll.u32 v27, $0xD;
	v33 =	vshll.u32 v60, $0x7  }
0x198: {  	vm13 =	veq.s32 v27, $0x2;
	v33 =	vadd.s32 v33, v34  }
0x199: {  	s30 =	sadd.s32 $0x620, s12;
	v33 =	vadd.s32 v29, v33  }
0x19a: {  	v27 =	vadd.s32 s30, v6;
	_ =	sdelay $0x3  }
0x19b: {  	v33 =	vld.idx.msk [tilespmem:v33+s2+$0x0], $0xffff;
	[tilespmem:v28+s9+$0x0] =	vst.idx.msk vm13, v29  }
0x19c: {  	v27 =	vld.idx.msk [tilespmem:v27+s8+$0x0], $0xffff;
	_ =	sdelay $0x4  }
0x19d: {  	v28 =	vshrl.u32 v27, $0x2  }
0x19e: {  	v28 =	vand.u32 $0x3F0, v28  }
0x19f: {  	v29 =	vshll.u32 v27, $0x4;
	v28 =	vadd.s32 v3, v28  }
0x1a0: {  	v29 =	vand.u32 $0x3F0, v29  }
0x1a1: {  	v29 =	vadd.s32 v3, v29;
	_ =	sdelay $0x2  }
0x1a2: {  	v62 =	vld.idx.msk [tilespmem:v28+s9+$0x0], $0xffff;
	_ =	sdelay $0x1  }
0x1a3: {  	v29 =	vld.idx.msk [tilespmem:v29+s9+$0x0], $0xffff;
	_ =	sdelay $0x1  }
0x1a4: {  	v27 =	vshra.s32 v27, $0xC  }
0x1a5: {  	v37 =	vshll.u32 v27, $0xD;
	v34 =	vshll.u32 v62, $0x7  }
0x1a6: {  	vm14 =	veq.s32 v27, $0x2;
	v34 =	vadd.s32 v34, v37  }
0x1a7: {  	s31 =	sadd.s32 $0x930, s12;
	v34 =	vadd.s32 v29, v34  }
0x1a8: {  	v27 =	vadd.s32 s31, v6;
	_ =	sdelay $0x3  }
0x1a9: {  	v34 =	vld.idx.msk [tilespmem:v34+s2+$0x0], $0xffff;
	[tilespmem:v28+s9+$0x0] =	vst.idx.msk vm14, v29  }
0x1aa: {  	v27 =	vld.idx.msk [tilespmem:v27+s8+$0x0], $0xffff;
	_ =	sdelay $0x4  }
0x1ab: {  	v28 =	vshrl.u32 v27, $0x2  }
0x1ac: {  	v28 =	vand.u32 $0x3F0, v28  }
0x1ad: {  	v29 =	vshll.u32 v27, $0x4;
	v28 =	vadd.s32 v4, v28  }
0x1ae: {  	v29 =	vand.u32 $0x3F0, v29  }
0x1af: {  	v29 =	vadd.s32 v4, v29;
	_ =	sdelay $0x2  }
0x1b0: {  	v63 =	vld.idx.msk [tilespmem:v28+s9+$0x0], $0xffff;
	_ =	sdelay $0x1  }
0x1b1: {  	v29 =	vld.idx.msk [tilespmem:v29+s9+$0x0], $0xffff;
	_ =	sdelay $0x1  }
0x1b2: {  	v27 =	vshra.s32 v27, $0xC  }
0x1b3: {  	v38 =	vshll.u32 v27, $0xD;
	v37 =	vshll.u32 v63, $0x7  }
0x1b4: {  	v37 =	vadd.s32 v37, v38  }
0x1b5: {  	v37 =	vadd.s32 v29, v37;
	_ =	sdelay $0x3  }
0x1b6: {  	vm15 =	veq.s32 v27, $0x2  }
0x1b7: {  	p0 =	sne.s32 s12, $0x30;
	v27 =	vld.idx.msk [tilespmem:v37+s2+$0x0], $0xffff  }
.Ltmp0:
0x1b8: {  	_ = 	snop;
	(pc) =	sbr.rel @p0 .LBB2_2-.Ltmp0, $3  }
0x1b9: {  	_ =	sdelay $0x1  }
0x1ba: {  	v24 =	vadd.f32 v32, v24;
	v23 =	vadd.f32 v33, v23  }
0x1bb: {  	s12 =	sadd.s32 $0x1, s12;
	v22 =	vadd.f32 v34, v22;
	[tilespmem:v28+s9+$0x0] =	vst.idx.msk vm15, v29;
	v19 =	vadd.f32 v27, v19  }
0x1bc: {  	_ =	sdelay $0x3  }
0x1bd: {  	[tilespmem:v0+s10+$0x0] =	vst.idx.msk $0xffff, v24;
	v24 =	vld [tilespmem:$0x1FDB0]  }
0x1be: {  	v29 =	vld [tilespmem:$0x1FDF0]  }
0x1bf: {  	v38 =	vld [tilespmem:$0x1FE30];
	_ =	sdelay $0x5  }
0x1c0: {  	[tilespmem:v24+s10+$0x0] =	vst.idx.msk $0xffff, v23  }
0x1c1: {  	[tilespmem:v29+s10+$0x0] =	vst.idx.msk $0xffff, v22  }
0x1c2: {  	[tilespmem:v38+s10+$0x0] =	vst.idx.msk $0xffff, v19;
	v19 =	vimm.s32 $0x0  }
0x1c3: {  	[tilespmem:v0+s9+$0x0] =	vst.idx.msk $0xffff, v19  }
0x1c4: {  	[tilespmem:v2+s9+$0x0] =	vst.idx.msk $0xffff, v19  }
0x1c5: {  	[tilespmem:v3+s9+$0x0] =	vst.idx.msk $0xffff, v19  }
0x1c6: {  	v22 =	vimm.s32 $0x1;
	[tilespmem:v4+s9+$0x0] =	vst.idx.msk $0xffff, v19  }
0x1c7: {  	v23 =	vmov v24;
	[tilespmem:v24+s9+$0x0] =	vst.idx.msk $0xffff, v22;
	v24 =	vld [tilespmem:$0x1FDC0]  }
0x1c8: {  	v27 =	vld [tilespmem:$0x1FDD0]  }
0x1c9: {  	v28 =	vld [tilespmem:$0x1FDE0];
	_ =	sdelay $0x1  }
0x1ca: {  	v33 =	vld [tilespmem:$0x1FE00]  }
0x1cb: {  	v34 =	vld [tilespmem:$0x1FE10]  }
0x1cc: {  	v37 =	vld [tilespmem:$0x1FE20];
	_ =	sdelay $0x1  }
0x1cd: {  	v40 =	vld [tilespmem:$0x1FD10];
	[tilespmem:v24+s9+$0x0] =	vst.idx.msk $0xffff, v22  }
0x1ce: {  	[tilespmem:v27+s9+$0x0] =	vst.idx.msk $0xffff, v22  }
0x1cf: {  	v32 =	vimm.s32 $0x2;
	[tilespmem:v28+s9+$0x0] =	vst.idx.msk $0xffff, v22  }
0x1d0: {  	[tilespmem:v29+s9+$0x0] =	vst.idx.msk $0xffff, v32  }
0x1d1: {  	[tilespmem:v33+s9+$0x0] =	vst.idx.msk $0xffff, v32  }
0x1d2: {  	[tilespmem:v34+s9+$0x0] =	vst.idx.msk $0xffff, v32  }
0x1d3: {  	v42 =	vimm.s32 $0x3;
	[tilespmem:v37+s9+$0x0] =	vst.idx.msk $0xffff, v32  }
0x1d4: {  	[tilespmem:v38+s9+$0x0] =	vst.idx.msk $0xffff, v42  }
0x1d5: {  	[tilespmem:v40+s9+$0x0] =	vst.idx.msk $0xffff, v42;
	v40 =	vld [tilespmem:$0x1FE40]  }
0x1d6: {  	v5 =	vld [tilespmem:$0x1FE50];
	_ =	sdelay $0x6  }
0x1d7: {  	[tilespmem:v40+s9+$0x0] =	vst.idx.msk $0xffff, v42  }
0x1d8: {  	[tilespmem:v5+s9+$0x0] =	vst.idx.msk $0xffff, v42;
	v42 =	vld [tilespmem:$0x1FE60]  }
0x1d9: {  	v43 =	vld [tilespmem:$0x1FD20];
	_ =	sdelay $0x5  }
0x1da: {  	v44 =	vimm.s32 $0x4  }
0x1db: {  	[tilespmem:v42+s9+$0x0] =	vst.idx.msk $0xffff, v44  }
0x1dc: {  	[tilespmem:v43+s9+$0x0] =	vst.idx.msk $0xffff, v44;
	v43 =	vld [tilespmem:$0x1FE70]  }
0x1dd: {  	v5 =	vld [tilespmem:$0x1FE80];
	_ =	sdelay $0x6  }
0x1de: {  	[tilespmem:v43+s9+$0x0] =	vst.idx.msk $0xffff, v44  }
0x1df: {  	[tilespmem:v5+s9+$0x0] =	vst.idx.msk $0xffff, v44;
	v44 =	vld [tilespmem:$0x1FE90]  }
0x1e0: {  	v45 =	vld [tilespmem:$0x1FD30];
	_ =	sdelay $0x5  }
0x1e1: {  	v47 =	vimm.s32 $0x5  }
0x1e2: {  	[tilespmem:v44+s9+$0x0] =	vst.idx.msk $0xffff, v47  }
0x1e3: {  	[tilespmem:v45+s9+$0x0] =	vst.idx.msk $0xffff, v47;
	v45 =	vld [tilespmem:$0x1FEA0]  }
0x1e4: {  	v5 =	vld [tilespmem:$0x1FEB0];
	_ =	sdelay $0x6  }
0x1e5: {  	[tilespmem:v45+s9+$0x0] =	vst.idx.msk $0xffff, v47  }
0x1e6: {  	[tilespmem:v5+s9+$0x0] =	vst.idx.msk $0xffff, v47;
	v47 =	vld [tilespmem:$0x1FEC0]  }
0x1e7: {  	v48 =	vld [tilespmem:$0x1FD40];
	_ =	sdelay $0x5  }
0x1e8: {  	v49 =	vimm.s32 $0x6  }
0x1e9: {  	[tilespmem:v47+s9+$0x0] =	vst.idx.msk $0xffff, v49  }
0x1ea: {  	[tilespmem:v48+s9+$0x0] =	vst.idx.msk $0xffff, v49;
	v48 =	vld [tilespmem:$0x1FED0]  }
0x1eb: {  	v5 =	vld [tilespmem:$0x1FEE0];
	_ =	sdelay $0x6  }
0x1ec: {  	[tilespmem:v48+s9+$0x0] =	vst.idx.msk $0xffff, v49  }
0x1ed: {  	[tilespmem:v5+s9+$0x0] =	vst.idx.msk $0xffff, v49;
	v49 =	vld [tilespmem:$0x1FEF0]  }
0x1ee: {  	v50 =	vld [tilespmem:$0x1FD50];
	_ =	sdelay $0x5  }
0x1ef: {  	v52 =	vimm.s32 $0x7  }
0x1f0: {  	[tilespmem:v49+s9+$0x0] =	vst.idx.msk $0xffff, v52  }
0x1f1: {  	[tilespmem:v50+s9+$0x0] =	vst.idx.msk $0xffff, v52;
	v50 =	vld [tilespmem:$0x1FF00]  }
0x1f2: {  	v5 =	vld [tilespmem:$0x1FF10];
	_ =	sdelay $0x6  }
0x1f3: {  	[tilespmem:v50+s9+$0x0] =	vst.idx.msk $0xffff, v52  }
0x1f4: {  	[tilespmem:v5+s9+$0x0] =	vst.idx.msk $0xffff, v52;
	v52 =	vld [tilespmem:$0x1FF20]  }
0x1f5: {  	v53 =	vld [tilespmem:$0x1FD60];
	_ =	sdelay $0x5  }
0x1f6: {  	v54 =	vimm.s32 $0x8  }
0x1f7: {  	[tilespmem:v52+s9+$0x0] =	vst.idx.msk $0xffff, v54  }
0x1f8: {  	[tilespmem:v53+s9+$0x0] =	vst.idx.msk $0xffff, v54;
	v53 =	vld [tilespmem:$0x1FF30]  }
0x1f9: {  	v5 =	vld [tilespmem:$0x1FF40];
	_ =	sdelay $0x6  }
0x1fa: {  	[tilespmem:v53+s9+$0x0] =	vst.idx.msk $0xffff, v54  }
0x1fb: {  	[tilespmem:v5+s9+$0x0] =	vst.idx.msk $0xffff, v54;
	v54 =	vld [tilespmem:$0x1FF50]  }
0x1fc: {  	v55 =	vld [tilespmem:$0x1FD70];
	_ =	sdelay $0x5  }
0x1fd: {  	v57 =	vimm.s32 $0x9  }
0x1fe: {  	[tilespmem:v54+s9+$0x0] =	vst.idx.msk $0xffff, v57  }
0x1ff: {  	[tilespmem:v55+s9+$0x0] =	vst.idx.msk $0xffff, v57;
	v55 =	vld [tilespmem:$0x1FF60]  }
0x200: {  	v5 =	vld [tilespmem:$0x1FF70];
	_ =	sdelay $0x6  }
0x201: {  	[tilespmem:v55+s9+$0x0] =	vst.idx.msk $0xffff, v57  }
0x202: {  	[tilespmem:v5+s9+$0x0] =	vst.idx.msk $0xffff, v57;
	v57 =	vld [tilespmem:$0x1FF80]  }
0x203: {  	v58 =	vld [tilespmem:$0x1FD80];
	_ =	sdelay $0x5  }
0x204: {  	v59 =	vimm.s32 $0xA  }
0x205: {  	[tilespmem:v57+s9+$0x0] =	vst.idx.msk $0xffff, v59  }
0x206: {  	[tilespmem:v58+s9+$0x0] =	vst.idx.msk $0xffff, v59;
	v58 =	vld [tilespmem:$0x1FF90]  }
0x207: {  	v5 =	vld [tilespmem:$0x1FFA0];
	_ =	sdelay $0x6  }
0x208: {  	[tilespmem:v58+s9+$0x0] =	vst.idx.msk $0xffff, v59  }
0x209: {  	[tilespmem:v5+s9+$0x0] =	vst.idx.msk $0xffff, v59;
	v59 =	vld [tilespmem:$0x1FFB0]  }
0x20a: {  	v60 =	vld [tilespmem:$0x1FD90];
	_ =	sdelay $0x5  }
0x20b: {  	v62 =	vimm.s32 $0xB  }
0x20c: {  	[tilespmem:v59+s9+$0x0] =	vst.idx.msk $0xffff, v62  }
0x20d: {  	[tilespmem:v60+s9+$0x0] =	vst.idx.msk $0xffff, v62;
	v60 =	vld [tilespmem:$0x1FFC0]  }
0x20e: {  	v5 =	vld [tilespmem:$0x1FFD0];
	_ =	sdelay $0x6  }
0x20f: {  	[tilespmem:v60+s9+$0x0] =	vst.idx.msk $0xffff, v62  }
0x210: {  	[tilespmem:v5+s9+$0x0] =	vst.idx.msk $0xffff, v62;
	v62 =	vld [tilespmem:$0x1FFE0]  }
0x211: {  	v63 =	vld [tilespmem:$0x1FDA0];
	_ =	sdelay $0x5  }
0x212: {  	v39 =	vimm.s32 $0xC  }
0x213: {  	[tilespmem:v62+s9+$0x0] =	vst.idx.msk $0xffff, v39  }
0x214: {  	[tilespmem:v63+s9+$0x0] =	vst.idx.msk $0xffff, v39;
	v63 =	vld [tilespmem:$0x1FFF0]  }
0x215: {  	v5 =	vld [tilespmem:$0x1F550];
	_ =	sdelay $0x6  }
0x216: {  	[tilespmem:v63+s9+$0x0] =	vst.idx.msk $0xffff, v39  }
0x217: {  	[tilespmem:v5+s9+$0x0] =	vst.idx.msk $0xffff, v39;
	v5 =	vld [tilespmem:$0x1F560];
	_ =	sdelay $0x6  }
0x218: {  	v39 =	vimm.s32 $0xD  }
0x219: {  	[tilespmem:v5+s9+$0x0] =	vst.idx.msk $0xffff, v39;
	v5 =	vld [tilespmem:$0x1F570];
	_ =	sdelay $0x7  }
0x21a: {  	[tilespmem:v5+s9+$0x0] =	vst.idx.msk $0xffff, v39;
	v5 =	vld [tilespmem:$0x1F580];
	_ =	sdelay $0x7  }
0x21b: {  	[tilespmem:v5+s9+$0x0] =	vst.idx.msk $0xffff, v39;
	v5 =	vld [tilespmem:$0x1F590]  }
0x21c: {  	v10 =	vld [tilespmem:$0x1F5A0];
	_ =	sdelay $0x6  }
0x21d: {  	[tilespmem:v5+s9+$0x0] =	vst.idx.msk $0xffff, v39;
	v5 =	vimm.s32 $0xE  }
0x21e: {  	[tilespmem:v10+s9+$0x0] =	vst.idx.msk $0xffff, v5;
	v10 =	vld [tilespmem:$0x1F5B0];
	_ =	sdelay $0x7  }
0x21f: {  	[tilespmem:v10+s9+$0x0] =	vst.idx.msk $0xffff, v5;
	v10 =	vld [tilespmem:$0x1F5C0];
	_ =	sdelay $0x7  }
0x220: {  	[tilespmem:v10+s9+$0x0] =	vst.idx.msk $0xffff, v5;
	v10 =	vld [tilespmem:$0x1F5D0];
	_ =	sdelay $0x7  }
0x221: {  	[tilespmem:v10+s9+$0x0] =	vst.idx.msk $0xffff, v5;
	v10 =	vld [tilespmem:$0x1F5E0];
	_ =	sdelay $0x6  }
0x222: {  	v5 =	vimm.s32 $0xF  }
0x223: {  	[tilespmem:v10+s9+$0x0] =	vst.idx.msk $0xffff, v5;
	v10 =	vld [tilespmem:$0x1F5F0];
	_ =	sdelay $0x7  }
0x224: {  	[tilespmem:v10+s9+$0x0] =	vst.idx.msk $0xffff, v5;
	v10 =	vld [tilespmem:$0x1F600];
	_ =	sdelay $0x7  }
0x225: {  	[tilespmem:v10+s9+$0x0] =	vst.idx.msk $0xffff, v5;
	v10 =	vld [tilespmem:$0x1F610];
	_ =	sdelay $0x7  }
0x226: {  	[tilespmem:v10+s9+$0x0] =	vst.idx.msk $0xffff, v5;
	v10 =	vld [tilespmem:$0x1F620];
	_ =	sdelay $0x6  }
0x227: {  	v5 =	vimm.s32 $0x10  }
0x228: {  	[tilespmem:v10+s9+$0x0] =	vst.idx.msk $0xffff, v5;
	v10 =	vld [tilespmem:$0x1F630];
	_ =	sdelay $0x7  }
0x229: {  	[tilespmem:v10+s9+$0x0] =	vst.idx.msk $0xffff, v5;
	v10 =	vld [tilespmem:$0x1F640];
	_ =	sdelay $0x7  }
0x22a: {  	[tilespmem:v10+s9+$0x0] =	vst.idx.msk $0xffff, v5;
	v10 =	vld [tilespmem:$0x1F650];
	_ =	sdelay $0x7  }
0x22b: {  	[tilespmem:v10+s9+$0x0] =	vst.idx.msk $0xffff, v5;
	v10 =	vld [tilespmem:$0x1F660];
	_ =	sdelay $0x6  }
0x22c: {  	v5 =	vimm.s32 $0x11  }
0x22d: {  	[tilespmem:v10+s9+$0x0] =	vst.idx.msk $0xffff, v5;
	v10 =	vld [tilespmem:$0x1F670];
	_ =	sdelay $0x7  }
0x22e: {  	[tilespmem:v10+s9+$0x0] =	vst.idx.msk $0xffff, v5;
	v10 =	vld [tilespmem:$0x1F680];
	_ =	sdelay $0x7  }
0x22f: {  	[tilespmem:v10+s9+$0x0] =	vst.idx.msk $0xffff, v5;
	v10 =	vld [tilespmem:$0x1F690];
	_ =	sdelay $0x7  }
0x230: {  	[tilespmem:v10+s9+$0x0] =	vst.idx.msk $0xffff, v5;
	v10 =	vld [tilespmem:$0x1F6A0];
	_ =	sdelay $0x6  }
0x231: {  	v5 =	vimm.s32 $0x12  }
0x232: {  	[tilespmem:v10+s9+$0x0] =	vst.idx.msk $0xffff, v5;
	v10 =	vld [tilespmem:$0x1F6B0];
	_ =	sdelay $0x7  }
0x233: {  	[tilespmem:v10+s9+$0x0] =	vst.idx.msk $0xffff, v5;
	v10 =	vld [tilespmem:$0x1F6C0];
	_ =	sdelay $0x7  }
0x234: {  	[tilespmem:v10+s9+$0x0] =	vst.idx.msk $0xffff, v5;
	v10 =	vld [tilespmem:$0x1F6D0];
	_ =	sdelay $0x7  }
0x235: {  	[tilespmem:v10+s9+$0x0] =	vst.idx.msk $0xffff, v5;
	v10 =	vld [tilespmem:$0x1F6E0];
	_ =	sdelay $0x6  }
0x236: {  	v5 =	vimm.s32 $0x13  }
0x237: {  	[tilespmem:v10+s9+$0x0] =	vst.idx.msk $0xffff, v5;
	v10 =	vld [tilespmem:$0x1F6F0];
	_ =	sdelay $0x7  }
0x238: {  	[tilespmem:v10+s9+$0x0] =	vst.idx.msk $0xffff, v5;
	v10 =	vld [tilespmem:$0x1F700];
	_ =	sdelay $0x7  }
0x239: {  	[tilespmem:v10+s9+$0x0] =	vst.idx.msk $0xffff, v5;
	v10 =	vld [tilespmem:$0x1F710];
	_ =	sdelay $0x7  }
0x23a: {  	[tilespmem:v10+s9+$0x0] =	vst.idx.msk $0xffff, v5;
	v10 =	vld [tilespmem:$0x1F720];
	_ =	sdelay $0x6  }
0x23b: {  	v5 =	vimm.s32 $0x14  }
0x23c: {  	[tilespmem:v10+s9+$0x0] =	vst.idx.msk $0xffff, v5;
	v10 =	vld [tilespmem:$0x1F730];
	_ =	sdelay $0x7  }
0x23d: {  	[tilespmem:v10+s9+$0x0] =	vst.idx.msk $0xffff, v5;
	v10 =	vld [tilespmem:$0x1F740];
	_ =	sdelay $0x7  }
0x23e: {  	[tilespmem:v10+s9+$0x0] =	vst.idx.msk $0xffff, v5;
	v10 =	vld [tilespmem:$0x1F750];
	_ =	sdelay $0x7  }
0x23f: {  	[tilespmem:v10+s9+$0x0] =	vst.idx.msk $0xffff, v5;
	v10 =	vld [tilespmem:$0x1F760];
	_ =	sdelay $0x6  }
0x240: {  	v5 =	vimm.s32 $0x15  }
0x241: {  	[tilespmem:v10+s9+$0x0] =	vst.idx.msk $0xffff, v5;
	v10 =	vld [tilespmem:$0x1F770];
	_ =	sdelay $0x7  }
0x242: {  	[tilespmem:v10+s9+$0x0] =	vst.idx.msk $0xffff, v5;
	v10 =	vld [tilespmem:$0x1F780];
	_ =	sdelay $0x7  }
0x243: {  	[tilespmem:v10+s9+$0x0] =	vst.idx.msk $0xffff, v5;
	v10 =	vld [tilespmem:$0x1F790];
	_ =	sdelay $0x7  }
0x244: {  	[tilespmem:v10+s9+$0x0] =	vst.idx.msk $0xffff, v5;
	v10 =	vld [tilespmem:$0x1F7A0];
	_ =	sdelay $0x6  }
0x245: {  	v5 =	vimm.s32 $0x16  }
0x246: {  	[tilespmem:v10+s9+$0x0] =	vst.idx.msk $0xffff, v5;
	v10 =	vld [tilespmem:$0x1F7B0];
	_ =	sdelay $0x7  }
0x247: {  	[tilespmem:v10+s9+$0x0] =	vst.idx.msk $0xffff, v5;
	v10 =	vld [tilespmem:$0x1F7C0];
	_ =	sdelay $0x7  }
0x248: {  	[tilespmem:v10+s9+$0x0] =	vst.idx.msk $0xffff, v5;
	v10 =	vld [tilespmem:$0x1F7D0];
	_ =	sdelay $0x7  }
0x249: {  	[tilespmem:v10+s9+$0x0] =	vst.idx.msk $0xffff, v5;
	v10 =	vld [tilespmem:$0x1F7E0];
	_ =	sdelay $0x6  }
0x24a: {  	v5 =	vimm.s32 $0x17  }
0x24b: {  	[tilespmem:v10+s9+$0x0] =	vst.idx.msk $0xffff, v5;
	v10 =	vld [tilespmem:$0x1F7F0];
	_ =	sdelay $0x7  }
0x24c: {  	[tilespmem:v10+s9+$0x0] =	vst.idx.msk $0xffff, v5;
	v10 =	vld [tilespmem:$0x1F800];
	_ =	sdelay $0x7  }
0x24d: {  	[tilespmem:v10+s9+$0x0] =	vst.idx.msk $0xffff, v5;
	v10 =	vld [tilespmem:$0x1F810];
	_ =	sdelay $0x7  }
0x24e: {  	[tilespmem:v10+s9+$0x0] =	vst.idx.msk $0xffff, v5;
	v10 =	vld [tilespmem:$0x1F820];
	_ =	sdelay $0x6  }
0x24f: {  	v5 =	vimm.s32 $0x18  }
0x250: {  	[tilespmem:v10+s9+$0x0] =	vst.idx.msk $0xffff, v5;
	v10 =	vld [tilespmem:$0x1F830];
	_ =	sdelay $0x7  }
0x251: {  	[tilespmem:v10+s9+$0x0] =	vst.idx.msk $0xffff, v5;
	v10 =	vld [tilespmem:$0x1F840];
	_ =	sdelay $0x7  }
0x252: {  	[tilespmem:v10+s9+$0x0] =	vst.idx.msk $0xffff, v5;
	v10 =	vld [tilespmem:$0x1F850];
	_ =	sdelay $0x7  }
0x253: {  	[tilespmem:v10+s9+$0x0] =	vst.idx.msk $0xffff, v5;
	v10 =	vld [tilespmem:$0x1F860];
	_ =	sdelay $0x6  }
0x254: {  	v5 =	vimm.s32 $0x19  }
0x255: {  	[tilespmem:v10+s9+$0x0] =	vst.idx.msk $0xffff, v5;
	v10 =	vld [tilespmem:$0x1F870];
	_ =	sdelay $0x7  }
0x256: {  	[tilespmem:v10+s9+$0x0] =	vst.idx.msk $0xffff, v5;
	v10 =	vld [tilespmem:$0x1F880];
	_ =	sdelay $0x7  }
0x257: {  	[tilespmem:v10+s9+$0x0] =	vst.idx.msk $0xffff, v5;
	v10 =	vld [tilespmem:$0x1F890];
	_ =	sdelay $0x7  }
0x258: {  	[tilespmem:v10+s9+$0x0] =	vst.idx.msk $0xffff, v5;
	v10 =	vld [tilespmem:$0x1F8A0];
	_ =	sdelay $0x6  }
0x259: {  	v5 =	vimm.s32 $0x1A  }
0x25a: {  	[tilespmem:v10+s9+$0x0] =	vst.idx.msk $0xffff, v5;
	v10 =	vld [tilespmem:$0x1F8B0];
	_ =	sdelay $0x7  }
0x25b: {  	[tilespmem:v10+s9+$0x0] =	vst.idx.msk $0xffff, v5;
	v10 =	vld [tilespmem:$0x1F8C0];
	_ =	sdelay $0x7  }
0x25c: {  	[tilespmem:v10+s9+$0x0] =	vst.idx.msk $0xffff, v5;
	v10 =	vld [tilespmem:$0x1F8D0];
	_ =	sdelay $0x7  }
0x25d: {  	[tilespmem:v10+s9+$0x0] =	vst.idx.msk $0xffff, v5;
	v10 =	vld [tilespmem:$0x1F8E0];
	_ =	sdelay $0x6  }
0x25e: {  	v5 =	vimm.s32 $0x1B  }
0x25f: {  	[tilespmem:v10+s9+$0x0] =	vst.idx.msk $0xffff, v5;
	v10 =	vld [tilespmem:$0x1F8F0];
	_ =	sdelay $0x7  }
0x260: {  	[tilespmem:v10+s9+$0x0] =	vst.idx.msk $0xffff, v5;
	v10 =	vld [tilespmem:$0x1F900];
	_ =	sdelay $0x7  }
0x261: {  	[tilespmem:v10+s9+$0x0] =	vst.idx.msk $0xffff, v5;
	v10 =	vld [tilespmem:$0x1F910];
	_ =	sdelay $0x7  }
0x262: {  	[tilespmem:v10+s9+$0x0] =	vst.idx.msk $0xffff, v5;
	v10 =	vld [tilespmem:$0x1F920];
	_ =	sdelay $0x6  }
0x263: {  	v5 =	vimm.s32 $0x1C  }
0x264: {  	[tilespmem:v10+s9+$0x0] =	vst.idx.msk $0xffff, v5;
	v10 =	vld [tilespmem:$0x1F930];
	_ =	sdelay $0x7  }
0x265: {  	[tilespmem:v10+s9+$0x0] =	vst.idx.msk $0xffff, v5;
	v10 =	vld [tilespmem:$0x1F940];
	_ =	sdelay $0x7  }
0x266: {  	[tilespmem:v10+s9+$0x0] =	vst.idx.msk $0xffff, v5;
	v10 =	vld [tilespmem:$0x1F950];
	_ =	sdelay $0x7  }
0x267: {  	[tilespmem:v10+s9+$0x0] =	vst.idx.msk $0xffff, v5;
	v10 =	vld [tilespmem:$0x1F960];
	_ =	sdelay $0x6  }
0x268: {  	v5 =	vimm.s32 $0x1D  }
0x269: {  	[tilespmem:v10+s9+$0x0] =	vst.idx.msk $0xffff, v5;
	v10 =	vld [tilespmem:$0x1F970];
	_ =	sdelay $0x7  }
0x26a: {  	[tilespmem:v10+s9+$0x0] =	vst.idx.msk $0xffff, v5;
	v10 =	vld [tilespmem:$0x1F980];
	_ =	sdelay $0x7  }
0x26b: {  	[tilespmem:v10+s9+$0x0] =	vst.idx.msk $0xffff, v5;
	v10 =	vld [tilespmem:$0x1F990];
	_ =	sdelay $0x7  }
0x26c: {  	[tilespmem:v10+s9+$0x0] =	vst.idx.msk $0xffff, v5;
	v10 =	vld [tilespmem:$0x1F9A0];
	_ =	sdelay $0x6  }
0x26d: {  	v5 =	vimm.s32 $0x1E  }
0x26e: {  	[tilespmem:v10+s9+$0x0] =	vst.idx.msk $0xffff, v5;
	v10 =	vld [tilespmem:$0x1F9B0];
	_ =	sdelay $0x7  }
0x26f: {  	[tilespmem:v10+s9+$0x0] =	vst.idx.msk $0xffff, v5;
	v10 =	vld [tilespmem:$0x1F9C0];
	_ =	sdelay $0x7  }
0x270: {  	[tilespmem:v10+s9+$0x0] =	vst.idx.msk $0xffff, v5;
	v10 =	vld [tilespmem:$0x1F9D0];
	_ =	sdelay $0x7  }
0x271: {  	[tilespmem:v10+s9+$0x0] =	vst.idx.msk $0xffff, v5;
	v10 =	vld [tilespmem:$0x1F9E0];
	_ =	sdelay $0x6  }
0x272: {  	v5 =	vimm.s32 $0x1F  }
0x273: {  	[tilespmem:v10+s9+$0x0] =	vst.idx.msk $0xffff, v5;
	v10 =	vld [tilespmem:$0x1F9F0];
	_ =	sdelay $0x7  }
0x274: {  	[tilespmem:v10+s9+$0x0] =	vst.idx.msk $0xffff, v5;
	v10 =	vld [tilespmem:$0x1FA00];
	_ =	sdelay $0x7  }
0x275: {  	[tilespmem:v10+s9+$0x0] =	vst.idx.msk $0xffff, v5;
	v10 =	vld [tilespmem:$0x1FA10];
	_ =	sdelay $0x7  }
0x276: {  	[tilespmem:v10+s9+$0x0] =	vst.idx.msk $0xffff, v5;
	v10 =	vld [tilespmem:$0x1FA20];
	_ =	sdelay $0x6  }
0x277: {  	v5 =	vimm.s32 $0x20  }
0x278: {  	[tilespmem:v10+s9+$0x0] =	vst.idx.msk $0xffff, v5;
	v10 =	vld [tilespmem:$0x1FA30];
	_ =	sdelay $0x7  }
0x279: {  	[tilespmem:v10+s9+$0x0] =	vst.idx.msk $0xffff, v5;
	v10 =	vld [tilespmem:$0x1FA40];
	_ =	sdelay $0x7  }
0x27a: {  	[tilespmem:v10+s9+$0x0] =	vst.idx.msk $0xffff, v5;
	v10 =	vld [tilespmem:$0x1FA50];
	_ =	sdelay $0x7  }
0x27b: {  	[tilespmem:v10+s9+$0x0] =	vst.idx.msk $0xffff, v5;
	v10 =	vld [tilespmem:$0x1FA60];
	_ =	sdelay $0x6  }
0x27c: {  	v5 =	vimm.s32 $0x21  }
0x27d: {  	[tilespmem:v10+s9+$0x0] =	vst.idx.msk $0xffff, v5;
	v10 =	vld [tilespmem:$0x1FA70];
	_ =	sdelay $0x7  }
0x27e: {  	[tilespmem:v10+s9+$0x0] =	vst.idx.msk $0xffff, v5;
	v10 =	vld [tilespmem:$0x1FA80];
	_ =	sdelay $0x7  }
0x27f: {  	[tilespmem:v10+s9+$0x0] =	vst.idx.msk $0xffff, v5;
	v10 =	vld [tilespmem:$0x1FA90];
	_ =	sdelay $0x7  }
0x280: {  	[tilespmem:v10+s9+$0x0] =	vst.idx.msk $0xffff, v5;
	v10 =	vld [tilespmem:$0x1FAA0];
	_ =	sdelay $0x6  }
0x281: {  	v5 =	vimm.s32 $0x22  }
0x282: {  	[tilespmem:v10+s9+$0x0] =	vst.idx.msk $0xffff, v5;
	v10 =	vld [tilespmem:$0x1FAB0];
	_ =	sdelay $0x7  }
0x283: {  	[tilespmem:v10+s9+$0x0] =	vst.idx.msk $0xffff, v5;
	v10 =	vld [tilespmem:$0x1FAC0];
	_ =	sdelay $0x7  }
0x284: {  	[tilespmem:v10+s9+$0x0] =	vst.idx.msk $0xffff, v5;
	v10 =	vld [tilespmem:$0x1FAD0];
	_ =	sdelay $0x7  }
0x285: {  	[tilespmem:v10+s9+$0x0] =	vst.idx.msk $0xffff, v5;
	v10 =	vld [tilespmem:$0x1FAE0];
	_ =	sdelay $0x6  }
0x286: {  	v5 =	vimm.s32 $0x23  }
0x287: {  	[tilespmem:v10+s9+$0x0] =	vst.idx.msk $0xffff, v5;
	v10 =	vld [tilespmem:$0x1FAF0];
	_ =	sdelay $0x7  }
0x288: {  	[tilespmem:v10+s9+$0x0] =	vst.idx.msk $0xffff, v5;
	v10 =	vld [tilespmem:$0x1FB00];
	_ =	sdelay $0x7  }
0x289: {  	[tilespmem:v10+s9+$0x0] =	vst.idx.msk $0xffff, v5;
	v10 =	vld [tilespmem:$0x1FB10];
	_ =	sdelay $0x7  }
0x28a: {  	[tilespmem:v10+s9+$0x0] =	vst.idx.msk $0xffff, v5;
	v10 =	vld [tilespmem:$0x1FB20];
	_ =	sdelay $0x6  }
0x28b: {  	v5 =	vimm.s32 $0x24  }
0x28c: {  	[tilespmem:v10+s9+$0x0] =	vst.idx.msk $0xffff, v5;
	v10 =	vld [tilespmem:$0x1FB30];
	_ =	sdelay $0x7  }
0x28d: {  	[tilespmem:v10+s9+$0x0] =	vst.idx.msk $0xffff, v5;
	v10 =	vld [tilespmem:$0x1FB40];
	_ =	sdelay $0x7  }
0x28e: {  	[tilespmem:v10+s9+$0x0] =	vst.idx.msk $0xffff, v5;
	v10 =	vld [tilespmem:$0x1FB50];
	_ =	sdelay $0x7  }
0x28f: {  	[tilespmem:v10+s9+$0x0] =	vst.idx.msk $0xffff, v5;
	v10 =	vld [tilespmem:$0x1FB60];
	_ =	sdelay $0x6  }
0x290: {  	v5 =	vimm.s32 $0x25  }
0x291: {  	[tilespmem:v10+s9+$0x0] =	vst.idx.msk $0xffff, v5;
	v10 =	vld [tilespmem:$0x1FB70];
	_ =	sdelay $0x7  }
0x292: {  	[tilespmem:v10+s9+$0x0] =	vst.idx.msk $0xffff, v5;
	v10 =	vld [tilespmem:$0x1FB80];
	_ =	sdelay $0x7  }
0x293: {  	[tilespmem:v10+s9+$0x0] =	vst.idx.msk $0xffff, v5;
	v10 =	vld [tilespmem:$0x1FB90];
	_ =	sdelay $0x7  }
0x294: {  	[tilespmem:v10+s9+$0x0] =	vst.idx.msk $0xffff, v5;
	v10 =	vld [tilespmem:$0x1FBA0];
	_ =	sdelay $0x6  }
0x295: {  	v5 =	vimm.s32 $0x26  }
0x296: {  	[tilespmem:v10+s9+$0x0] =	vst.idx.msk $0xffff, v5;
	v10 =	vld [tilespmem:$0x1FBB0];
	_ =	sdelay $0x7  }
0x297: {  	[tilespmem:v10+s9+$0x0] =	vst.idx.msk $0xffff, v5;
	v10 =	vld [tilespmem:$0x1FBC0];
	_ =	sdelay $0x7  }
0x298: {  	[tilespmem:v10+s9+$0x0] =	vst.idx.msk $0xffff, v5;
	v10 =	vld [tilespmem:$0x1FBD0];
	_ =	sdelay $0x7  }
0x299: {  	[tilespmem:v10+s9+$0x0] =	vst.idx.msk $0xffff, v5;
	v10 =	vld [tilespmem:$0x1FBE0];
	_ =	sdelay $0x6  }
0x29a: {  	v5 =	vimm.s32 $0x27  }
0x29b: {  	[tilespmem:v10+s9+$0x0] =	vst.idx.msk $0xffff, v5;
	v10 =	vld [tilespmem:$0x1FBF0];
	_ =	sdelay $0x7  }
0x29c: {  	[tilespmem:v10+s9+$0x0] =	vst.idx.msk $0xffff, v5;
	v10 =	vld [tilespmem:$0x1FC00];
	_ =	sdelay $0x7  }
0x29d: {  	[tilespmem:v10+s9+$0x0] =	vst.idx.msk $0xffff, v5;
	v10 =	vld [tilespmem:$0x1FC10];
	_ =	sdelay $0x7  }
0x29e: {  	[tilespmem:v10+s9+$0x0] =	vst.idx.msk $0xffff, v5;
	v10 =	vld [tilespmem:$0x1FC20];
	_ =	sdelay $0x6  }
0x29f: {  	v5 =	vimm.s32 $0x28  }
0x2a0: {  	[tilespmem:v10+s9+$0x0] =	vst.idx.msk $0xffff, v5;
	v10 =	vld [tilespmem:$0x1FC30];
	_ =	sdelay $0x7  }
0x2a1: {  	[tilespmem:v10+s9+$0x0] =	vst.idx.msk $0xffff, v5;
	v10 =	vld [tilespmem:$0x1FC40];
	_ =	sdelay $0x7  }
0x2a2: {  	[tilespmem:v10+s9+$0x0] =	vst.idx.msk $0xffff, v5;
	v10 =	vld [tilespmem:$0x1FC50];
	_ =	sdelay $0x7  }
0x2a3: {  	[tilespmem:v10+s9+$0x0] =	vst.idx.msk $0xffff, v5;
	v10 =	vld [tilespmem:$0x1FC60];
	_ =	sdelay $0x6  }
0x2a4: {  	v5 =	vimm.s32 $0x29  }
0x2a5: {  	[tilespmem:v10+s9+$0x0] =	vst.idx.msk $0xffff, v5;
	v10 =	vld [tilespmem:$0x1FC70];
	_ =	sdelay $0x7  }
0x2a6: {  	[tilespmem:v10+s9+$0x0] =	vst.idx.msk $0xffff, v5;
	v10 =	vld [tilespmem:$0x1FC80];
	_ =	sdelay $0x7  }
0x2a7: {  	[tilespmem:v10+s9+$0x0] =	vst.idx.msk $0xffff, v5;
	v10 =	vld [tilespmem:$0x1FC90];
	_ =	sdelay $0x7  }
0x2a8: {  	[tilespmem:v10+s9+$0x0] =	vst.idx.msk $0xffff, v5;
	v10 =	vld [tilespmem:$0x1FCA0];
	_ =	sdelay $0x6  }
0x2a9: {  	v5 =	vimm.s32 $0x2A  }
0x2aa: {  	[tilespmem:v10+s9+$0x0] =	vst.idx.msk $0xffff, v5;
	v10 =	vld [tilespmem:$0x1FCB0];
	_ =	sdelay $0x7  }
0x2ab: {  	[tilespmem:v10+s9+$0x0] =	vst.idx.msk $0xffff, v5;
	v10 =	vld [tilespmem:$0x1FCC0];
	_ =	sdelay $0x7  }
0x2ac: {  	[tilespmem:v10+s9+$0x0] =	vst.idx.msk $0xffff, v5;
	v10 =	vld [tilespmem:$0x1FCD0];
	_ =	sdelay $0x7  }
0x2ad: {  	[tilespmem:v10+s9+$0x0] =	vst.idx.msk $0xffff, v5;
	v10 =	vld [tilespmem:$0x1FCE0];
	_ =	sdelay $0x6  }
0x2ae: {  	v5 =	vimm.s32 $0x2B  }
0x2af: {  	[tilespmem:v10+s9+$0x0] =	vst.idx.msk $0xffff, v5;
	v10 =	vld [tilespmem:$0x1FCF0];
	_ =	sdelay $0x7  }
0x2b0: {  	[tilespmem:v10+s9+$0x0] =	vst.idx.msk $0xffff, v5;
	v10 =	vld [tilespmem:$0x1FD00];
	_ =	sdelay $0x7  }
0x2b1: {  	[tilespmem:v10+s9+$0x0] =	vst.idx.msk $0xffff, v5  }
0x2b2: {  	[tilespmem:v15+s9+$0x0] =	vst.idx.msk $0xffff, v5;
	v5 =	vimm.s32 $0x2C  }
0x2b3: {  	[tilespmem:v20+s9+$0x0] =	vst.idx.msk $0xffff, v5  }
0x2b4: {  	[tilespmem:v25+s9+$0x0] =	vst.idx.msk $0xffff, v5  }
0x2b5: {  	[tilespmem:v30+s9+$0x0] =	vst.idx.msk $0xffff, v5  }
0x2b6: {  	[tilespmem:v35+s9+$0x0] =	vst.idx.msk $0xffff, v5;
	v5 =	vimm.s32 $0x2D  }
0x2b7: {  	[tilespmem:v1+s9+$0x0] =	vst.idx.msk $0xffff, v5  }
0x2b8: {  	[tilespmem:v11+s9+$0x0] =	vst.idx.msk $0xffff, v5  }
0x2b9: {  	[tilespmem:v16+s9+$0x0] =	vst.idx.msk $0xffff, v5  }
0x2ba: {  	v1 =	vimm.s32 $0x2E;
	[tilespmem:v21+s9+$0x0] =	vst.idx.msk $0xffff, v5  }
0x2bb: {  	[tilespmem:v26+s9+$0x0] =	vst.idx.msk $0xffff, v1  }
0x2bc: {  	[tilespmem:v31+s9+$0x0] =	vst.idx.msk $0xffff, v1  }
0x2bd: {  	[tilespmem:v36+s9+$0x0] =	vst.idx.msk $0xffff, v1  }
0x2be: {  	[tilespmem:v41+s9+$0x0] =	vst.idx.msk $0xffff, v1;
	v1 =	vimm.s32 $0x2F  }
0x2bf: {  	[tilespmem:v46+s9+$0x0] =	vst.idx.msk $0xffff, v1  }
0x2c0: {  	[tilespmem:v51+s9+$0x0] =	vst.idx.msk $0xffff, v1  }
0x2c1: {  	[tilespmem:v56+s9+$0x0] =	vst.idx.msk $0xffff, v1  }
0x2c2: {  	[tilespmem:v61+s9+$0x0] =	vst.idx.msk $0xffff, v1;
	v1 =	vimm.s32 $0x30  }
0x2c3: {  	[tilespmem:v7+s9+$0x0] =	vst.idx.msk $0xffff, v1  }
0x2c4: {  	[tilespmem:v8+s9+$0x0] =	vst.idx.msk $0xffff, v1  }
0x2c5: {  	[tilespmem:v9+s9+$0x0] =	vst.idx.msk $0xffff, v1  }
0x2c6: {  	v5 =	vimm.s32 $0x31;
	[tilespmem:v12+s9+$0x0] =	vst.idx.msk $0xffff, v1  }
0x2c7: {  	[tilespmem:v13+s9+$0x0] =	vst.idx.msk $0xffff, v5  }
0x2c8: {  	[tilespmem:v14+s9+$0x0] =	vst.idx.msk $0xffff, v5  }
0x2c9: {  	v7 =	vimm.f32 $0.0e+00;
	[tilespmem:v17+s9+$0x0] =	vst.idx.msk $0xffff, v5  }
0x2ca: {  	s12 =	simm.s32 $0xC40;
	v8 =	vimm.f32 $0.0e+00;
	v1 =	vimm.f32 $0.0e+00;
	[tilespmem:v18+s9+$0x0] =	vst.idx.msk $0xffff, v5;
	v5 =	vimm.f32 $0.0e+00  }
.LBB2_4:
0x2cb: {  	v9 =	vadd.s32 s12, v6;
	_ =	sdelay $0x4  }
0x2cc: {  	v9 =	vld.idx.msk [tilespmem:v9+s8+$0x0], $0xffff;
	_ =	sdelay $0x4  }
0x2cd: {  	v10 =	vshrl.u32 v9, $0x2  }
0x2ce: {  	v10 =	vand.u32 $0x3F0, v10  }
0x2cf: {  	v11 =	vshll.u32 v9, $0x4;
	v10 =	vor.u32 v0, v10  }
0x2d0: {  	v11 =	vor.u32 v0, v11  }
0x2d1: {  	v11 =	vand.u32 $0x3FF, v11;
	_ =	sdelay $0x2  }
0x2d2: {  	v12 =	vld.idx.msk [tilespmem:v10+s9+$0x0], $0xffff;
	_ =	sdelay $0x1  }
0x2d3: {  	v11 =	vld.idx.msk [tilespmem:v11+s9+$0x0], $0xffff;
	_ =	sdelay $0x1  }
0x2d4: {  	v9 =	vshra.s32 v9, $0xC  }
0x2d5: {  	v13 =	vshll.u32 v9, $0xD;
	v12 =	vshll.u32 v12, $0x7  }
0x2d6: {  	vm0 =	veq.s32 v9, $0x2;
	v12 =	vadd.s32 v12, v13  }
0x2d7: {  	s13 =	sadd.s32 $0x310, s12;
	v12 =	vadd.s32 v11, v12  }
0x2d8: {  	v9 =	vadd.s32 s13, v6;
	_ =	sdelay $0x3  }
0x2d9: {  	v12 =	vld.idx.msk [tilespmem:v12+s2+$0x0], $0xffff;
	[tilespmem:v10+s9+$0x0] =	vst.idx.msk vm0, v11  }
0x2da: {  	v9 =	vld.idx.msk [tilespmem:v9+s8+$0x0], $0xffff;
	_ =	sdelay $0x4  }
0x2db: {  	v10 =	vshrl.u32 v9, $0x2  }
0x2dc: {  	v10 =	vand.u32 $0x3F0, v10  }
0x2dd: {  	v11 =	vshll.u32 v9, $0x4;
	v10 =	vadd.s32 v2, v10  }
0x2de: {  	v11 =	vand.u32 $0x3F0, v11  }
0x2df: {  	v11 =	vadd.s32 v2, v11;
	_ =	sdelay $0x2  }
0x2e0: {  	v51 =	vld.idx.msk [tilespmem:v10+s9+$0x0], $0xffff;
	_ =	sdelay $0x1  }
0x2e1: {  	v11 =	vld.idx.msk [tilespmem:v11+s9+$0x0], $0xffff;
	_ =	sdelay $0x1  }
0x2e2: {  	v9 =	vshra.s32 v9, $0xC  }
0x2e3: {  	v14 =	vshll.u32 v9, $0xD;
	v13 =	vshll.u32 v51, $0x7  }
0x2e4: {  	vm13 =	veq.s32 v9, $0x2;
	v13 =	vadd.s32 v13, v14  }
0x2e5: {  	s30 =	sadd.s32 $0x620, s12;
	v13 =	vadd.s32 v11, v13  }
0x2e6: {  	v9 =	vadd.s32 s30, v6;
	_ =	sdelay $0x3  }
0x2e7: {  	v13 =	vld.idx.msk [tilespmem:v13+s2+$0x0], $0xffff;
	[tilespmem:v10+s9+$0x0] =	vst.idx.msk vm13, v11  }
0x2e8: {  	v9 =	vld.idx.msk [tilespmem:v9+s8+$0x0], $0xffff;
	_ =	sdelay $0x4  }
0x2e9: {  	v10 =	vshrl.u32 v9, $0x2  }
0x2ea: {  	v10 =	vand.u32 $0x3F0, v10  }
0x2eb: {  	v11 =	vshll.u32 v9, $0x4;
	v10 =	vadd.s32 v3, v10  }
0x2ec: {  	v11 =	vand.u32 $0x3F0, v11  }
0x2ed: {  	v11 =	vadd.s32 v3, v11;
	_ =	sdelay $0x2  }
0x2ee: {  	v56 =	vld.idx.msk [tilespmem:v10+s9+$0x0], $0xffff;
	_ =	sdelay $0x1  }
0x2ef: {  	v11 =	vld.idx.msk [tilespmem:v11+s9+$0x0], $0xffff;
	_ =	sdelay $0x1  }
0x2f0: {  	v9 =	vshra.s32 v9, $0xC  }
0x2f1: {  	v15 =	vshll.u32 v9, $0xD;
	v14 =	vshll.u32 v56, $0x7  }
0x2f2: {  	vm14 =	veq.s32 v9, $0x2;
	v14 =	vadd.s32 v14, v15  }
0x2f3: {  	s31 =	sadd.s32 $0x930, s12;
	v14 =	vadd.s32 v11, v14  }
0x2f4: {  	v9 =	vadd.s32 s31, v6;
	_ =	sdelay $0x3  }
0x2f5: {  	v14 =	vld.idx.msk [tilespmem:v14+s2+$0x0], $0xffff;
	[tilespmem:v10+s9+$0x0] =	vst.idx.msk vm14, v11  }
0x2f6: {  	v9 =	vld.idx.msk [tilespmem:v9+s8+$0x0], $0xffff;
	_ =	sdelay $0x4  }
0x2f7: {  	v10 =	vshrl.u32 v9, $0x2  }
0x2f8: {  	v10 =	vand.u32 $0x3F0, v10  }
0x2f9: {  	v11 =	vshll.u32 v9, $0x4;
	v10 =	vadd.s32 v4, v10  }
0x2fa: {  	v11 =	vand.u32 $0x3F0, v11  }
0x2fb: {  	v11 =	vadd.s32 v4, v11;
	_ =	sdelay $0x2  }
0x2fc: {  	v61 =	vld.idx.msk [tilespmem:v10+s9+$0x0], $0xffff;
	_ =	sdelay $0x1  }
0x2fd: {  	v11 =	vld.idx.msk [tilespmem:v11+s9+$0x0], $0xffff;
	_ =	sdelay $0x1  }
0x2fe: {  	v9 =	vshra.s32 v9, $0xC  }
0x2ff: {  	v16 =	vshll.u32 v9, $0xD;
	v15 =	vshll.u32 v61, $0x7  }
0x300: {  	v15 =	vadd.s32 v15, v16  }
0x301: {  	v15 =	vadd.s32 v11, v15;
	_ =	sdelay $0x3  }
0x302: {  	vm15 =	veq.s32 v9, $0x2  }
0x303: {  	p0 =	sne.s32 s12, $0xC70;
	v9 =	vld.idx.msk [tilespmem:v15+s2+$0x0], $0xffff  }
.Ltmp1:
0x304: {  	_ = 	snop;
	(pc) =	sbr.rel @p0 .LBB2_4-.Ltmp1, $3  }
0x305: {  	_ =	sdelay $0x1  }
0x306: {  	v8 =	vadd.f32 v12, v8;
	v7 =	vadd.f32 v13, v7  }
0x307: {  	s12 =	sadd.s32 $0x1, s12;
	v5 =	vadd.f32 v14, v5;
	[tilespmem:v10+s9+$0x0] =	vst.idx.msk vm15, v11;
	v1 =	vadd.f32 v9, v1  }
0x308: {  	_ =	sdelay $0x3  }
0x309: {  	[tilespmem:v42+s10+$0x0] =	vst.idx.msk $0xffff, v8  }
0x30a: {  	[tilespmem:v44+s10+$0x0] =	vst.idx.msk $0xffff, v7  }
0x30b: {  	[tilespmem:v47+s10+$0x0] =	vst.idx.msk $0xffff, v5  }
0x30c: {  	[tilespmem:v49+s10+$0x0] =	vst.idx.msk $0xffff, v1  }
0x30d: {  	[hbm4b:s5+s2] =	stream.linear.scatter [tilespmem:s10], [sflag:$0x1], $0x80, $0x38;
	[tilespmem:$0x8580] =	vst v63  }
0x30e: {  	_ =	swait.ge [sflag:s7], $0x80  }
0x30f: {  	v6 =	vld [tilespmem:$0x1FE50]  }
0x310: {  	v7 =	vld [tilespmem:$0x1FE80]  }
0x311: {  	s11 =	sadd.s32 $0x1, s11;
	v8 =	vld [tilespmem:$0x1FEB0]  }
0x312: {  	p0 =	sne.s32 s11, s6;
	v9 =	vld [tilespmem:$0x1FEE0]  }
.Ltmp2:
0x313: {  	v10 =	vld [tilespmem:$0x1FF10];
	(pc) =	sbr.rel @p0 .LBB2_1-.Ltmp2, $4  }
0x314: {  	v11 =	vld [tilespmem:$0x1FF40]  }
0x315: {  	v12 =	vld [tilespmem:$0x1FF70]  }
0x316: {  	[sflag:s7] =	ssyncset.done $0x0;
	v13 =	vld [tilespmem:$0x1FFA0]  }
0x317: {  	v14 =	vld [tilespmem:$0x1FFD0];
	[sflag:s7] =	ssyncadd.s32 $0xFFFFFF80  }
0x318: {  	_ =	sfence.sel $0x180000  }
0x319: {  	[bflag:$0x0] =	sbarrier.arrive $0xFFFF  }
0x31a: {  	p0 =	sne.s32 s0, $0x0;
	_ =	strace $0x90000047  }
0x31b: {  	s0 =	sadd.s32 @!p0 $0x100000, s1;
	[bflag:$0x2] =	sbarrier.arrive $0xFFFF  }
0x31c: {  	[sflag:s0] =	ssyncadd.tile.s32 @!p0 $0x1;
	_ =	shalt  }
.Lfunc_end2:
_tile_overlayer_lowered:
.L_overlay_start_2:
0x31d: {  	(tag) =	ssettag $0x2  }
0x31e: {  	s0 =	rddreg [dreg:$0x0];
	s2 =	stileid.u32  }
0x31f: {  	s1 =	rddreg [dreg:$0x1];
	p0 =	sne.s32 s2, $0x0  }
0x320: {  	s3 =	rddreg [dreg:$0x2];
	[bflag:$0x3] =	sbarrier.arrive $0xFFFF;
	s2 =	simm.s32 @!p0 $0x1C01  }
0x321: {  	[timem:s3], [sflag:s2] =	dma.local @!p0 [hbm:s0], s1  }
0x322: {  	s0 =	simm.s32 @!p0 $0x1  }
0x323: {  	_ =	swait.ge @!p0 [sflag:s0], s1  }
0x324: {  	s1 =	ssub.s32 @!p0 $0x0, s1;
	[sflag:s0] =	ssyncset.done @!p0 $0x0  }
0x325: {  	[sflag:s0] =	ssyncadd.s32 @!p0 s1  }
0x326: {  	[bflag:$0x3] =	sbarrier.arrive $0xFFFF  }
0x327: {  	_ =	shalt  }

</sc_bundles>
